<compile_context>
chip_gen: v7x
topology: tpu7x:2x2x1
jax: 0.10.2.dev20260603
libtpu: 0.0.44.dev20260713+nightly
codegen_flags: <defaults>
</compile_context>

<pallas_src>
import jax
import jax.numpy as jnp
from jax import lax
from jax.experimental import pallas as pl
from jax.experimental.pallas import tpu as pltpu
from jax.experimental.pallas import tpu_sc as plsc

_NSF = 26
_NDF = 13
_BATCH = 16384
_NC = 2
_NSUB = 16
_NW = _NC * _NSUB
_BPW = _BATCH // _NW
_L = 16
_NSL = _BPW // _L


def _sc_body(*refs):
    sparse = refs[:_NSF]
    dense = refs[_NSF:_NSF + _NDF]
    w_hbm = refs[_NSF + _NDF]
    tabs = refs[_NSF + _NDF + 1:_NSF + _NDF + 1 + _NSF]
    out_hbm = refs[_NSF + _NDF + 1 + _NSF]
    scratch = refs[_NSF + _NDF + 2 + _NSF:]
    idx_vs = scratch[:_NSF]
    vals_vs = scratch[_NSF:2 * _NSF]
    (dense_v, w_v, acc_v, sem_in, sem_aux, sem_g) = scratch[2 * _NSF:]

    wid = lax.axis_index("s") * _NC + lax.axis_index("c")
    base = wid * _BPW

    in_cps = [
        pltpu.make_async_copy(
            sparse[i].at[0, pl.ds(base, _BPW)], idx_vs[i], sem_in)
        for i in range(_NSF)
    ]
    aux_cps = [
        pltpu.make_async_copy(
            dense[j].at[:, pl.ds(base, _BPW)], dense_v.at[pl.ds(j, 1), :], sem_aux)
        for j in range(_NDF)
    ]
    aux_cps.append(pltpu.make_async_copy(w_hbm, w_v, sem_aux))
    for cp in in_cps:
        cp.start()
    for cp in aux_cps:
        cp.start()

    for cp in in_cps:
        cp.wait()
    g_cps = []
    for i in range(_NSF):
        cp = pltpu.make_async_copy(
            tabs[i].at[0].at[idx_vs[i]], vals_vs[i], sem_g)
        cp.start()
        g_cps.append(cp)

    for cp in aux_cps:
        cp.wait()

    def dense_body(s, carry):
        sl = pl.ds(s * _L, _L)
        a = w_v[_NSF + _NDF, :]
        for j in range(_NDF):
            a = a + dense_v[j, sl] * w_v[_NSF + j, :]
        acc_v[sl] = a
        return carry

    lax.fori_loop(0, _NSL, dense_body, 0, unroll=False)

    for cp in g_cps:
        cp.wait()

    def sparse_body(s, carry):
        sl = pl.ds(s * _L, _L)
        a = acc_v[sl]
        for i in range(_NSF):
            a = a + vals_vs[i][sl] * w_v[i, :]
        acc_v[sl] = a
        return carry

    lax.fori_loop(0, _NSL, sparse_body, 0, unroll=False)

    pltpu.sync_copy(acc_v, out_hbm.at[pl.ds(base, _BPW)])


_sc_call = pl.kernel(
    _sc_body,
    out_type=jax.ShapeDtypeStruct((_BATCH,), jnp.float32),
    mesh=plsc.VectorSubcoreMesh(core_axis_name="c", subcore_axis_name="s"),
    scratch_types=(
        [pltpu.VMEM((_BPW,), jnp.int32) for _ in range(_NSF)]
        + [pltpu.VMEM((_BPW,), jnp.float32) for _ in range(_NSF)]
        + [
            pltpu.VMEM((_NDF, _BPW), jnp.float32),
            pltpu.VMEM((_NSF + _NDF + 1, _L), jnp.float32),
            pltpu.VMEM((_BPW,), jnp.float32),
            pltpu.SemaphoreType.DMA,
            pltpu.SemaphoreType.DMA,
            pltpu.SemaphoreType.DMA,
        ]
    ),
    name="lr_layer_sc",
)


def kernel(sparse_0, sparse_1, sparse_2, sparse_3, sparse_4, sparse_5, sparse_6, sparse_7, sparse_8, sparse_9, sparse_10, sparse_11, sparse_12, sparse_13, sparse_14, sparse_15, sparse_16, sparse_17, sparse_18, sparse_19, sparse_20, sparse_21, sparse_22, sparse_23, sparse_24, sparse_25, dense_0, dense_1, dense_2, dense_3, dense_4, dense_5, dense_6, dense_7, dense_8, dense_9, dense_10, dense_11, dense_12, emb_0, emb_1, emb_2, emb_3, emb_4, emb_5, emb_6, emb_7, emb_8, emb_9, emb_10, emb_11, emb_12, emb_13, emb_14, emb_15, emb_16, emb_17, emb_18, emb_19, emb_20, emb_21, emb_22, emb_23, emb_24, emb_25, fc_W, fc_b):
    sparse = [sparse_0, sparse_1, sparse_2, sparse_3, sparse_4, sparse_5, sparse_6, sparse_7, sparse_8, sparse_9, sparse_10, sparse_11, sparse_12, sparse_13, sparse_14, sparse_15, sparse_16, sparse_17, sparse_18, sparse_19, sparse_20, sparse_21, sparse_22, sparse_23, sparse_24, sparse_25]
    dense = [dense_0, dense_1, dense_2, dense_3, dense_4, dense_5, dense_6, dense_7, dense_8, dense_9, dense_10, dense_11, dense_12]
    tables = [emb_0, emb_1, emb_2, emb_3, emb_4, emb_5, emb_6, emb_7, emb_8, emb_9, emb_10, emb_11, emb_12, emb_13, emb_14, emb_15, emb_16, emb_17, emb_18, emb_19, emb_20, emb_21, emb_22, emb_23, emb_24, emb_25]

    idx = [s.astype(jnp.int32).reshape(1, _BATCH) for s in sparse]
    dns = [d.astype(jnp.float32).reshape(1, _BATCH) for d in dense]
    w = jnp.concatenate([fc_W.reshape(-1), fc_b.reshape(-1)]).astype(jnp.float32)
    wrep = jnp.broadcast_to(w[:, None], (_NSF + _NDF + 1, _L))
    wide_tabs = [t.reshape(1, -1) for t in tables]

    out = _sc_call(*idx, *dns, wrep, *wide_tabs)
    return out.reshape(_BATCH, 1)

# --- scband reference (transcript-rebuilt; emitter-appended) ---
"""Pipeline reference for scband-lr-layer-67551245631679 (READ-ONLY COPY).

The authoritative reference and input builder live on the scoring server;
editing this copy changes nothing except your own understanding.
"""

import jax, jax.numpy as jnp
import numpy as np

N_SPARSE = 26
N_DENSE = 13
VOCAB = 1000000
BATCH = 16384
DNN_INPUT_DIM = N_SPARSE * 1 + N_DENSE  # 39


def setup_inputs(seed: int = 0) -> dict:
    key = jax.random.key(seed)
    inp = {}
    for i in range(N_SPARSE):
        inp[f"sparse_{i}"] = jax.random.randint(jax.random.fold_in(key, i), (BATCH,), 0, VOCAB)
    for i in range(N_DENSE):
        inp[f"dense_{i}"] = jax.random.uniform(jax.random.fold_in(key, 100 + i), (BATCH,), dtype=jnp.float32)
    # learned parameters: one embedding table per sparse field (embedding_dim=1) + final linear layer
    for i in range(N_SPARSE):
        inp[f"emb_{i}"] = jax.random.normal(jax.random.fold_in(key, 200 + i), (VOCAB, 1), dtype=jnp.float32) * 0.01
    inp["fc_W"] = jax.random.normal(jax.random.fold_in(key, 300), (1, DNN_INPUT_DIM), dtype=jnp.float32) * 0.1
    inp["fc_b"] = jnp.zeros((1,), dtype=jnp.float32)
    return inp


def reference(
    sparse_0, sparse_1, sparse_2, sparse_3, sparse_4, sparse_5, sparse_6,
    sparse_7, sparse_8, sparse_9, sparse_10, sparse_11, sparse_12, sparse_13,
    sparse_14, sparse_15, sparse_16, sparse_17, sparse_18, sparse_19,
    sparse_20, sparse_21, sparse_22, sparse_23, sparse_24, sparse_25,
    dense_0, dense_1, dense_2, dense_3, dense_4, dense_5, dense_6,
    dense_7, dense_8, dense_9, dense_10, dense_11, dense_12,
    emb_0, emb_1, emb_2, emb_3, emb_4, emb_5, emb_6,
    emb_7, emb_8, emb_9, emb_10, emb_11, emb_12, emb_13,
    emb_14, emb_15, emb_16, emb_17, emb_18, emb_19,
    emb_20, emb_21, emb_22, emb_23, emb_24, emb_25,
    fc_W, fc_b,
):
    inp = dict(locals())
    # EmbeddingLayer: per-field gather from its 1-dim embedding table -> list of [B, 1]
    sparse_emb = [jnp.take(inp[f"emb_{i}"], inp[f"sparse_{i}"], axis=0) for i in range(N_SPARSE)]
    # torch.stack(sparse_emb, dim=1).flatten(1) -> [B, 26]
    se = jnp.stack(sparse_emb, axis=1).reshape(BATCH, -1)
    # get_linear_input: concat dense features -> [B, 13]
    dense_input = jnp.stack([inp[f"dense_{i}"] for i in range(N_DENSE)], axis=1)
    dnn_input = jnp.concatenate([se, dense_input], axis=1)  # [B, 39]
    out = dnn_input @ inp["fc_W"].T + inp["fc_b"]  # [B, 1]
    return out

if __name__ == "__main__":
    import jax
    _d = setup_inputs()
    print(jax.jit(kernel)(*tuple(_d.values())))

</pallas_src>

<mosaic_0001>
#map = affine_map<(d0, d1) -> (0, 0)>
#map1 = affine_map<(d0, d1) -> (0)>
module attributes {stable_mosaic.version = 14 : i64} {
  func.func @lr_layer_sc(%arg0: i32, %arg1: i32, %arg2: memref<1x16384xi32, #tpu.memory_space<hbm>>, %arg3: memref<1x16384xi32, #tpu.memory_space<hbm>>, %arg4: memref<1x16384xi32, #tpu.memory_space<hbm>>, %arg5: memref<1x16384xi32, #tpu.memory_space<hbm>>, %arg6: memref<1x16384xi32, #tpu.memory_space<hbm>>, %arg7: memref<1x16384xi32, #tpu.memory_space<hbm>>, %arg8: memref<1x16384xi32, #tpu.memory_space<hbm>>, %arg9: memref<1x16384xi32, #tpu.memory_space<hbm>>, %arg10: memref<1x16384xi32, #tpu.memory_space<hbm>>, %arg11: memref<1x16384xi32, #tpu.memory_space<hbm>>, %arg12: memref<1x16384xi32, #tpu.memory_space<hbm>>, %arg13: memref<1x16384xi32, #tpu.memory_space<hbm>>, %arg14: memref<1x16384xi32, #tpu.memory_space<hbm>>, %arg15: memref<1x16384xi32, #tpu.memory_space<hbm>>, %arg16: memref<1x16384xi32, #tpu.memory_space<hbm>>, %arg17: memref<1x16384xi32, #tpu.memory_space<hbm>>, %arg18: memref<1x16384xi32, #tpu.memory_space<hbm>>, %arg19: memref<1x16384xi32, #tpu.memory_space<hbm>>, %arg20: memref<1x16384xi32, #tpu.memory_space<hbm>>, %arg21: memref<1x16384xi32, #tpu.memory_space<hbm>>, %arg22: memref<1x16384xi32, #tpu.memory_space<hbm>>, %arg23: memref<1x16384xi32, #tpu.memory_space<hbm>>, %arg24: memref<1x16384xi32, #tpu.memory_space<hbm>>, %arg25: memref<1x16384xi32, #tpu.memory_space<hbm>>, %arg26: memref<1x16384xi32, #tpu.memory_space<hbm>>, %arg27: memref<1x16384xi32, #tpu.memory_space<hbm>>, %arg28: memref<1x16384xf32, #tpu.memory_space<hbm>>, %arg29: memref<1x16384xf32, #tpu.memory_space<hbm>>, %arg30: memref<1x16384xf32, #tpu.memory_space<hbm>>, %arg31: memref<1x16384xf32, #tpu.memory_space<hbm>>, %arg32: memref<1x16384xf32, #tpu.memory_space<hbm>>, %arg33: memref<1x16384xf32, #tpu.memory_space<hbm>>, %arg34: memref<1x16384xf32, #tpu.memory_space<hbm>>, %arg35: memref<1x16384xf32, #tpu.memory_space<hbm>>, %arg36: memref<1x16384xf32, #tpu.memory_space<hbm>>, %arg37: memref<1x16384xf32, #tpu.memory_space<hbm>>, %arg38: memref<1x16384xf32, #tpu.memory_space<hbm>>, %arg39: memref<1x16384xf32, #tpu.memory_space<hbm>>, %arg40: memref<1x16384xf32, #tpu.memory_space<hbm>>, %arg41: memref<40x16xf32, #tpu.memory_space<hbm>>, %arg42: memref<1x1000000xf32, #tpu.memory_space<hbm>>, %arg43: memref<1x1000000xf32, #tpu.memory_space<hbm>>, %arg44: memref<1x1000000xf32, #tpu.memory_space<hbm>>, %arg45: memref<1x1000000xf32, #tpu.memory_space<hbm>>, %arg46: memref<1x1000000xf32, #tpu.memory_space<hbm>>, %arg47: memref<1x1000000xf32, #tpu.memory_space<hbm>>, %arg48: memref<1x1000000xf32, #tpu.memory_space<hbm>>, %arg49: memref<1x1000000xf32, #tpu.memory_space<hbm>>, %arg50: memref<1x1000000xf32, #tpu.memory_space<hbm>>, %arg51: memref<1x1000000xf32, #tpu.memory_space<hbm>>, %arg52: memref<1x1000000xf32, #tpu.memory_space<hbm>>, %arg53: memref<1x1000000xf32, #tpu.memory_space<hbm>>, %arg54: memref<1x1000000xf32, #tpu.memory_space<hbm>>, %arg55: memref<1x1000000xf32, #tpu.memory_space<hbm>>, %arg56: memref<1x1000000xf32, #tpu.memory_space<hbm>>, %arg57: memref<1x1000000xf32, #tpu.memory_space<hbm>>, %arg58: memref<1x1000000xf32, #tpu.memory_space<hbm>>, %arg59: memref<1x1000000xf32, #tpu.memory_space<hbm>>, %arg60: memref<1x1000000xf32, #tpu.memory_space<hbm>>, %arg61: memref<1x1000000xf32, #tpu.memory_space<hbm>>, %arg62: memref<1x1000000xf32, #tpu.memory_space<hbm>>, %arg63: memref<1x1000000xf32, #tpu.memory_space<hbm>>, %arg64: memref<1x1000000xf32, #tpu.memory_space<hbm>>, %arg65: memref<1x1000000xf32, #tpu.memory_space<hbm>>, %arg66: memref<1x1000000xf32, #tpu.memory_space<hbm>>, %arg67: memref<1x1000000xf32, #tpu.memory_space<hbm>>, %arg68: memref<16384xf32, #tpu.memory_space<hbm>>, %arg69: memref<512xi32, #tpu.memory_space<vmem>>, %arg70: memref<512xi32, #tpu.memory_space<vmem>>, %arg71: memref<512xi32, #tpu.memory_space<vmem>>, %arg72: memref<512xi32, #tpu.memory_space<vmem>>, %arg73: memref<512xi32, #tpu.memory_space<vmem>>, %arg74: memref<512xi32, #tpu.memory_space<vmem>>, %arg75: memref<512xi32, #tpu.memory_space<vmem>>, %arg76: memref<512xi32, #tpu.memory_space<vmem>>, %arg77: memref<512xi32, #tpu.memory_space<vmem>>, %arg78: memref<512xi32, #tpu.memory_space<vmem>>, %arg79: memref<512xi32, #tpu.memory_space<vmem>>, %arg80: memref<512xi32, #tpu.memory_space<vmem>>, %arg81: memref<512xi32, #tpu.memory_space<vmem>>, %arg82: memref<512xi32, #tpu.memory_space<vmem>>, %arg83: memref<512xi32, #tpu.memory_space<vmem>>, %arg84: memref<512xi32, #tpu.memory_space<vmem>>, %arg85: memref<512xi32, #tpu.memory_space<vmem>>, %arg86: memref<512xi32, #tpu.memory_space<vmem>>, %arg87: memref<512xi32, #tpu.memory_space<vmem>>, %arg88: memref<512xi32, #tpu.memory_space<vmem>>, %arg89: memref<512xi32, #tpu.memory_space<vmem>>, %arg90: memref<512xi32, #tpu.memory_space<vmem>>, %arg91: memref<512xi32, #tpu.memory_space<vmem>>, %arg92: memref<512xi32, #tpu.memory_space<vmem>>, %arg93: memref<512xi32, #tpu.memory_space<vmem>>, %arg94: memref<512xi32, #tpu.memory_space<vmem>>, %arg95: memref<512xf32, #tpu.memory_space<vmem>>, %arg96: memref<512xf32, #tpu.memory_space<vmem>>, %arg97: memref<512xf32, #tpu.memory_space<vmem>>, %arg98: memref<512xf32, #tpu.memory_space<vmem>>, %arg99: memref<512xf32, #tpu.memory_space<vmem>>, %arg100: memref<512xf32, #tpu.memory_space<vmem>>, %arg101: memref<512xf32, #tpu.memory_space<vmem>>, %arg102: memref<512xf32, #tpu.memory_space<vmem>>, %arg103: memref<512xf32, #tpu.memory_space<vmem>>, %arg104: memref<512xf32, #tpu.memory_space<vmem>>, %arg105: memref<512xf32, #tpu.memory_space<vmem>>, %arg106: memref<512xf32, #tpu.memory_space<vmem>>, %arg107: memref<512xf32, #tpu.memory_space<vmem>>, %arg108: memref<512xf32, #tpu.memory_space<vmem>>, %arg109: memref<512xf32, #tpu.memory_space<vmem>>, %arg110: memref<512xf32, #tpu.memory_space<vmem>>, %arg111: memref<512xf32, #tpu.memory_space<vmem>>, %arg112: memref<512xf32, #tpu.memory_space<vmem>>, %arg113: memref<512xf32, #tpu.memory_space<vmem>>, %arg114: memref<512xf32, #tpu.memory_space<vmem>>, %arg115: memref<512xf32, #tpu.memory_space<vmem>>, %arg116: memref<512xf32, #tpu.memory_space<vmem>>, %arg117: memref<512xf32, #tpu.memory_space<vmem>>, %arg118: memref<512xf32, #tpu.memory_space<vmem>>, %arg119: memref<512xf32, #tpu.memory_space<vmem>>, %arg120: memref<512xf32, #tpu.memory_space<vmem>>, %arg121: memref<13x512xf32, #tpu.memory_space<vmem>>, %arg122: memref<40x16xf32, #tpu.memory_space<vmem>>, %arg123: memref<512xf32, #tpu.memory_space<vmem>>, %arg124: memref<!tpu.dma_semaphore, #tpu.memory_space<semaphore_mem>>, %arg125: memref<!tpu.dma_semaphore, #tpu.memory_space<semaphore_mem>>, %arg126: memref<!tpu.dma_semaphore, #tpu.memory_space<semaphore_mem>>) attributes {dimension_semantics = [#tpu.dimension_semantics<core_parallel>, #tpu.dimension_semantics<subcore_parallel>], iteration_bounds = array<i64: 2, 16>, scalar_prefetch = 0 : i64, scratch_operands = 58 : i64, tpu.core_type = #tpu.core_type<sc_vector_subcore>, window_params = [{transform_indices = #map}, {transform_indices = #map}, {transform_indices = #map}, {transform_indices = #map}, {transform_indices = #map}, {transform_indices = #map}, {transform_indices = #map}, {transform_indices = #map}, {transform_indices = #map}, {transform_indices = #map}, {transform_indices = #map}, {transform_indices = #map}, {transform_indices = #map}, {transform_indices = #map}, {transform_indices = #map}, {transform_indices = #map}, {transform_indices = #map}, {transform_indices = #map}, {transform_indices = #map}, {transform_indices = #map}, {transform_indices = #map}, {transform_indices = #map}, {transform_indices = #map}, {transform_indices = #map}, {transform_indices = #map}, {transform_indices = #map}, {transform_indices = #map}, {transform_indices = #map}, {transform_indices = #map}, {transform_indices = #map}, {transform_indices = #map}, {transform_indices = #map}, {transform_indices = #map}, {transform_indices = #map}, {transform_indices = #map}, {transform_indices = #map}, {transform_indices = #map}, {transform_indices = #map}, {transform_indices = #map}, {transform_indices = #map}, {transform_indices = #map}, {transform_indices = #map}, {transform_indices = #map}, {transform_indices = #map}, {transform_indices = #map}, {transform_indices = #map}, {transform_indices = #map}, {transform_indices = #map}, {transform_indices = #map}, {transform_indices = #map}, {transform_indices = #map}, {transform_indices = #map}, {transform_indices = #map}, {transform_indices = #map}, {transform_indices = #map}, {transform_indices = #map}, {transform_indices = #map}, {transform_indices = #map}, {transform_indices = #map}, {transform_indices = #map}, {transform_indices = #map}, {transform_indices = #map}, {transform_indices = #map}, {transform_indices = #map}, {transform_indices = #map}, {transform_indices = #map}, {transform_indices = #map1}]} {
    %mul3A = arith.constant 2 : i32
    %mul3A_0 = arith.muli %arg1, %mul3A : i32
    %add3A = arith.addi %mul3A_0, %arg0 : i32
    %mul3A_1 = arith.constant 512 : i32
    %mul3A_2 = arith.muli %add3A, %mul3A_1 : i32
    %dma_start3A = arith.constant 0 : i32
    %dma_start3A_3 = tpu.memref_slice %arg2[%dma_start3A, %mul3A_2] : memref<1x16384xi32, #tpu.memory_space<hbm>> -> memref<1x512xi32, #tpu.memory_space<hbm>>
    %dma_start3A_4 = tpu.memref_squeeze %dma_start3A_3 : memref<1x512xi32, #tpu.memory_space<hbm>> -> memref<512xi32, #tpu.memory_space<hbm>>
    %dma_start3A_5 = tpu.memref_slice %arg2[%dma_start3A, %mul3A_2] : memref<1x16384xi32, #tpu.memory_space<hbm>> -> memref<1x512xi32, #tpu.memory_space<hbm>>
    %dma_start3A_6 = tpu.memref_squeeze %dma_start3A_5 : memref<1x512xi32, #tpu.memory_space<hbm>> -> memref<512xi32, #tpu.memory_space<hbm>>
    tpu.enqueue_dma source(%dma_start3A_6 : memref<512xi32, #tpu.memory_space<hbm>>) target(%arg69 : memref<512xi32, #tpu.memory_space<vmem>>) target_semaphore(%arg124 : memref<!tpu.dma_semaphore, #tpu.memory_space<semaphore_mem>>)
    %dma_start3A_7 = arith.constant 0 : i32
    %dma_start3A_8 = tpu.memref_slice %arg3[%dma_start3A_7, %mul3A_2] : memref<1x16384xi32, #tpu.memory_space<hbm>> -> memref<1x512xi32, #tpu.memory_space<hbm>>
    %dma_start3A_9 = tpu.memref_squeeze %dma_start3A_8 : memref<1x512xi32, #tpu.memory_space<hbm>> -> memref<512xi32, #tpu.memory_space<hbm>>
    %dma_start3A_10 = tpu.memref_slice %arg3[%dma_start3A_7, %mul3A_2] : memref<1x16384xi32, #tpu.memory_space<hbm>> -> memref<1x512xi32, #tpu.memory_space<hbm>>
    %dma_start3A_11 = tpu.memref_squeeze %dma_start3A_10 : memref<1x512xi32, #tpu.memory_space<hbm>> -> memref<512xi32, #tpu.memory_space<hbm>>
    tpu.enqueue_dma source(%dma_start3A_11 : memref<512xi32, #tpu.memory_space<hbm>>) target(%arg70 : memref<512xi32, #tpu.memory_space<vmem>>) target_semaphore(%arg124 : memref<!tpu.dma_semaphore, #tpu.memory_space<semaphore_mem>>)
    %dma_start3A_12 = arith.constant 0 : i32
    %dma_start3A_13 = tpu.memref_slice %arg4[%dma_start3A_12, %mul3A_2] : memref<1x16384xi32, #tpu.memory_space<hbm>> -> memref<1x512xi32, #tpu.memory_space<hbm>>
    %dma_start3A_14 = tpu.memref_squeeze %dma_start3A_13 : memref<1x512xi32, #tpu.memory_space<hbm>> -> memref<512xi32, #tpu.memory_space<hbm>>
    %dma_start3A_15 = tpu.memref_slice %arg4[%dma_start3A_12, %mul3A_2] : memref<1x16384xi32, #tpu.memory_space<hbm>> -> memref<1x512xi32, #tpu.memory_space<hbm>>
    %dma_start3A_16 = tpu.memref_squeeze %dma_start3A_15 : memref<1x512xi32, #tpu.memory_space<hbm>> -> memref<512xi32, #tpu.memory_space<hbm>>
    tpu.enqueue_dma source(%dma_start3A_16 : memref<512xi32, #tpu.memory_space<hbm>>) target(%arg71 : memref<512xi32, #tpu.memory_space<vmem>>) target_semaphore(%arg124 : memref<!tpu.dma_semaphore, #tpu.memory_space<semaphore_mem>>)
    %dma_start3A_17 = arith.constant 0 : i32
    %dma_start3A_18 = tpu.memref_slice %arg5[%dma_start3A_17, %mul3A_2] : memref<1x16384xi32, #tpu.memory_space<hbm>> -> memref<1x512xi32, #tpu.memory_space<hbm>>
    %dma_start3A_19 = tpu.memref_squeeze %dma_start3A_18 : memref<1x512xi32, #tpu.memory_space<hbm>> -> memref<512xi32, #tpu.memory_space<hbm>>
    %dma_start3A_20 = tpu.memref_slice %arg5[%dma_start3A_17, %mul3A_2] : memref<1x16384xi32, #tpu.memory_space<hbm>> -> memref<1x512xi32, #tpu.memory_space<hbm>>
    %dma_start3A_21 = tpu.memref_squeeze %dma_start3A_20 : memref<1x512xi32, #tpu.memory_space<hbm>> -> memref<512xi32, #tpu.memory_space<hbm>>
    tpu.enqueue_dma source(%dma_start3A_21 : memref<512xi32, #tpu.memory_space<hbm>>) target(%arg72 : memref<512xi32, #tpu.memory_space<vmem>>) target_semaphore(%arg124 : memref<!tpu.dma_semaphore, #tpu.memory_space<semaphore_mem>>)
    %dma_start3A_22 = arith.constant 0 : i32
    %dma_start3A_23 = tpu.memref_slice %arg6[%dma_start3A_22, %mul3A_2] : memref<1x16384xi32, #tpu.memory_space<hbm>> -> memref<1x512xi32, #tpu.memory_space<hbm>>
    %dma_start3A_24 = tpu.memref_squeeze %dma_start3A_23 : memref<1x512xi32, #tpu.memory_space<hbm>> -> memref<512xi32, #tpu.memory_space<hbm>>
    %dma_start3A_25 = tpu.memref_slice %arg6[%dma_start3A_22, %mul3A_2] : memref<1x16384xi32, #tpu.memory_space<hbm>> -> memref<1x512xi32, #tpu.memory_space<hbm>>
    %dma_start3A_26 = tpu.memref_squeeze %dma_start3A_25 : memref<1x512xi32, #tpu.memory_space<hbm>> -> memref<512xi32, #tpu.memory_space<hbm>>
    tpu.enqueue_dma source(%dma_start3A_26 : memref<512xi32, #tpu.memory_space<hbm>>) target(%arg73 : memref<512xi32, #tpu.memory_space<vmem>>) target_semaphore(%arg124 : memref<!tpu.dma_semaphore, #tpu.memory_space<semaphore_mem>>)
    %dma_start3A_27 = arith.constant 0 : i32
    %dma_start3A_28 = tpu.memref_slice %arg7[%dma_start3A_27, %mul3A_2] : memref<1x16384xi32, #tpu.memory_space<hbm>> -> memref<1x512xi32, #tpu.memory_space<hbm>>
    %dma_start3A_29 = tpu.memref_squeeze %dma_start3A_28 : memref<1x512xi32, #tpu.memory_space<hbm>> -> memref<512xi32, #tpu.memory_space<hbm>>
    %dma_start3A_30 = tpu.memref_slice %arg7[%dma_start3A_27, %mul3A_2] : memref<1x16384xi32, #tpu.memory_space<hbm>> -> memref<1x512xi32, #tpu.memory_space<hbm>>
    %dma_start3A_31 = tpu.memref_squeeze %dma_start3A_30 : memref<1x512xi32, #tpu.memory_space<hbm>> -> memref<512xi32, #tpu.memory_space<hbm>>
    tpu.enqueue_dma source(%dma_start3A_31 : memref<512xi32, #tpu.memory_space<hbm>>) target(%arg74 : memref<512xi32, #tpu.memory_space<vmem>>) target_semaphore(%arg124 : memref<!tpu.dma_semaphore, #tpu.memory_space<semaphore_mem>>)
    %dma_start3A_32 = arith.constant 0 : i32
    %dma_start3A_33 = tpu.memref_slice %arg8[%dma_start3A_32, %mul3A_2] : memref<1x16384xi32, #tpu.memory_space<hbm>> -> memref<1x512xi32, #tpu.memory_space<hbm>>
    %dma_start3A_34 = tpu.memref_squeeze %dma_start3A_33 : memref<1x512xi32, #tpu.memory_space<hbm>> -> memref<512xi32, #tpu.memory_space<hbm>>
    %dma_start3A_35 = tpu.memref_slice %arg8[%dma_start3A_32, %mul3A_2] : memref<1x16384xi32, #tpu.memory_space<hbm>> -> memref<1x512xi32, #tpu.memory_space<hbm>>
    %dma_start3A_36 = tpu.memref_squeeze %dma_start3A_35 : memref<1x512xi32, #tpu.memory_space<hbm>> -> memref<512xi32, #tpu.memory_space<hbm>>
    tpu.enqueue_dma source(%dma_start3A_36 : memref<512xi32, #tpu.memory_space<hbm>>) target(%arg75 : memref<512xi32, #tpu.memory_space<vmem>>) target_semaphore(%arg124 : memref<!tpu.dma_semaphore, #tpu.memory_space<semaphore_mem>>)
    %dma_start3A_37 = arith.constant 0 : i32
    %dma_start3A_38 = tpu.memref_slice %arg9[%dma_start3A_37, %mul3A_2] : memref<1x16384xi32, #tpu.memory_space<hbm>> -> memref<1x512xi32, #tpu.memory_space<hbm>>
    %dma_start3A_39 = tpu.memref_squeeze %dma_start3A_38 : memref<1x512xi32, #tpu.memory_space<hbm>> -> memref<512xi32, #tpu.memory_space<hbm>>
    %dma_start3A_40 = tpu.memref_slice %arg9[%dma_start3A_37, %mul3A_2] : memref<1x16384xi32, #tpu.memory_space<hbm>> -> memref<1x512xi32, #tpu.memory_space<hbm>>
    %dma_start3A_41 = tpu.memref_squeeze %dma_start3A_40 : memref<1x512xi32, #tpu.memory_space<hbm>> -> memref<512xi32, #tpu.memory_space<hbm>>
    tpu.enqueue_dma source(%dma_start3A_41 : memref<512xi32, #tpu.memory_space<hbm>>) target(%arg76 : memref<512xi32, #tpu.memory_space<vmem>>) target_semaphore(%arg124 : memref<!tpu.dma_semaphore, #tpu.memory_space<semaphore_mem>>)
    %dma_start3A_42 = arith.constant 0 : i32
    %dma_start3A_43 = tpu.memref_slice %arg10[%dma_start3A_42, %mul3A_2] : memref<1x16384xi32, #tpu.memory_space<hbm>> -> memref<1x512xi32, #tpu.memory_space<hbm>>
    %dma_start3A_44 = tpu.memref_squeeze %dma_start3A_43 : memref<1x512xi32, #tpu.memory_space<hbm>> -> memref<512xi32, #tpu.memory_space<hbm>>
    %dma_start3A_45 = tpu.memref_slice %arg10[%dma_start3A_42, %mul3A_2] : memref<1x16384xi32, #tpu.memory_space<hbm>> -> memref<1x512xi32, #tpu.memory_space<hbm>>
    %dma_start3A_46 = tpu.memref_squeeze %dma_start3A_45 : memref<1x512xi32, #tpu.memory_space<hbm>> -> memref<512xi32, #tpu.memory_space<hbm>>
    tpu.enqueue_dma source(%dma_start3A_46 : memref<512xi32, #tpu.memory_space<hbm>>) target(%arg77 : memref<512xi32, #tpu.memory_space<vmem>>) target_semaphore(%arg124 : memref<!tpu.dma_semaphore, #tpu.memory_space<semaphore_mem>>)
    %dma_start3A_47 = arith.constant 0 : i32
    %dma_start3A_48 = tpu.memref_slice %arg11[%dma_start3A_47, %mul3A_2] : memref<1x16384xi32, #tpu.memory_space<hbm>> -> memref<1x512xi32, #tpu.memory_space<hbm>>
    %dma_start3A_49 = tpu.memref_squeeze %dma_start3A_48 : memref<1x512xi32, #tpu.memory_space<hbm>> -> memref<512xi32, #tpu.memory_space<hbm>>
    %dma_start3A_50 = tpu.memref_slice %arg11[%dma_start3A_47, %mul3A_2] : memref<1x16384xi32, #tpu.memory_space<hbm>> -> memref<1x512xi32, #tpu.memory_space<hbm>>
    %dma_start3A_51 = tpu.memref_squeeze %dma_start3A_50 : memref<1x512xi32, #tpu.memory_space<hbm>> -> memref<512xi32, #tpu.memory_space<hbm>>
    tpu.enqueue_dma source(%dma_start3A_51 : memref<512xi32, #tpu.memory_space<hbm>>) target(%arg78 : memref<512xi32, #tpu.memory_space<vmem>>) target_semaphore(%arg124 : memref<!tpu.dma_semaphore, #tpu.memory_space<semaphore_mem>>)
    %dma_start3A_52 = arith.constant 0 : i32
    %dma_start3A_53 = tpu.memref_slice %arg12[%dma_start3A_52, %mul3A_2] : memref<1x16384xi32, #tpu.memory_space<hbm>> -> memref<1x512xi32, #tpu.memory_space<hbm>>
    %dma_start3A_54 = tpu.memref_squeeze %dma_start3A_53 : memref<1x512xi32, #tpu.memory_space<hbm>> -> memref<512xi32, #tpu.memory_space<hbm>>
    %dma_start3A_55 = tpu.memref_slice %arg12[%dma_start3A_52, %mul3A_2] : memref<1x16384xi32, #tpu.memory_space<hbm>> -> memref<1x512xi32, #tpu.memory_space<hbm>>
    %dma_start3A_56 = tpu.memref_squeeze %dma_start3A_55 : memref<1x512xi32, #tpu.memory_space<hbm>> -> memref<512xi32, #tpu.memory_space<hbm>>
    tpu.enqueue_dma source(%dma_start3A_56 : memref<512xi32, #tpu.memory_space<hbm>>) target(%arg79 : memref<512xi32, #tpu.memory_space<vmem>>) target_semaphore(%arg124 : memref<!tpu.dma_semaphore, #tpu.memory_space<semaphore_mem>>)
    %dma_start3A_57 = arith.constant 0 : i32
    %dma_start3A_58 = tpu.memref_slice %arg13[%dma_start3A_57, %mul3A_2] : memref<1x16384xi32, #tpu.memory_space<hbm>> -> memref<1x512xi32, #tpu.memory_space<hbm>>
    %dma_start3A_59 = tpu.memref_squeeze %dma_start3A_58 : memref<1x512xi32, #tpu.memory_space<hbm>> -> memref<512xi32, #tpu.memory_space<hbm>>
    %dma_start3A_60 = tpu.memref_slice %arg13[%dma_start3A_57, %mul3A_2] : memref<1x16384xi32, #tpu.memory_space<hbm>> -> memref<1x512xi32, #tpu.memory_space<hbm>>
    %dma_start3A_61 = tpu.memref_squeeze %dma_start3A_60 : memref<1x512xi32, #tpu.memory_space<hbm>> -> memref<512xi32, #tpu.memory_space<hbm>>
    tpu.enqueue_dma source(%dma_start3A_61 : memref<512xi32, #tpu.memory_space<hbm>>) target(%arg80 : memref<512xi32, #tpu.memory_space<vmem>>) target_semaphore(%arg124 : memref<!tpu.dma_semaphore, #tpu.memory_space<semaphore_mem>>)
    %dma_start3A_62 = arith.constant 0 : i32
    %dma_start3A_63 = tpu.memref_slice %arg14[%dma_start3A_62, %mul3A_2] : memref<1x16384xi32, #tpu.memory_space<hbm>> -> memref<1x512xi32, #tpu.memory_space<hbm>>
    %dma_start3A_64 = tpu.memref_squeeze %dma_start3A_63 : memref<1x512xi32, #tpu.memory_space<hbm>> -> memref<512xi32, #tpu.memory_space<hbm>>
    %dma_start3A_65 = tpu.memref_slice %arg14[%dma_start3A_62, %mul3A_2] : memref<1x16384xi32, #tpu.memory_space<hbm>> -> memref<1x512xi32, #tpu.memory_space<hbm>>
    %dma_start3A_66 = tpu.memref_squeeze %dma_start3A_65 : memref<1x512xi32, #tpu.memory_space<hbm>> -> memref<512xi32, #tpu.memory_space<hbm>>
    tpu.enqueue_dma source(%dma_start3A_66 : memref<512xi32, #tpu.memory_space<hbm>>) target(%arg81 : memref<512xi32, #tpu.memory_space<vmem>>) target_semaphore(%arg124 : memref<!tpu.dma_semaphore, #tpu.memory_space<semaphore_mem>>)
    %dma_start3A_67 = arith.constant 0 : i32
    %dma_start3A_68 = tpu.memref_slice %arg15[%dma_start3A_67, %mul3A_2] : memref<1x16384xi32, #tpu.memory_space<hbm>> -> memref<1x512xi32, #tpu.memory_space<hbm>>
    %dma_start3A_69 = tpu.memref_squeeze %dma_start3A_68 : memref<1x512xi32, #tpu.memory_space<hbm>> -> memref<512xi32, #tpu.memory_space<hbm>>
    %dma_start3A_70 = tpu.memref_slice %arg15[%dma_start3A_67, %mul3A_2] : memref<1x16384xi32, #tpu.memory_space<hbm>> -> memref<1x512xi32, #tpu.memory_space<hbm>>
    %dma_start3A_71 = tpu.memref_squeeze %dma_start3A_70 : memref<1x512xi32, #tpu.memory_space<hbm>> -> memref<512xi32, #tpu.memory_space<hbm>>
    tpu.enqueue_dma source(%dma_start3A_71 : memref<512xi32, #tpu.memory_space<hbm>>) target(%arg82 : memref<512xi32, #tpu.memory_space<vmem>>) target_semaphore(%arg124 : memref<!tpu.dma_semaphore, #tpu.memory_space<semaphore_mem>>)
    %dma_start3A_72 = arith.constant 0 : i32
    %dma_start3A_73 = tpu.memref_slice %arg16[%dma_start3A_72, %mul3A_2] : memref<1x16384xi32, #tpu.memory_space<hbm>> -> memref<1x512xi32, #tpu.memory_space<hbm>>
    %dma_start3A_74 = tpu.memref_squeeze %dma_start3A_73 : memref<1x512xi32, #tpu.memory_space<hbm>> -> memref<512xi32, #tpu.memory_space<hbm>>
    %dma_start3A_75 = tpu.memref_slice %arg16[%dma_start3A_72, %mul3A_2] : memref<1x16384xi32, #tpu.memory_space<hbm>> -> memref<1x512xi32, #tpu.memory_space<hbm>>
    %dma_start3A_76 = tpu.memref_squeeze %dma_start3A_75 : memref<1x512xi32, #tpu.memory_space<hbm>> -> memref<512xi32, #tpu.memory_space<hbm>>
    tpu.enqueue_dma source(%dma_start3A_76 : memref<512xi32, #tpu.memory_space<hbm>>) target(%arg83 : memref<512xi32, #tpu.memory_space<vmem>>) target_semaphore(%arg124 : memref<!tpu.dma_semaphore, #tpu.memory_space<semaphore_mem>>)
    %dma_start3A_77 = arith.constant 0 : i32
    %dma_start3A_78 = tpu.memref_slice %arg17[%dma_start3A_77, %mul3A_2] : memref<1x16384xi32, #tpu.memory_space<hbm>> -> memref<1x512xi32, #tpu.memory_space<hbm>>
    %dma_start3A_79 = tpu.memref_squeeze %dma_start3A_78 : memref<1x512xi32, #tpu.memory_space<hbm>> -> memref<512xi32, #tpu.memory_space<hbm>>
    %dma_start3A_80 = tpu.memref_slice %arg17[%dma_start3A_77, %mul3A_2] : memref<1x16384xi32, #tpu.memory_space<hbm>> -> memref<1x512xi32, #tpu.memory_space<hbm>>
    %dma_start3A_81 = tpu.memref_squeeze %dma_start3A_80 : memref<1x512xi32, #tpu.memory_space<hbm>> -> memref<512xi32, #tpu.memory_space<hbm>>
    tpu.enqueue_dma source(%dma_start3A_81 : memref<512xi32, #tpu.memory_space<hbm>>) target(%arg84 : memref<512xi32, #tpu.memory_space<vmem>>) target_semaphore(%arg124 : memref<!tpu.dma_semaphore, #tpu.memory_space<semaphore_mem>>)
    %dma_start3A_82 = arith.constant 0 : i32
    %dma_start3A_83 = tpu.memref_slice %arg18[%dma_start3A_82, %mul3A_2] : memref<1x16384xi32, #tpu.memory_space<hbm>> -> memref<1x512xi32, #tpu.memory_space<hbm>>
    %dma_start3A_84 = tpu.memref_squeeze %dma_start3A_83 : memref<1x512xi32, #tpu.memory_space<hbm>> -> memref<512xi32, #tpu.memory_space<hbm>>
    %dma_start3A_85 = tpu.memref_slice %arg18[%dma_start3A_82, %mul3A_2] : memref<1x16384xi32, #tpu.memory_space<hbm>> -> memref<1x512xi32, #tpu.memory_space<hbm>>
    %dma_start3A_86 = tpu.memref_squeeze %dma_start3A_85 : memref<1x512xi32, #tpu.memory_space<hbm>> -> memref<512xi32, #tpu.memory_space<hbm>>
    tpu.enqueue_dma source(%dma_start3A_86 : memref<512xi32, #tpu.memory_space<hbm>>) target(%arg85 : memref<512xi32, #tpu.memory_space<vmem>>) target_semaphore(%arg124 : memref<!tpu.dma_semaphore, #tpu.memory_space<semaphore_mem>>)
    %dma_start3A_87 = arith.constant 0 : i32
    %dma_start3A_88 = tpu.memref_slice %arg19[%dma_start3A_87, %mul3A_2] : memref<1x16384xi32, #tpu.memory_space<hbm>> -> memref<1x512xi32, #tpu.memory_space<hbm>>
    %dma_start3A_89 = tpu.memref_squeeze %dma_start3A_88 : memref<1x512xi32, #tpu.memory_space<hbm>> -> memref<512xi32, #tpu.memory_space<hbm>>
    %dma_start3A_90 = tpu.memref_slice %arg19[%dma_start3A_87, %mul3A_2] : memref<1x16384xi32, #tpu.memory_space<hbm>> -> memref<1x512xi32, #tpu.memory_space<hbm>>
    %dma_start3A_91 = tpu.memref_squeeze %dma_start3A_90 : memref<1x512xi32, #tpu.memory_space<hbm>> -> memref<512xi32, #tpu.memory_space<hbm>>
    tpu.enqueue_dma source(%dma_start3A_91 : memref<512xi32, #tpu.memory_space<hbm>>) target(%arg86 : memref<512xi32, #tpu.memory_space<vmem>>) target_semaphore(%arg124 : memref<!tpu.dma_semaphore, #tpu.memory_space<semaphore_mem>>)
    %dma_start3A_92 = arith.constant 0 : i32
    %dma_start3A_93 = tpu.memref_slice %arg20[%dma_start3A_92, %mul3A_2] : memref<1x16384xi32, #tpu.memory_space<hbm>> -> memref<1x512xi32, #tpu.memory_space<hbm>>
    %dma_start3A_94 = tpu.memref_squeeze %dma_start3A_93 : memref<1x512xi32, #tpu.memory_space<hbm>> -> memref<512xi32, #tpu.memory_space<hbm>>
    %dma_start3A_95 = tpu.memref_slice %arg20[%dma_start3A_92, %mul3A_2] : memref<1x16384xi32, #tpu.memory_space<hbm>> -> memref<1x512xi32, #tpu.memory_space<hbm>>
    %dma_start3A_96 = tpu.memref_squeeze %dma_start3A_95 : memref<1x512xi32, #tpu.memory_space<hbm>> -> memref<512xi32, #tpu.memory_space<hbm>>
    tpu.enqueue_dma source(%dma_start3A_96 : memref<512xi32, #tpu.memory_space<hbm>>) target(%arg87 : memref<512xi32, #tpu.memory_space<vmem>>) target_semaphore(%arg124 : memref<!tpu.dma_semaphore, #tpu.memory_space<semaphore_mem>>)
    %dma_start3A_97 = arith.constant 0 : i32
    %dma_start3A_98 = tpu.memref_slice %arg21[%dma_start3A_97, %mul3A_2] : memref<1x16384xi32, #tpu.memory_space<hbm>> -> memref<1x512xi32, #tpu.memory_space<hbm>>
    %dma_start3A_99 = tpu.memref_squeeze %dma_start3A_98 : memref<1x512xi32, #tpu.memory_space<hbm>> -> memref<512xi32, #tpu.memory_space<hbm>>
    %dma_start3A_100 = tpu.memref_slice %arg21[%dma_start3A_97, %mul3A_2] : memref<1x16384xi32, #tpu.memory_space<hbm>> -> memref<1x512xi32, #tpu.memory_space<hbm>>
    %dma_start3A_101 = tpu.memref_squeeze %dma_start3A_100 : memref<1x512xi32, #tpu.memory_space<hbm>> -> memref<512xi32, #tpu.memory_space<hbm>>
    tpu.enqueue_dma source(%dma_start3A_101 : memref<512xi32, #tpu.memory_space<hbm>>) target(%arg88 : memref<512xi32, #tpu.memory_space<vmem>>) target_semaphore(%arg124 : memref<!tpu.dma_semaphore, #tpu.memory_space<semaphore_mem>>)
    %dma_start3A_102 = arith.constant 0 : i32
    %dma_start3A_103 = tpu.memref_slice %arg22[%dma_start3A_102, %mul3A_2] : memref<1x16384xi32, #tpu.memory_space<hbm>> -> memref<1x512xi32, #tpu.memory_space<hbm>>
    %dma_start3A_104 = tpu.memref_squeeze %dma_start3A_103 : memref<1x512xi32, #tpu.memory_space<hbm>> -> memref<512xi32, #tpu.memory_space<hbm>>
    %dma_start3A_105 = tpu.memref_slice %arg22[%dma_start3A_102, %mul3A_2] : memref<1x16384xi32, #tpu.memory_space<hbm>> -> memref<1x512xi32, #tpu.memory_space<hbm>>
    %dma_start3A_106 = tpu.memref_squeeze %dma_start3A_105 : memref<1x512xi32, #tpu.memory_space<hbm>> -> memref<512xi32, #tpu.memory_space<hbm>>
    tpu.enqueue_dma source(%dma_start3A_106 : memref<512xi32, #tpu.memory_space<hbm>>) target(%arg89 : memref<512xi32, #tpu.memory_space<vmem>>) target_semaphore(%arg124 : memref<!tpu.dma_semaphore, #tpu.memory_space<semaphore_mem>>)
    %dma_start3A_107 = arith.constant 0 : i32
    %dma_start3A_108 = tpu.memref_slice %arg23[%dma_start3A_107, %mul3A_2] : memref<1x16384xi32, #tpu.memory_space<hbm>> -> memref<1x512xi32, #tpu.memory_space<hbm>>
    %dma_start3A_109 = tpu.memref_squeeze %dma_start3A_108 : memref<1x512xi32, #tpu.memory_space<hbm>> -> memref<512xi32, #tpu.memory_space<hbm>>
    %dma_start3A_110 = tpu.memref_slice %arg23[%dma_start3A_107, %mul3A_2] : memref<1x16384xi32, #tpu.memory_space<hbm>> -> memref<1x512xi32, #tpu.memory_space<hbm>>
    %dma_start3A_111 = tpu.memref_squeeze %dma_start3A_110 : memref<1x512xi32, #tpu.memory_space<hbm>> -> memref<512xi32, #tpu.memory_space<hbm>>
    tpu.enqueue_dma source(%dma_start3A_111 : memref<512xi32, #tpu.memory_space<hbm>>) target(%arg90 : memref<512xi32, #tpu.memory_space<vmem>>) target_semaphore(%arg124 : memref<!tpu.dma_semaphore, #tpu.memory_space<semaphore_mem>>)
    %dma_start3A_112 = arith.constant 0 : i32
    %dma_start3A_113 = tpu.memref_slice %arg24[%dma_start3A_112, %mul3A_2] : memref<1x16384xi32, #tpu.memory_space<hbm>> -> memref<1x512xi32, #tpu.memory_space<hbm>>
    %dma_start3A_114 = tpu.memref_squeeze %dma_start3A_113 : memref<1x512xi32, #tpu.memory_space<hbm>> -> memref<512xi32, #tpu.memory_space<hbm>>
    %dma_start3A_115 = tpu.memref_slice %arg24[%dma_start3A_112, %mul3A_2] : memref<1x16384xi32, #tpu.memory_space<hbm>> -> memref<1x512xi32, #tpu.memory_space<hbm>>
    %dma_start3A_116 = tpu.memref_squeeze %dma_start3A_115 : memref<1x512xi32, #tpu.memory_space<hbm>> -> memref<512xi32, #tpu.memory_space<hbm>>
    tpu.enqueue_dma source(%dma_start3A_116 : memref<512xi32, #tpu.memory_space<hbm>>) target(%arg91 : memref<512xi32, #tpu.memory_space<vmem>>) target_semaphore(%arg124 : memref<!tpu.dma_semaphore, #tpu.memory_space<semaphore_mem>>)
    %dma_start3A_117 = arith.constant 0 : i32
    %dma_start3A_118 = tpu.memref_slice %arg25[%dma_start3A_117, %mul3A_2] : memref<1x16384xi32, #tpu.memory_space<hbm>> -> memref<1x512xi32, #tpu.memory_space<hbm>>
    %dma_start3A_119 = tpu.memref_squeeze %dma_start3A_118 : memref<1x512xi32, #tpu.memory_space<hbm>> -> memref<512xi32, #tpu.memory_space<hbm>>
    %dma_start3A_120 = tpu.memref_slice %arg25[%dma_start3A_117, %mul3A_2] : memref<1x16384xi32, #tpu.memory_space<hbm>> -> memref<1x512xi32, #tpu.memory_space<hbm>>
    %dma_start3A_121 = tpu.memref_squeeze %dma_start3A_120 : memref<1x512xi32, #tpu.memory_space<hbm>> -> memref<512xi32, #tpu.memory_space<hbm>>
    tpu.enqueue_dma source(%dma_start3A_121 : memref<512xi32, #tpu.memory_space<hbm>>) target(%arg92 : memref<512xi32, #tpu.memory_space<vmem>>) target_semaphore(%arg124 : memref<!tpu.dma_semaphore, #tpu.memory_space<semaphore_mem>>)
    %dma_start3A_122 = arith.constant 0 : i32
    %dma_start3A_123 = tpu.memref_slice %arg26[%dma_start3A_122, %mul3A_2] : memref<1x16384xi32, #tpu.memory_space<hbm>> -> memref<1x512xi32, #tpu.memory_space<hbm>>
    %dma_start3A_124 = tpu.memref_squeeze %dma_start3A_123 : memref<1x512xi32, #tpu.memory_space<hbm>> -> memref<512xi32, #tpu.memory_space<hbm>>
    %dma_start3A_125 = tpu.memref_slice %arg26[%dma_start3A_122, %mul3A_2] : memref<1x16384xi32, #tpu.memory_space<hbm>> -> memref<1x512xi32, #tpu.memory_space<hbm>>
    %dma_start3A_126 = tpu.memref_squeeze %dma_start3A_125 : memref<1x512xi32, #tpu.memory_space<hbm>> -> memref<512xi32, #tpu.memory_space<hbm>>
    tpu.enqueue_dma source(%dma_start3A_126 : memref<512xi32, #tpu.memory_space<hbm>>) target(%arg93 : memref<512xi32, #tpu.memory_space<vmem>>) target_semaphore(%arg124 : memref<!tpu.dma_semaphore, #tpu.memory_space<semaphore_mem>>)
    %dma_start3A_127 = arith.constant 0 : i32
    %dma_start3A_128 = tpu.memref_slice %arg27[%dma_start3A_127, %mul3A_2] : memref<1x16384xi32, #tpu.memory_space<hbm>> -> memref<1x512xi32, #tpu.memory_space<hbm>>
    %dma_start3A_129 = tpu.memref_squeeze %dma_start3A_128 : memref<1x512xi32, #tpu.memory_space<hbm>> -> memref<512xi32, #tpu.memory_space<hbm>>
    %dma_start3A_130 = tpu.memref_slice %arg27[%dma_start3A_127, %mul3A_2] : memref<1x16384xi32, #tpu.memory_space<hbm>> -> memref<1x512xi32, #tpu.memory_space<hbm>>
    %dma_start3A_131 = tpu.memref_squeeze %dma_start3A_130 : memref<1x512xi32, #tpu.memory_space<hbm>> -> memref<512xi32, #tpu.memory_space<hbm>>
    tpu.enqueue_dma source(%dma_start3A_131 : memref<512xi32, #tpu.memory_space<hbm>>) target(%arg94 : memref<512xi32, #tpu.memory_space<vmem>>) target_semaphore(%arg124 : memref<!tpu.dma_semaphore, #tpu.memory_space<semaphore_mem>>)
    %dma_start3A_132 = arith.constant 0 : i32
    %dma_start3A_133 = arith.constant 0 : i32
    %dma_start3A_134 = tpu.memref_slice %arg121[%dma_start3A_132, %dma_start3A_133] : memref<13x512xf32, #tpu.memory_space<vmem>> -> memref<1x512xf32, #tpu.memory_space<vmem>>
    %dma_start3A_135 = arith.constant 0 : i32
    %dma_start3A_136 = tpu.memref_slice %arg28[%dma_start3A_135, %mul3A_2] : memref<1x16384xf32, #tpu.memory_space<hbm>> -> memref<1x512xf32, #tpu.memory_space<hbm>>
    %dma_start3A_137 = arith.constant 0 : i32
    %dma_start3A_138 = arith.constant 0 : i32
    %dma_start3A_139 = tpu.memref_slice %arg121[%dma_start3A_137, %dma_start3A_138] : memref<13x512xf32, #tpu.memory_space<vmem>> -> memref<1x512xf32, #tpu.memory_space<vmem>>
    %dma_start3A_140 = arith.constant 0 : i32
    %dma_start3A_141 = tpu.memref_slice %arg28[%dma_start3A_140, %mul3A_2] : memref<1x16384xf32, #tpu.memory_space<hbm>> -> memref<1x512xf32, #tpu.memory_space<hbm>>
    tpu.enqueue_dma source(%dma_start3A_141 : memref<1x512xf32, #tpu.memory_space<hbm>>) target(%dma_start3A_139 : memref<1x512xf32, #tpu.memory_space<vmem>>) target_semaphore(%arg125 : memref<!tpu.dma_semaphore, #tpu.memory_space<semaphore_mem>>)
    %dma_start3A_142 = arith.constant 1 : i32
    %dma_start3A_143 = arith.constant 0 : i32
    %dma_start3A_144 = tpu.memref_slice %arg121[%dma_start3A_142, %dma_start3A_143] : memref<13x512xf32, #tpu.memory_space<vmem>> -> memref<1x512xf32, #tpu.memory_space<vmem>>
    %dma_start3A_145 = arith.constant 0 : i32
    %dma_start3A_146 = tpu.memref_slice %arg29[%dma_start3A_145, %mul3A_2] : memref<1x16384xf32, #tpu.memory_space<hbm>> -> memref<1x512xf32, #tpu.memory_space<hbm>>
    %dma_start3A_147 = arith.constant 1 : i32
    %dma_start3A_148 = arith.constant 0 : i32
    %dma_start3A_149 = tpu.memref_slice %arg121[%dma_start3A_147, %dma_start3A_148] : memref<13x512xf32, #tpu.memory_space<vmem>> -> memref<1x512xf32, #tpu.memory_space<vmem>>
    %dma_start3A_150 = arith.constant 0 : i32
    %dma_start3A_151 = tpu.memref_slice %arg29[%dma_start3A_150, %mul3A_2] : memref<1x16384xf32, #tpu.memory_space<hbm>> -> memref<1x512xf32, #tpu.memory_space<hbm>>
    tpu.enqueue_dma source(%dma_start3A_151 : memref<1x512xf32, #tpu.memory_space<hbm>>) target(%dma_start3A_149 : memref<1x512xf32, #tpu.memory_space<vmem>>) target_semaphore(%arg125 : memref<!tpu.dma_semaphore, #tpu.memory_space<semaphore_mem>>)
    %dma_start3A_152 = arith.constant 2 : i32
    %dma_start3A_153 = arith.constant 0 : i32
    %dma_start3A_154 = tpu.memref_slice %arg121[%dma_start3A_152, %dma_start3A_153] : memref<13x512xf32, #tpu.memory_space<vmem>> -> memref<1x512xf32, #tpu.memory_space<vmem>>
    %dma_start3A_155 = arith.constant 0 : i32
    %dma_start3A_156 = tpu.memref_slice %arg30[%dma_start3A_155, %mul3A_2] : memref<1x16384xf32, #tpu.memory_space<hbm>> -> memref<1x512xf32, #tpu.memory_space<hbm>>
    %dma_start3A_157 = arith.constant 2 : i32
    %dma_start3A_158 = arith.constant 0 : i32
    %dma_start3A_159 = tpu.memref_slice %arg121[%dma_start3A_157, %dma_start3A_158] : memref<13x512xf32, #tpu.memory_space<vmem>> -> memref<1x512xf32, #tpu.memory_space<vmem>>
    %dma_start3A_160 = arith.constant 0 : i32
    %dma_start3A_161 = tpu.memref_slice %arg30[%dma_start3A_160, %mul3A_2] : memref<1x16384xf32, #tpu.memory_space<hbm>> -> memref<1x512xf32, #tpu.memory_space<hbm>>
    tpu.enqueue_dma source(%dma_start3A_161 : memref<1x512xf32, #tpu.memory_space<hbm>>) target(%dma_start3A_159 : memref<1x512xf32, #tpu.memory_space<vmem>>) target_semaphore(%arg125 : memref<!tpu.dma_semaphore, #tpu.memory_space<semaphore_mem>>)
    %dma_start3A_162 = arith.constant 3 : i32
    %dma_start3A_163 = arith.constant 0 : i32
    %dma_start3A_164 = tpu.memref_slice %arg121[%dma_start3A_162, %dma_start3A_163] : memref<13x512xf32, #tpu.memory_space<vmem>> -> memref<1x512xf32, #tpu.memory_space<vmem>>
    %dma_start3A_165 = arith.constant 0 : i32
    %dma_start3A_166 = tpu.memref_slice %arg31[%dma_start3A_165, %mul3A_2] : memref<1x16384xf32, #tpu.memory_space<hbm>> -> memref<1x512xf32, #tpu.memory_space<hbm>>
    %dma_start3A_167 = arith.constant 3 : i32
    %dma_start3A_168 = arith.constant 0 : i32
    %dma_start3A_169 = tpu.memref_slice %arg121[%dma_start3A_167, %dma_start3A_168] : memref<13x512xf32, #tpu.memory_space<vmem>> -> memref<1x512xf32, #tpu.memory_space<vmem>>
    %dma_start3A_170 = arith.constant 0 : i32
    %dma_start3A_171 = tpu.memref_slice %arg31[%dma_start3A_170, %mul3A_2] : memref<1x16384xf32, #tpu.memory_space<hbm>> -> memref<1x512xf32, #tpu.memory_space<hbm>>
    tpu.enqueue_dma source(%dma_start3A_171 : memref<1x512xf32, #tpu.memory_space<hbm>>) target(%dma_start3A_169 : memref<1x512xf32, #tpu.memory_space<vmem>>) target_semaphore(%arg125 : memref<!tpu.dma_semaphore, #tpu.memory_space<semaphore_mem>>)
    %dma_start3A_172 = arith.constant 4 : i32
    %dma_start3A_173 = arith.constant 0 : i32
    %dma_start3A_174 = tpu.memref_slice %arg121[%dma_start3A_172, %dma_start3A_173] : memref<13x512xf32, #tpu.memory_space<vmem>> -> memref<1x512xf32, #tpu.memory_space<vmem>>
    %dma_start3A_175 = arith.constant 0 : i32
    %dma_start3A_176 = tpu.memref_slice %arg32[%dma_start3A_175, %mul3A_2] : memref<1x16384xf32, #tpu.memory_space<hbm>> -> memref<1x512xf32, #tpu.memory_space<hbm>>
    %dma_start3A_177 = arith.constant 4 : i32
    %dma_start3A_178 = arith.constant 0 : i32
    %dma_start3A_179 = tpu.memref_slice %arg121[%dma_start3A_177, %dma_start3A_178] : memref<13x512xf32, #tpu.memory_space<vmem>> -> memref<1x512xf32, #tpu.memory_space<vmem>>
    %dma_start3A_180 = arith.constant 0 : i32
    %dma_start3A_181 = tpu.memref_slice %arg32[%dma_start3A_180, %mul3A_2] : memref<1x16384xf32, #tpu.memory_space<hbm>> -> memref<1x512xf32, #tpu.memory_space<hbm>>
    tpu.enqueue_dma source(%dma_start3A_181 : memref<1x512xf32, #tpu.memory_space<hbm>>) target(%dma_start3A_179 : memref<1x512xf32, #tpu.memory_space<vmem>>) target_semaphore(%arg125 : memref<!tpu.dma_semaphore, #tpu.memory_space<semaphore_mem>>)
    %dma_start3A_182 = arith.constant 5 : i32
    %dma_start3A_183 = arith.constant 0 : i32
    %dma_start3A_184 = tpu.memref_slice %arg121[%dma_start3A_182, %dma_start3A_183] : memref<13x512xf32, #tpu.memory_space<vmem>> -> memref<1x512xf32, #tpu.memory_space<vmem>>
    %dma_start3A_185 = arith.constant 0 : i32
    %dma_start3A_186 = tpu.memref_slice %arg33[%dma_start3A_185, %mul3A_2] : memref<1x16384xf32, #tpu.memory_space<hbm>> -> memref<1x512xf32, #tpu.memory_space<hbm>>
    %dma_start3A_187 = arith.constant 5 : i32
    %dma_start3A_188 = arith.constant 0 : i32
    %dma_start3A_189 = tpu.memref_slice %arg121[%dma_start3A_187, %dma_start3A_188] : memref<13x512xf32, #tpu.memory_space<vmem>> -> memref<1x512xf32, #tpu.memory_space<vmem>>
    %dma_start3A_190 = arith.constant 0 : i32
    %dma_start3A_191 = tpu.memref_slice %arg33[%dma_start3A_190, %mul3A_2] : memref<1x16384xf32, #tpu.memory_space<hbm>> -> memref<1x512xf32, #tpu.memory_space<hbm>>
    tpu.enqueue_dma source(%dma_start3A_191 : memref<1x512xf32, #tpu.memory_space<hbm>>) target(%dma_start3A_189 : memref<1x512xf32, #tpu.memory_space<vmem>>) target_semaphore(%arg125 : memref<!tpu.dma_semaphore, #tpu.memory_space<semaphore_mem>>)
    %dma_start3A_192 = arith.constant 6 : i32
    %dma_start3A_193 = arith.constant 0 : i32
    %dma_start3A_194 = tpu.memref_slice %arg121[%dma_start3A_192, %dma_start3A_193] : memref<13x512xf32, #tpu.memory_space<vmem>> -> memref<1x512xf32, #tpu.memory_space<vmem>>
    %dma_start3A_195 = arith.constant 0 : i32
    %dma_start3A_196 = tpu.memref_slice %arg34[%dma_start3A_195, %mul3A_2] : memref<1x16384xf32, #tpu.memory_space<hbm>> -> memref<1x512xf32, #tpu.memory_space<hbm>>
    %dma_start3A_197 = arith.constant 6 : i32
    %dma_start3A_198 = arith.constant 0 : i32
    %dma_start3A_199 = tpu.memref_slice %arg121[%dma_start3A_197, %dma_start3A_198] : memref<13x512xf32, #tpu.memory_space<vmem>> -> memref<1x512xf32, #tpu.memory_space<vmem>>
    %dma_start3A_200 = arith.constant 0 : i32
    %dma_start3A_201 = tpu.memref_slice %arg34[%dma_start3A_200, %mul3A_2] : memref<1x16384xf32, #tpu.memory_space<hbm>> -> memref<1x512xf32, #tpu.memory_space<hbm>>
    tpu.enqueue_dma source(%dma_start3A_201 : memref<1x512xf32, #tpu.memory_space<hbm>>) target(%dma_start3A_199 : memref<1x512xf32, #tpu.memory_space<vmem>>) target_semaphore(%arg125 : memref<!tpu.dma_semaphore, #tpu.memory_space<semaphore_mem>>)
    %dma_start3A_202 = arith.constant 7 : i32
    %dma_start3A_203 = arith.constant 0 : i32
    %dma_start3A_204 = tpu.memref_slice %arg121[%dma_start3A_202, %dma_start3A_203] : memref<13x512xf32, #tpu.memory_space<vmem>> -> memref<1x512xf32, #tpu.memory_space<vmem>>
    %dma_start3A_205 = arith.constant 0 : i32
    %dma_start3A_206 = tpu.memref_slice %arg35[%dma_start3A_205, %mul3A_2] : memref<1x16384xf32, #tpu.memory_space<hbm>> -> memref<1x512xf32, #tpu.memory_space<hbm>>
    %dma_start3A_207 = arith.constant 7 : i32
    %dma_start3A_208 = arith.constant 0 : i32
    %dma_start3A_209 = tpu.memref_slice %arg121[%dma_start3A_207, %dma_start3A_208] : memref<13x512xf32, #tpu.memory_space<vmem>> -> memref<1x512xf32, #tpu.memory_space<vmem>>
    %dma_start3A_210 = arith.constant 0 : i32
    %dma_start3A_211 = tpu.memref_slice %arg35[%dma_start3A_210, %mul3A_2] : memref<1x16384xf32, #tpu.memory_space<hbm>> -> memref<1x512xf32, #tpu.memory_space<hbm>>
    tpu.enqueue_dma source(%dma_start3A_211 : memref<1x512xf32, #tpu.memory_space<hbm>>) target(%dma_start3A_209 : memref<1x512xf32, #tpu.memory_space<vmem>>) target_semaphore(%arg125 : memref<!tpu.dma_semaphore, #tpu.memory_space<semaphore_mem>>)
    %dma_start3A_212 = arith.constant 8 : i32
    %dma_start3A_213 = arith.constant 0 : i32
    %dma_start3A_214 = tpu.memref_slice %arg121[%dma_start3A_212, %dma_start3A_213] : memref<13x512xf32, #tpu.memory_space<vmem>> -> memref<1x512xf32, #tpu.memory_space<vmem>>
    %dma_start3A_215 = arith.constant 0 : i32
    %dma_start3A_216 = tpu.memref_slice %arg36[%dma_start3A_215, %mul3A_2] : memref<1x16384xf32, #tpu.memory_space<hbm>> -> memref<1x512xf32, #tpu.memory_space<hbm>>
    %dma_start3A_217 = arith.constant 8 : i32
    %dma_start3A_218 = arith.constant 0 : i32
    %dma_start3A_219 = tpu.memref_slice %arg121[%dma_start3A_217, %dma_start3A_218] : memref<13x512xf32, #tpu.memory_space<vmem>> -> memref<1x512xf32, #tpu.memory_space<vmem>>
    %dma_start3A_220 = arith.constant 0 : i32
    %dma_start3A_221 = tpu.memref_slice %arg36[%dma_start3A_220, %mul3A_2] : memref<1x16384xf32, #tpu.memory_space<hbm>> -> memref<1x512xf32, #tpu.memory_space<hbm>>
    tpu.enqueue_dma source(%dma_start3A_221 : memref<1x512xf32, #tpu.memory_space<hbm>>) target(%dma_start3A_219 : memref<1x512xf32, #tpu.memory_space<vmem>>) target_semaphore(%arg125 : memref<!tpu.dma_semaphore, #tpu.memory_space<semaphore_mem>>)
    %dma_start3A_222 = arith.constant 9 : i32
    %dma_start3A_223 = arith.constant 0 : i32
    %dma_start3A_224 = tpu.memref_slice %arg121[%dma_start3A_222, %dma_start3A_223] : memref<13x512xf32, #tpu.memory_space<vmem>> -> memref<1x512xf32, #tpu.memory_space<vmem>>
    %dma_start3A_225 = arith.constant 0 : i32
    %dma_start3A_226 = tpu.memref_slice %arg37[%dma_start3A_225, %mul3A_2] : memref<1x16384xf32, #tpu.memory_space<hbm>> -> memref<1x512xf32, #tpu.memory_space<hbm>>
    %dma_start3A_227 = arith.constant 9 : i32
    %dma_start3A_228 = arith.constant 0 : i32
    %dma_start3A_229 = tpu.memref_slice %arg121[%dma_start3A_227, %dma_start3A_228] : memref<13x512xf32, #tpu.memory_space<vmem>> -> memref<1x512xf32, #tpu.memory_space<vmem>>
    %dma_start3A_230 = arith.constant 0 : i32
    %dma_start3A_231 = tpu.memref_slice %arg37[%dma_start3A_230, %mul3A_2] : memref<1x16384xf32, #tpu.memory_space<hbm>> -> memref<1x512xf32, #tpu.memory_space<hbm>>
    tpu.enqueue_dma source(%dma_start3A_231 : memref<1x512xf32, #tpu.memory_space<hbm>>) target(%dma_start3A_229 : memref<1x512xf32, #tpu.memory_space<vmem>>) target_semaphore(%arg125 : memref<!tpu.dma_semaphore, #tpu.memory_space<semaphore_mem>>)
    %dma_start3A_232 = arith.constant 10 : i32
    %dma_start3A_233 = arith.constant 0 : i32
    %dma_start3A_234 = tpu.memref_slice %arg121[%dma_start3A_232, %dma_start3A_233] : memref<13x512xf32, #tpu.memory_space<vmem>> -> memref<1x512xf32, #tpu.memory_space<vmem>>
    %dma_start3A_235 = arith.constant 0 : i32
    %dma_start3A_236 = tpu.memref_slice %arg38[%dma_start3A_235, %mul3A_2] : memref<1x16384xf32, #tpu.memory_space<hbm>> -> memref<1x512xf32, #tpu.memory_space<hbm>>
    %dma_start3A_237 = arith.constant 10 : i32
    %dma_start3A_238 = arith.constant 0 : i32
    %dma_start3A_239 = tpu.memref_slice %arg121[%dma_start3A_237, %dma_start3A_238] : memref<13x512xf32, #tpu.memory_space<vmem>> -> memref<1x512xf32, #tpu.memory_space<vmem>>
    %dma_start3A_240 = arith.constant 0 : i32
    %dma_start3A_241 = tpu.memref_slice %arg38[%dma_start3A_240, %mul3A_2] : memref<1x16384xf32, #tpu.memory_space<hbm>> -> memref<1x512xf32, #tpu.memory_space<hbm>>
    tpu.enqueue_dma source(%dma_start3A_241 : memref<1x512xf32, #tpu.memory_space<hbm>>) target(%dma_start3A_239 : memref<1x512xf32, #tpu.memory_space<vmem>>) target_semaphore(%arg125 : memref<!tpu.dma_semaphore, #tpu.memory_space<semaphore_mem>>)
    %dma_start3A_242 = arith.constant 11 : i32
    %dma_start3A_243 = arith.constant 0 : i32
    %dma_start3A_244 = tpu.memref_slice %arg121[%dma_start3A_242, %dma_start3A_243] : memref<13x512xf32, #tpu.memory_space<vmem>> -> memref<1x512xf32, #tpu.memory_space<vmem>>
    %dma_start3A_245 = arith.constant 0 : i32
    %dma_start3A_246 = tpu.memref_slice %arg39[%dma_start3A_245, %mul3A_2] : memref<1x16384xf32, #tpu.memory_space<hbm>> -> memref<1x512xf32, #tpu.memory_space<hbm>>
    %dma_start3A_247 = arith.constant 11 : i32
    %dma_start3A_248 = arith.constant 0 : i32
    %dma_start3A_249 = tpu.memref_slice %arg121[%dma_start3A_247, %dma_start3A_248] : memref<13x512xf32, #tpu.memory_space<vmem>> -> memref<1x512xf32, #tpu.memory_space<vmem>>
    %dma_start3A_250 = arith.constant 0 : i32
    %dma_start3A_251 = tpu.memref_slice %arg39[%dma_start3A_250, %mul3A_2] : memref<1x16384xf32, #tpu.memory_space<hbm>> -> memref<1x512xf32, #tpu.memory_space<hbm>>
    tpu.enqueue_dma source(%dma_start3A_251 : memref<1x512xf32, #tpu.memory_space<hbm>>) target(%dma_start3A_249 : memref<1x512xf32, #tpu.memory_space<vmem>>) target_semaphore(%arg125 : memref<!tpu.dma_semaphore, #tpu.memory_space<semaphore_mem>>)
    %dma_start3A_252 = arith.constant 12 : i32
    %dma_start3A_253 = arith.constant 0 : i32
    %dma_start3A_254 = tpu.memref_slice %arg121[%dma_start3A_252, %dma_start3A_253] : memref<13x512xf32, #tpu.memory_space<vmem>> -> memref<1x512xf32, #tpu.memory_space<vmem>>
    %dma_start3A_255 = arith.constant 0 : i32
    %dma_start3A_256 = tpu.memref_slice %arg40[%dma_start3A_255, %mul3A_2] : memref<1x16384xf32, #tpu.memory_space<hbm>> -> memref<1x512xf32, #tpu.memory_space<hbm>>
    %dma_start3A_257 = arith.constant 12 : i32
    %dma_start3A_258 = arith.constant 0 : i32
    %dma_start3A_259 = tpu.memref_slice %arg121[%dma_start3A_257, %dma_start3A_258] : memref<13x512xf32, #tpu.memory_space<vmem>> -> memref<1x512xf32, #tpu.memory_space<vmem>>
    %dma_start3A_260 = arith.constant 0 : i32
    %dma_start3A_261 = tpu.memref_slice %arg40[%dma_start3A_260, %mul3A_2] : memref<1x16384xf32, #tpu.memory_space<hbm>> -> memref<1x512xf32, #tpu.memory_space<hbm>>
    tpu.enqueue_dma source(%dma_start3A_261 : memref<1x512xf32, #tpu.memory_space<hbm>>) target(%dma_start3A_259 : memref<1x512xf32, #tpu.memory_space<vmem>>) target_semaphore(%arg125 : memref<!tpu.dma_semaphore, #tpu.memory_space<semaphore_mem>>)
    tpu.enqueue_dma source(%arg41 : memref<40x16xf32, #tpu.memory_space<hbm>>) target(%arg122 : memref<40x16xf32, #tpu.memory_space<vmem>>) target_semaphore(%arg125 : memref<!tpu.dma_semaphore, #tpu.memory_space<semaphore_mem>>)
    %dma_wait3A = arith.constant 0 : i32
    %dma_wait3A_262 = tpu.memref_slice %arg2[%dma_wait3A, %mul3A_2] : memref<1x16384xi32, #tpu.memory_space<hbm>> -> memref<1x512xi32, #tpu.memory_space<hbm>>
    %dma_wait3A_263 = tpu.memref_squeeze %dma_wait3A_262 : memref<1x512xi32, #tpu.memory_space<hbm>> -> memref<512xi32, #tpu.memory_space<hbm>>
    %dma_wait3A_264 = tpu.memref_slice %arg2[%dma_wait3A, %mul3A_2] : memref<1x16384xi32, #tpu.memory_space<hbm>> -> memref<1x512xi32, #tpu.memory_space<hbm>>
    %dma_wait3A_265 = tpu.memref_squeeze %dma_wait3A_264 : memref<1x512xi32, #tpu.memory_space<hbm>> -> memref<512xi32, #tpu.memory_space<hbm>>
    tpu.wait_dma2 semaphore(%arg124 : memref<!tpu.dma_semaphore, #tpu.memory_space<semaphore_mem>>) src(%dma_wait3A_265 : memref<512xi32, #tpu.memory_space<hbm>>) dst(%arg69 : memref<512xi32, #tpu.memory_space<vmem>>)
    %dma_wait3A_266 = arith.constant 0 : i32
    %dma_wait3A_267 = tpu.memref_slice %arg3[%dma_wait3A_266, %mul3A_2] : memref<1x16384xi32, #tpu.memory_space<hbm>> -> memref<1x512xi32, #tpu.memory_space<hbm>>
    %dma_wait3A_268 = tpu.memref_squeeze %dma_wait3A_267 : memref<1x512xi32, #tpu.memory_space<hbm>> -> memref<512xi32, #tpu.memory_space<hbm>>
    %dma_wait3A_269 = tpu.memref_slice %arg3[%dma_wait3A_266, %mul3A_2] : memref<1x16384xi32, #tpu.memory_space<hbm>> -> memref<1x512xi32, #tpu.memory_space<hbm>>
    %dma_wait3A_270 = tpu.memref_squeeze %dma_wait3A_269 : memref<1x512xi32, #tpu.memory_space<hbm>> -> memref<512xi32, #tpu.memory_space<hbm>>
    tpu.wait_dma2 semaphore(%arg124 : memref<!tpu.dma_semaphore, #tpu.memory_space<semaphore_mem>>) src(%dma_wait3A_270 : memref<512xi32, #tpu.memory_space<hbm>>) dst(%arg70 : memref<512xi32, #tpu.memory_space<vmem>>)
    %dma_wait3A_271 = arith.constant 0 : i32
    %dma_wait3A_272 = tpu.memref_slice %arg4[%dma_wait3A_271, %mul3A_2] : memref<1x16384xi32, #tpu.memory_space<hbm>> -> memref<1x512xi32, #tpu.memory_space<hbm>>
    %dma_wait3A_273 = tpu.memref_squeeze %dma_wait3A_272 : memref<1x512xi32, #tpu.memory_space<hbm>> -> memref<512xi32, #tpu.memory_space<hbm>>
    %dma_wait3A_274 = tpu.memref_slice %arg4[%dma_wait3A_271, %mul3A_2] : memref<1x16384xi32, #tpu.memory_space<hbm>> -> memref<1x512xi32, #tpu.memory_space<hbm>>
    %dma_wait3A_275 = tpu.memref_squeeze %dma_wait3A_274 : memref<1x512xi32, #tpu.memory_space<hbm>> -> memref<512xi32, #tpu.memory_space<hbm>>
    tpu.wait_dma2 semaphore(%arg124 : memref<!tpu.dma_semaphore, #tpu.memory_space<semaphore_mem>>) src(%dma_wait3A_275 : memref<512xi32, #tpu.memory_space<hbm>>) dst(%arg71 : memref<512xi32, #tpu.memory_space<vmem>>)
    %dma_wait3A_276 = arith.constant 0 : i32
    %dma_wait3A_277 = tpu.memref_slice %arg5[%dma_wait3A_276, %mul3A_2] : memref<1x16384xi32, #tpu.memory_space<hbm>> -> memref<1x512xi32, #tpu.memory_space<hbm>>
    %dma_wait3A_278 = tpu.memref_squeeze %dma_wait3A_277 : memref<1x512xi32, #tpu.memory_space<hbm>> -> memref<512xi32, #tpu.memory_space<hbm>>
    %dma_wait3A_279 = tpu.memref_slice %arg5[%dma_wait3A_276, %mul3A_2] : memref<1x16384xi32, #tpu.memory_space<hbm>> -> memref<1x512xi32, #tpu.memory_space<hbm>>
    %dma_wait3A_280 = tpu.memref_squeeze %dma_wait3A_279 : memref<1x512xi32, #tpu.memory_space<hbm>> -> memref<512xi32, #tpu.memory_space<hbm>>
    tpu.wait_dma2 semaphore(%arg124 : memref<!tpu.dma_semaphore, #tpu.memory_space<semaphore_mem>>) src(%dma_wait3A_280 : memref<512xi32, #tpu.memory_space<hbm>>) dst(%arg72 : memref<512xi32, #tpu.memory_space<vmem>>)
    %dma_wait3A_281 = arith.constant 0 : i32
    %dma_wait3A_282 = tpu.memref_slice %arg6[%dma_wait3A_281, %mul3A_2] : memref<1x16384xi32, #tpu.memory_space<hbm>> -> memref<1x512xi32, #tpu.memory_space<hbm>>
    %dma_wait3A_283 = tpu.memref_squeeze %dma_wait3A_282 : memref<1x512xi32, #tpu.memory_space<hbm>> -> memref<512xi32, #tpu.memory_space<hbm>>
    %dma_wait3A_284 = tpu.memref_slice %arg6[%dma_wait3A_281, %mul3A_2] : memref<1x16384xi32, #tpu.memory_space<hbm>> -> memref<1x512xi32, #tpu.memory_space<hbm>>
    %dma_wait3A_285 = tpu.memref_squeeze %dma_wait3A_284 : memref<1x512xi32, #tpu.memory_space<hbm>> -> memref<512xi32, #tpu.memory_space<hbm>>
    tpu.wait_dma2 semaphore(%arg124 : memref<!tpu.dma_semaphore, #tpu.memory_space<semaphore_mem>>) src(%dma_wait3A_285 : memref<512xi32, #tpu.memory_space<hbm>>) dst(%arg73 : memref<512xi32, #tpu.memory_space<vmem>>)
    %dma_wait3A_286 = arith.constant 0 : i32
    %dma_wait3A_287 = tpu.memref_slice %arg7[%dma_wait3A_286, %mul3A_2] : memref<1x16384xi32, #tpu.memory_space<hbm>> -> memref<1x512xi32, #tpu.memory_space<hbm>>
    %dma_wait3A_288 = tpu.memref_squeeze %dma_wait3A_287 : memref<1x512xi32, #tpu.memory_space<hbm>> -> memref<512xi32, #tpu.memory_space<hbm>>
    %dma_wait3A_289 = tpu.memref_slice %arg7[%dma_wait3A_286, %mul3A_2] : memref<1x16384xi32, #tpu.memory_space<hbm>> -> memref<1x512xi32, #tpu.memory_space<hbm>>
    %dma_wait3A_290 = tpu.memref_squeeze %dma_wait3A_289 : memref<1x512xi32, #tpu.memory_space<hbm>> -> memref<512xi32, #tpu.memory_space<hbm>>
    tpu.wait_dma2 semaphore(%arg124 : memref<!tpu.dma_semaphore, #tpu.memory_space<semaphore_mem>>) src(%dma_wait3A_290 : memref<512xi32, #tpu.memory_space<hbm>>) dst(%arg74 : memref<512xi32, #tpu.memory_space<vmem>>)
    %dma_wait3A_291 = arith.constant 0 : i32
    %dma_wait3A_292 = tpu.memref_slice %arg8[%dma_wait3A_291, %mul3A_2] : memref<1x16384xi32, #tpu.memory_space<hbm>> -> memref<1x512xi32, #tpu.memory_space<hbm>>
    %dma_wait3A_293 = tpu.memref_squeeze %dma_wait3A_292 : memref<1x512xi32, #tpu.memory_space<hbm>> -> memref<512xi32, #tpu.memory_space<hbm>>
    %dma_wait3A_294 = tpu.memref_slice %arg8[%dma_wait3A_291, %mul3A_2] : memref<1x16384xi32, #tpu.memory_space<hbm>> -> memref<1x512xi32, #tpu.memory_space<hbm>>
    %dma_wait3A_295 = tpu.memref_squeeze %dma_wait3A_294 : memref<1x512xi32, #tpu.memory_space<hbm>> -> memref<512xi32, #tpu.memory_space<hbm>>
    tpu.wait_dma2 semaphore(%arg124 : memref<!tpu.dma_semaphore, #tpu.memory_space<semaphore_mem>>) src(%dma_wait3A_295 : memref<512xi32, #tpu.memory_space<hbm>>) dst(%arg75 : memref<512xi32, #tpu.memory_space<vmem>>)
    %dma_wait3A_296 = arith.constant 0 : i32
    %dma_wait3A_297 = tpu.memref_slice %arg9[%dma_wait3A_296, %mul3A_2] : memref<1x16384xi32, #tpu.memory_space<hbm>> -> memref<1x512xi32, #tpu.memory_space<hbm>>
    %dma_wait3A_298 = tpu.memref_squeeze %dma_wait3A_297 : memref<1x512xi32, #tpu.memory_space<hbm>> -> memref<512xi32, #tpu.memory_space<hbm>>
    %dma_wait3A_299 = tpu.memref_slice %arg9[%dma_wait3A_296, %mul3A_2] : memref<1x16384xi32, #tpu.memory_space<hbm>> -> memref<1x512xi32, #tpu.memory_space<hbm>>
    %dma_wait3A_300 = tpu.memref_squeeze %dma_wait3A_299 : memref<1x512xi32, #tpu.memory_space<hbm>> -> memref<512xi32, #tpu.memory_space<hbm>>
    tpu.wait_dma2 semaphore(%arg124 : memref<!tpu.dma_semaphore, #tpu.memory_space<semaphore_mem>>) src(%dma_wait3A_300 : memref<512xi32, #tpu.memory_space<hbm>>) dst(%arg76 : memref<512xi32, #tpu.memory_space<vmem>>)
    %dma_wait3A_301 = arith.constant 0 : i32
    %dma_wait3A_302 = tpu.memref_slice %arg10[%dma_wait3A_301, %mul3A_2] : memref<1x16384xi32, #tpu.memory_space<hbm>> -> memref<1x512xi32, #tpu.memory_space<hbm>>
    %dma_wait3A_303 = tpu.memref_squeeze %dma_wait3A_302 : memref<1x512xi32, #tpu.memory_space<hbm>> -> memref<512xi32, #tpu.memory_space<hbm>>
    %dma_wait3A_304 = tpu.memref_slice %arg10[%dma_wait3A_301, %mul3A_2] : memref<1x16384xi32, #tpu.memory_space<hbm>> -> memref<1x512xi32, #tpu.memory_space<hbm>>
    %dma_wait3A_305 = tpu.memref_squeeze %dma_wait3A_304 : memref<1x512xi32, #tpu.memory_space<hbm>> -> memref<512xi32, #tpu.memory_space<hbm>>
    tpu.wait_dma2 semaphore(%arg124 : memref<!tpu.dma_semaphore, #tpu.memory_space<semaphore_mem>>) src(%dma_wait3A_305 : memref<512xi32, #tpu.memory_space<hbm>>) dst(%arg77 : memref<512xi32, #tpu.memory_space<vmem>>)
    %dma_wait3A_306 = arith.constant 0 : i32
    %dma_wait3A_307 = tpu.memref_slice %arg11[%dma_wait3A_306, %mul3A_2] : memref<1x16384xi32, #tpu.memory_space<hbm>> -> memref<1x512xi32, #tpu.memory_space<hbm>>
    %dma_wait3A_308 = tpu.memref_squeeze %dma_wait3A_307 : memref<1x512xi32, #tpu.memory_space<hbm>> -> memref<512xi32, #tpu.memory_space<hbm>>
    %dma_wait3A_309 = tpu.memref_slice %arg11[%dma_wait3A_306, %mul3A_2] : memref<1x16384xi32, #tpu.memory_space<hbm>> -> memref<1x512xi32, #tpu.memory_space<hbm>>
    %dma_wait3A_310 = tpu.memref_squeeze %dma_wait3A_309 : memref<1x512xi32, #tpu.memory_space<hbm>> -> memref<512xi32, #tpu.memory_space<hbm>>
    tpu.wait_dma2 semaphore(%arg124 : memref<!tpu.dma_semaphore, #tpu.memory_space<semaphore_mem>>) src(%dma_wait3A_310 : memref<512xi32, #tpu.memory_space<hbm>>) dst(%arg78 : memref<512xi32, #tpu.memory_space<vmem>>)
    %dma_wait3A_311 = arith.constant 0 : i32
    %dma_wait3A_312 = tpu.memref_slice %arg12[%dma_wait3A_311, %mul3A_2] : memref<1x16384xi32, #tpu.memory_space<hbm>> -> memref<1x512xi32, #tpu.memory_space<hbm>>
    %dma_wait3A_313 = tpu.memref_squeeze %dma_wait3A_312 : memref<1x512xi32, #tpu.memory_space<hbm>> -> memref<512xi32, #tpu.memory_space<hbm>>
    %dma_wait3A_314 = tpu.memref_slice %arg12[%dma_wait3A_311, %mul3A_2] : memref<1x16384xi32, #tpu.memory_space<hbm>> -> memref<1x512xi32, #tpu.memory_space<hbm>>
    %dma_wait3A_315 = tpu.memref_squeeze %dma_wait3A_314 : memref<1x512xi32, #tpu.memory_space<hbm>> -> memref<512xi32, #tpu.memory_space<hbm>>
    tpu.wait_dma2 semaphore(%arg124 : memref<!tpu.dma_semaphore, #tpu.memory_space<semaphore_mem>>) src(%dma_wait3A_315 : memref<512xi32, #tpu.memory_space<hbm>>) dst(%arg79 : memref<512xi32, #tpu.memory_space<vmem>>)
    %dma_wait3A_316 = arith.constant 0 : i32
    %dma_wait3A_317 = tpu.memref_slice %arg13[%dma_wait3A_316, %mul3A_2] : memref<1x16384xi32, #tpu.memory_space<hbm>> -> memref<1x512xi32, #tpu.memory_space<hbm>>
    %dma_wait3A_318 = tpu.memref_squeeze %dma_wait3A_317 : memref<1x512xi32, #tpu.memory_space<hbm>> -> memref<512xi32, #tpu.memory_space<hbm>>
    %dma_wait3A_319 = tpu.memref_slice %arg13[%dma_wait3A_316, %mul3A_2] : memref<1x16384xi32, #tpu.memory_space<hbm>> -> memref<1x512xi32, #tpu.memory_space<hbm>>
    %dma_wait3A_320 = tpu.memref_squeeze %dma_wait3A_319 : memref<1x512xi32, #tpu.memory_space<hbm>> -> memref<512xi32, #tpu.memory_space<hbm>>
    tpu.wait_dma2 semaphore(%arg124 : memref<!tpu.dma_semaphore, #tpu.memory_space<semaphore_mem>>) src(%dma_wait3A_320 : memref<512xi32, #tpu.memory_space<hbm>>) dst(%arg80 : memref<512xi32, #tpu.memory_space<vmem>>)
    %dma_wait3A_321 = arith.constant 0 : i32
    %dma_wait3A_322 = tpu.memref_slice %arg14[%dma_wait3A_321, %mul3A_2] : memref<1x16384xi32, #tpu.memory_space<hbm>> -> memref<1x512xi32, #tpu.memory_space<hbm>>
    %dma_wait3A_323 = tpu.memref_squeeze %dma_wait3A_322 : memref<1x512xi32, #tpu.memory_space<hbm>> -> memref<512xi32, #tpu.memory_space<hbm>>
    %dma_wait3A_324 = tpu.memref_slice %arg14[%dma_wait3A_321, %mul3A_2] : memref<1x16384xi32, #tpu.memory_space<hbm>> -> memref<1x512xi32, #tpu.memory_space<hbm>>
    %dma_wait3A_325 = tpu.memref_squeeze %dma_wait3A_324 : memref<1x512xi32, #tpu.memory_space<hbm>> -> memref<512xi32, #tpu.memory_space<hbm>>
    tpu.wait_dma2 semaphore(%arg124 : memref<!tpu.dma_semaphore, #tpu.memory_space<semaphore_mem>>) src(%dma_wait3A_325 : memref<512xi32, #tpu.memory_space<hbm>>) dst(%arg81 : memref<512xi32, #tpu.memory_space<vmem>>)
    %dma_wait3A_326 = arith.constant 0 : i32
    %dma_wait3A_327 = tpu.memref_slice %arg15[%dma_wait3A_326, %mul3A_2] : memref<1x16384xi32, #tpu.memory_space<hbm>> -> memref<1x512xi32, #tpu.memory_space<hbm>>
    %dma_wait3A_328 = tpu.memref_squeeze %dma_wait3A_327 : memref<1x512xi32, #tpu.memory_space<hbm>> -> memref<512xi32, #tpu.memory_space<hbm>>
    %dma_wait3A_329 = tpu.memref_slice %arg15[%dma_wait3A_326, %mul3A_2] : memref<1x16384xi32, #tpu.memory_space<hbm>> -> memref<1x512xi32, #tpu.memory_space<hbm>>
    %dma_wait3A_330 = tpu.memref_squeeze %dma_wait3A_329 : memref<1x512xi32, #tpu.memory_space<hbm>> -> memref<512xi32, #tpu.memory_space<hbm>>
    tpu.wait_dma2 semaphore(%arg124 : memref<!tpu.dma_semaphore, #tpu.memory_space<semaphore_mem>>) src(%dma_wait3A_330 : memref<512xi32, #tpu.memory_space<hbm>>) dst(%arg82 : memref<512xi32, #tpu.memory_space<vmem>>)
    %dma_wait3A_331 = arith.constant 0 : i32
    %dma_wait3A_332 = tpu.memref_slice %arg16[%dma_wait3A_331, %mul3A_2] : memref<1x16384xi32, #tpu.memory_space<hbm>> -> memref<1x512xi32, #tpu.memory_space<hbm>>
    %dma_wait3A_333 = tpu.memref_squeeze %dma_wait3A_332 : memref<1x512xi32, #tpu.memory_space<hbm>> -> memref<512xi32, #tpu.memory_space<hbm>>
    %dma_wait3A_334 = tpu.memref_slice %arg16[%dma_wait3A_331, %mul3A_2] : memref<1x16384xi32, #tpu.memory_space<hbm>> -> memref<1x512xi32, #tpu.memory_space<hbm>>
    %dma_wait3A_335 = tpu.memref_squeeze %dma_wait3A_334 : memref<1x512xi32, #tpu.memory_space<hbm>> -> memref<512xi32, #tpu.memory_space<hbm>>
    tpu.wait_dma2 semaphore(%arg124 : memref<!tpu.dma_semaphore, #tpu.memory_space<semaphore_mem>>) src(%dma_wait3A_335 : memref<512xi32, #tpu.memory_space<hbm>>) dst(%arg83 : memref<512xi32, #tpu.memory_space<vmem>>)
    %dma_wait3A_336 = arith.constant 0 : i32
    %dma_wait3A_337 = tpu.memref_slice %arg17[%dma_wait3A_336, %mul3A_2] : memref<1x16384xi32, #tpu.memory_space<hbm>> -> memref<1x512xi32, #tpu.memory_space<hbm>>
    %dma_wait3A_338 = tpu.memref_squeeze %dma_wait3A_337 : memref<1x512xi32, #tpu.memory_space<hbm>> -> memref<512xi32, #tpu.memory_space<hbm>>
    %dma_wait3A_339 = tpu.memref_slice %arg17[%dma_wait3A_336, %mul3A_2] : memref<1x16384xi32, #tpu.memory_space<hbm>> -> memref<1x512xi32, #tpu.memory_space<hbm>>
    %dma_wait3A_340 = tpu.memref_squeeze %dma_wait3A_339 : memref<1x512xi32, #tpu.memory_space<hbm>> -> memref<512xi32, #tpu.memory_space<hbm>>
    tpu.wait_dma2 semaphore(%arg124 : memref<!tpu.dma_semaphore, #tpu.memory_space<semaphore_mem>>) src(%dma_wait3A_340 : memref<512xi32, #tpu.memory_space<hbm>>) dst(%arg84 : memref<512xi32, #tpu.memory_space<vmem>>)
    %dma_wait3A_341 = arith.constant 0 : i32
    %dma_wait3A_342 = tpu.memref_slice %arg18[%dma_wait3A_341, %mul3A_2] : memref<1x16384xi32, #tpu.memory_space<hbm>> -> memref<1x512xi32, #tpu.memory_space<hbm>>
    %dma_wait3A_343 = tpu.memref_squeeze %dma_wait3A_342 : memref<1x512xi32, #tpu.memory_space<hbm>> -> memref<512xi32, #tpu.memory_space<hbm>>
    %dma_wait3A_344 = tpu.memref_slice %arg18[%dma_wait3A_341, %mul3A_2] : memref<1x16384xi32, #tpu.memory_space<hbm>> -> memref<1x512xi32, #tpu.memory_space<hbm>>
    %dma_wait3A_345 = tpu.memref_squeeze %dma_wait3A_344 : memref<1x512xi32, #tpu.memory_space<hbm>> -> memref<512xi32, #tpu.memory_space<hbm>>
    tpu.wait_dma2 semaphore(%arg124 : memref<!tpu.dma_semaphore, #tpu.memory_space<semaphore_mem>>) src(%dma_wait3A_345 : memref<512xi32, #tpu.memory_space<hbm>>) dst(%arg85 : memref<512xi32, #tpu.memory_space<vmem>>)
    %dma_wait3A_346 = arith.constant 0 : i32
    %dma_wait3A_347 = tpu.memref_slice %arg19[%dma_wait3A_346, %mul3A_2] : memref<1x16384xi32, #tpu.memory_space<hbm>> -> memref<1x512xi32, #tpu.memory_space<hbm>>
    %dma_wait3A_348 = tpu.memref_squeeze %dma_wait3A_347 : memref<1x512xi32, #tpu.memory_space<hbm>> -> memref<512xi32, #tpu.memory_space<hbm>>
    %dma_wait3A_349 = tpu.memref_slice %arg19[%dma_wait3A_346, %mul3A_2] : memref<1x16384xi32, #tpu.memory_space<hbm>> -> memref<1x512xi32, #tpu.memory_space<hbm>>
    %dma_wait3A_350 = tpu.memref_squeeze %dma_wait3A_349 : memref<1x512xi32, #tpu.memory_space<hbm>> -> memref<512xi32, #tpu.memory_space<hbm>>
    tpu.wait_dma2 semaphore(%arg124 : memref<!tpu.dma_semaphore, #tpu.memory_space<semaphore_mem>>) src(%dma_wait3A_350 : memref<512xi32, #tpu.memory_space<hbm>>) dst(%arg86 : memref<512xi32, #tpu.memory_space<vmem>>)
    %dma_wait3A_351 = arith.constant 0 : i32
    %dma_wait3A_352 = tpu.memref_slice %arg20[%dma_wait3A_351, %mul3A_2] : memref<1x16384xi32, #tpu.memory_space<hbm>> -> memref<1x512xi32, #tpu.memory_space<hbm>>
    %dma_wait3A_353 = tpu.memref_squeeze %dma_wait3A_352 : memref<1x512xi32, #tpu.memory_space<hbm>> -> memref<512xi32, #tpu.memory_space<hbm>>
    %dma_wait3A_354 = tpu.memref_slice %arg20[%dma_wait3A_351, %mul3A_2] : memref<1x16384xi32, #tpu.memory_space<hbm>> -> memref<1x512xi32, #tpu.memory_space<hbm>>
    %dma_wait3A_355 = tpu.memref_squeeze %dma_wait3A_354 : memref<1x512xi32, #tpu.memory_space<hbm>> -> memref<512xi32, #tpu.memory_space<hbm>>
    tpu.wait_dma2 semaphore(%arg124 : memref<!tpu.dma_semaphore, #tpu.memory_space<semaphore_mem>>) src(%dma_wait3A_355 : memref<512xi32, #tpu.memory_space<hbm>>) dst(%arg87 : memref<512xi32, #tpu.memory_space<vmem>>)
    %dma_wait3A_356 = arith.constant 0 : i32
    %dma_wait3A_357 = tpu.memref_slice %arg21[%dma_wait3A_356, %mul3A_2] : memref<1x16384xi32, #tpu.memory_space<hbm>> -> memref<1x512xi32, #tpu.memory_space<hbm>>
    %dma_wait3A_358 = tpu.memref_squeeze %dma_wait3A_357 : memref<1x512xi32, #tpu.memory_space<hbm>> -> memref<512xi32, #tpu.memory_space<hbm>>
    %dma_wait3A_359 = tpu.memref_slice %arg21[%dma_wait3A_356, %mul3A_2] : memref<1x16384xi32, #tpu.memory_space<hbm>> -> memref<1x512xi32, #tpu.memory_space<hbm>>
    %dma_wait3A_360 = tpu.memref_squeeze %dma_wait3A_359 : memref<1x512xi32, #tpu.memory_space<hbm>> -> memref<512xi32, #tpu.memory_space<hbm>>
    tpu.wait_dma2 semaphore(%arg124 : memref<!tpu.dma_semaphore, #tpu.memory_space<semaphore_mem>>) src(%dma_wait3A_360 : memref<512xi32, #tpu.memory_space<hbm>>) dst(%arg88 : memref<512xi32, #tpu.memory_space<vmem>>)
    %dma_wait3A_361 = arith.constant 0 : i32
    %dma_wait3A_362 = tpu.memref_slice %arg22[%dma_wait3A_361, %mul3A_2] : memref<1x16384xi32, #tpu.memory_space<hbm>> -> memref<1x512xi32, #tpu.memory_space<hbm>>
    %dma_wait3A_363 = tpu.memref_squeeze %dma_wait3A_362 : memref<1x512xi32, #tpu.memory_space<hbm>> -> memref<512xi32, #tpu.memory_space<hbm>>
    %dma_wait3A_364 = tpu.memref_slice %arg22[%dma_wait3A_361, %mul3A_2] : memref<1x16384xi32, #tpu.memory_space<hbm>> -> memref<1x512xi32, #tpu.memory_space<hbm>>
    %dma_wait3A_365 = tpu.memref_squeeze %dma_wait3A_364 : memref<1x512xi32, #tpu.memory_space<hbm>> -> memref<512xi32, #tpu.memory_space<hbm>>
    tpu.wait_dma2 semaphore(%arg124 : memref<!tpu.dma_semaphore, #tpu.memory_space<semaphore_mem>>) src(%dma_wait3A_365 : memref<512xi32, #tpu.memory_space<hbm>>) dst(%arg89 : memref<512xi32, #tpu.memory_space<vmem>>)
    %dma_wait3A_366 = arith.constant 0 : i32
    %dma_wait3A_367 = tpu.memref_slice %arg23[%dma_wait3A_366, %mul3A_2] : memref<1x16384xi32, #tpu.memory_space<hbm>> -> memref<1x512xi32, #tpu.memory_space<hbm>>
    %dma_wait3A_368 = tpu.memref_squeeze %dma_wait3A_367 : memref<1x512xi32, #tpu.memory_space<hbm>> -> memref<512xi32, #tpu.memory_space<hbm>>
    %dma_wait3A_369 = tpu.memref_slice %arg23[%dma_wait3A_366, %mul3A_2] : memref<1x16384xi32, #tpu.memory_space<hbm>> -> memref<1x512xi32, #tpu.memory_space<hbm>>
    %dma_wait3A_370 = tpu.memref_squeeze %dma_wait3A_369 : memref<1x512xi32, #tpu.memory_space<hbm>> -> memref<512xi32, #tpu.memory_space<hbm>>
    tpu.wait_dma2 semaphore(%arg124 : memref<!tpu.dma_semaphore, #tpu.memory_space<semaphore_mem>>) src(%dma_wait3A_370 : memref<512xi32, #tpu.memory_space<hbm>>) dst(%arg90 : memref<512xi32, #tpu.memory_space<vmem>>)
    %dma_wait3A_371 = arith.constant 0 : i32
    %dma_wait3A_372 = tpu.memref_slice %arg24[%dma_wait3A_371, %mul3A_2] : memref<1x16384xi32, #tpu.memory_space<hbm>> -> memref<1x512xi32, #tpu.memory_space<hbm>>
    %dma_wait3A_373 = tpu.memref_squeeze %dma_wait3A_372 : memref<1x512xi32, #tpu.memory_space<hbm>> -> memref<512xi32, #tpu.memory_space<hbm>>
    %dma_wait3A_374 = tpu.memref_slice %arg24[%dma_wait3A_371, %mul3A_2] : memref<1x16384xi32, #tpu.memory_space<hbm>> -> memref<1x512xi32, #tpu.memory_space<hbm>>
    %dma_wait3A_375 = tpu.memref_squeeze %dma_wait3A_374 : memref<1x512xi32, #tpu.memory_space<hbm>> -> memref<512xi32, #tpu.memory_space<hbm>>
    tpu.wait_dma2 semaphore(%arg124 : memref<!tpu.dma_semaphore, #tpu.memory_space<semaphore_mem>>) src(%dma_wait3A_375 : memref<512xi32, #tpu.memory_space<hbm>>) dst(%arg91 : memref<512xi32, #tpu.memory_space<vmem>>)
    %dma_wait3A_376 = arith.constant 0 : i32
    %dma_wait3A_377 = tpu.memref_slice %arg25[%dma_wait3A_376, %mul3A_2] : memref<1x16384xi32, #tpu.memory_space<hbm>> -> memref<1x512xi32, #tpu.memory_space<hbm>>
    %dma_wait3A_378 = tpu.memref_squeeze %dma_wait3A_377 : memref<1x512xi32, #tpu.memory_space<hbm>> -> memref<512xi32, #tpu.memory_space<hbm>>
    %dma_wait3A_379 = tpu.memref_slice %arg25[%dma_wait3A_376, %mul3A_2] : memref<1x16384xi32, #tpu.memory_space<hbm>> -> memref<1x512xi32, #tpu.memory_space<hbm>>
    %dma_wait3A_380 = tpu.memref_squeeze %dma_wait3A_379 : memref<1x512xi32, #tpu.memory_space<hbm>> -> memref<512xi32, #tpu.memory_space<hbm>>
    tpu.wait_dma2 semaphore(%arg124 : memref<!tpu.dma_semaphore, #tpu.memory_space<semaphore_mem>>) src(%dma_wait3A_380 : memref<512xi32, #tpu.memory_space<hbm>>) dst(%arg92 : memref<512xi32, #tpu.memory_space<vmem>>)
    %dma_wait3A_381 = arith.constant 0 : i32
    %dma_wait3A_382 = tpu.memref_slice %arg26[%dma_wait3A_381, %mul3A_2] : memref<1x16384xi32, #tpu.memory_space<hbm>> -> memref<1x512xi32, #tpu.memory_space<hbm>>
    %dma_wait3A_383 = tpu.memref_squeeze %dma_wait3A_382 : memref<1x512xi32, #tpu.memory_space<hbm>> -> memref<512xi32, #tpu.memory_space<hbm>>
    %dma_wait3A_384 = tpu.memref_slice %arg26[%dma_wait3A_381, %mul3A_2] : memref<1x16384xi32, #tpu.memory_space<hbm>> -> memref<1x512xi32, #tpu.memory_space<hbm>>
    %dma_wait3A_385 = tpu.memref_squeeze %dma_wait3A_384 : memref<1x512xi32, #tpu.memory_space<hbm>> -> memref<512xi32, #tpu.memory_space<hbm>>
    tpu.wait_dma2 semaphore(%arg124 : memref<!tpu.dma_semaphore, #tpu.memory_space<semaphore_mem>>) src(%dma_wait3A_385 : memref<512xi32, #tpu.memory_space<hbm>>) dst(%arg93 : memref<512xi32, #tpu.memory_space<vmem>>)
    %dma_wait3A_386 = arith.constant 0 : i32
    %dma_wait3A_387 = tpu.memref_slice %arg27[%dma_wait3A_386, %mul3A_2] : memref<1x16384xi32, #tpu.memory_space<hbm>> -> memref<1x512xi32, #tpu.memory_space<hbm>>
    %dma_wait3A_388 = tpu.memref_squeeze %dma_wait3A_387 : memref<1x512xi32, #tpu.memory_space<hbm>> -> memref<512xi32, #tpu.memory_space<hbm>>
    %dma_wait3A_389 = tpu.memref_slice %arg27[%dma_wait3A_386, %mul3A_2] : memref<1x16384xi32, #tpu.memory_space<hbm>> -> memref<1x512xi32, #tpu.memory_space<hbm>>
    %dma_wait3A_390 = tpu.memref_squeeze %dma_wait3A_389 : memref<1x512xi32, #tpu.memory_space<hbm>> -> memref<512xi32, #tpu.memory_space<hbm>>
    tpu.wait_dma2 semaphore(%arg124 : memref<!tpu.dma_semaphore, #tpu.memory_space<semaphore_mem>>) src(%dma_wait3A_390 : memref<512xi32, #tpu.memory_space<hbm>>) dst(%arg94 : memref<512xi32, #tpu.memory_space<vmem>>)
    %dma_start3A_391 = arith.constant 0 : i32
    %dma_start3A_392 = arith.constant 0 : i32
    %dma_start3A_393 = tpu.memref_slice %arg42[%dma_start3A_391, %dma_start3A_392] : memref<1x1000000xf32, #tpu.memory_space<hbm>> -> memref<1x1000000xf32, #tpu.memory_space<hbm>>
    %dma_start3A_394 = tpu.memref_squeeze %dma_start3A_393 : memref<1x1000000xf32, #tpu.memory_space<hbm>> -> memref<1000000xf32, #tpu.memory_space<hbm>>
    %dma_start3A_395 = arith.constant 0 : i32
    %dma_start3A_396 = tpu.memref_slice %dma_start3A_394[%dma_start3A_395] : memref<1000000xf32, #tpu.memory_space<hbm>> -> memref<1000000xf32, #tpu.memory_space<hbm>>
    tpu.enqueue_indirect_dma source(%dma_start3A_396 : memref<1000000xf32, #tpu.memory_space<hbm>>) target(%arg95 : memref<512xf32, #tpu.memory_space<vmem>>) offsets(%arg69 : memref<512xi32, #tpu.memory_space<vmem>>) semaphore(%arg126 : memref<!tpu.dma_semaphore, #tpu.memory_space<semaphore_mem>>)
    %dma_start3A_397 = arith.constant 0 : i32
    %dma_start3A_398 = arith.constant 0 : i32
    %dma_start3A_399 = tpu.memref_slice %arg43[%dma_start3A_397, %dma_start3A_398] : memref<1x1000000xf32, #tpu.memory_space<hbm>> -> memref<1x1000000xf32, #tpu.memory_space<hbm>>
    %dma_start3A_400 = tpu.memref_squeeze %dma_start3A_399 : memref<1x1000000xf32, #tpu.memory_space<hbm>> -> memref<1000000xf32, #tpu.memory_space<hbm>>
    %dma_start3A_401 = arith.constant 0 : i32
    %dma_start3A_402 = tpu.memref_slice %dma_start3A_400[%dma_start3A_401] : memref<1000000xf32, #tpu.memory_space<hbm>> -> memref<1000000xf32, #tpu.memory_space<hbm>>
    tpu.enqueue_indirect_dma source(%dma_start3A_402 : memref<1000000xf32, #tpu.memory_space<hbm>>) target(%arg96 : memref<512xf32, #tpu.memory_space<vmem>>) offsets(%arg70 : memref<512xi32, #tpu.memory_space<vmem>>) semaphore(%arg126 : memref<!tpu.dma_semaphore, #tpu.memory_space<semaphore_mem>>)
    %dma_start3A_403 = arith.constant 0 : i32
    %dma_start3A_404 = arith.constant 0 : i32
    %dma_start3A_405 = tpu.memref_slice %arg44[%dma_start3A_403, %dma_start3A_404] : memref<1x1000000xf32, #tpu.memory_space<hbm>> -> memref<1x1000000xf32, #tpu.memory_space<hbm>>
    %dma_start3A_406 = tpu.memref_squeeze %dma_start3A_405 : memref<1x1000000xf32, #tpu.memory_space<hbm>> -> memref<1000000xf32, #tpu.memory_space<hbm>>
    %dma_start3A_407 = arith.constant 0 : i32
    %dma_start3A_408 = tpu.memref_slice %dma_start3A_406[%dma_start3A_407] : memref<1000000xf32, #tpu.memory_space<hbm>> -> memref<1000000xf32, #tpu.memory_space<hbm>>
    tpu.enqueue_indirect_dma source(%dma_start3A_408 : memref<1000000xf32, #tpu.memory_space<hbm>>) target(%arg97 : memref<512xf32, #tpu.memory_space<vmem>>) offsets(%arg71 : memref<512xi32, #tpu.memory_space<vmem>>) semaphore(%arg126 : memref<!tpu.dma_semaphore, #tpu.memory_space<semaphore_mem>>)
    %dma_start3A_409 = arith.constant 0 : i32
    %dma_start3A_410 = arith.constant 0 : i32
    %dma_start3A_411 = tpu.memref_slice %arg45[%dma_start3A_409, %dma_start3A_410] : memref<1x1000000xf32, #tpu.memory_space<hbm>> -> memref<1x1000000xf32, #tpu.memory_space<hbm>>
    %dma_start3A_412 = tpu.memref_squeeze %dma_start3A_411 : memref<1x1000000xf32, #tpu.memory_space<hbm>> -> memref<1000000xf32, #tpu.memory_space<hbm>>
    %dma_start3A_413 = arith.constant 0 : i32
    %dma_start3A_414 = tpu.memref_slice %dma_start3A_412[%dma_start3A_413] : memref<1000000xf32, #tpu.memory_space<hbm>> -> memref<1000000xf32, #tpu.memory_space<hbm>>
    tpu.enqueue_indirect_dma source(%dma_start3A_414 : memref<1000000xf32, #tpu.memory_space<hbm>>) target(%arg98 : memref<512xf32, #tpu.memory_space<vmem>>) offsets(%arg72 : memref<512xi32, #tpu.memory_space<vmem>>) semaphore(%arg126 : memref<!tpu.dma_semaphore, #tpu.memory_space<semaphore_mem>>)
    %dma_start3A_415 = arith.constant 0 : i32
    %dma_start3A_416 = arith.constant 0 : i32
    %dma_start3A_417 = tpu.memref_slice %arg46[%dma_start3A_415, %dma_start3A_416] : memref<1x1000000xf32, #tpu.memory_space<hbm>> -> memref<1x1000000xf32, #tpu.memory_space<hbm>>
    %dma_start3A_418 = tpu.memref_squeeze %dma_start3A_417 : memref<1x1000000xf32, #tpu.memory_space<hbm>> -> memref<1000000xf32, #tpu.memory_space<hbm>>
    %dma_start3A_419 = arith.constant 0 : i32
    %dma_start3A_420 = tpu.memref_slice %dma_start3A_418[%dma_start3A_419] : memref<1000000xf32, #tpu.memory_space<hbm>> -> memref<1000000xf32, #tpu.memory_space<hbm>>
    tpu.enqueue_indirect_dma source(%dma_start3A_420 : memref<1000000xf32, #tpu.memory_space<hbm>>) target(%arg99 : memref<512xf32, #tpu.memory_space<vmem>>) offsets(%arg73 : memref<512xi32, #tpu.memory_space<vmem>>) semaphore(%arg126 : memref<!tpu.dma_semaphore, #tpu.memory_space<semaphore_mem>>)
    %dma_start3A_421 = arith.constant 0 : i32
    %dma_start3A_422 = arith.constant 0 : i32
    %dma_start3A_423 = tpu.memref_slice %arg47[%dma_start3A_421, %dma_start3A_422] : memref<1x1000000xf32, #tpu.memory_space<hbm>> -> memref<1x1000000xf32, #tpu.memory_space<hbm>>
    %dma_start3A_424 = tpu.memref_squeeze %dma_start3A_423 : memref<1x1000000xf32, #tpu.memory_space<hbm>> -> memref<1000000xf32, #tpu.memory_space<hbm>>
    %dma_start3A_425 = arith.constant 0 : i32
    %dma_start3A_426 = tpu.memref_slice %dma_start3A_424[%dma_start3A_425] : memref<1000000xf32, #tpu.memory_space<hbm>> -> memref<1000000xf32, #tpu.memory_space<hbm>>
    tpu.enqueue_indirect_dma source(%dma_start3A_426 : memref<1000000xf32, #tpu.memory_space<hbm>>) target(%arg100 : memref<512xf32, #tpu.memory_space<vmem>>) offsets(%arg74 : memref<512xi32, #tpu.memory_space<vmem>>) semaphore(%arg126 : memref<!tpu.dma_semaphore, #tpu.memory_space<semaphore_mem>>)
    %dma_start3A_427 = arith.constant 0 : i32
    %dma_start3A_428 = arith.constant 0 : i32
    %dma_start3A_429 = tpu.memref_slice %arg48[%dma_start3A_427, %dma_start3A_428] : memref<1x1000000xf32, #tpu.memory_space<hbm>> -> memref<1x1000000xf32, #tpu.memory_space<hbm>>
    %dma_start3A_430 = tpu.memref_squeeze %dma_start3A_429 : memref<1x1000000xf32, #tpu.memory_space<hbm>> -> memref<1000000xf32, #tpu.memory_space<hbm>>
    %dma_start3A_431 = arith.constant 0 : i32
    %dma_start3A_432 = tpu.memref_slice %dma_start3A_430[%dma_start3A_431] : memref<1000000xf32, #tpu.memory_space<hbm>> -> memref<1000000xf32, #tpu.memory_space<hbm>>
    tpu.enqueue_indirect_dma source(%dma_start3A_432 : memref<1000000xf32, #tpu.memory_space<hbm>>) target(%arg101 : memref<512xf32, #tpu.memory_space<vmem>>) offsets(%arg75 : memref<512xi32, #tpu.memory_space<vmem>>) semaphore(%arg126 : memref<!tpu.dma_semaphore, #tpu.memory_space<semaphore_mem>>)
    %dma_start3A_433 = arith.constant 0 : i32
    %dma_start3A_434 = arith.constant 0 : i32
    %dma_start3A_435 = tpu.memref_slice %arg49[%dma_start3A_433, %dma_start3A_434] : memref<1x1000000xf32, #tpu.memory_space<hbm>> -> memref<1x1000000xf32, #tpu.memory_space<hbm>>
    %dma_start3A_436 = tpu.memref_squeeze %dma_start3A_435 : memref<1x1000000xf32, #tpu.memory_space<hbm>> -> memref<1000000xf32, #tpu.memory_space<hbm>>
    %dma_start3A_437 = arith.constant 0 : i32
    %dma_start3A_438 = tpu.memref_slice %dma_start3A_436[%dma_start3A_437] : memref<1000000xf32, #tpu.memory_space<hbm>> -> memref<1000000xf32, #tpu.memory_space<hbm>>
    tpu.enqueue_indirect_dma source(%dma_start3A_438 : memref<1000000xf32, #tpu.memory_space<hbm>>) target(%arg102 : memref<512xf32, #tpu.memory_space<vmem>>) offsets(%arg76 : memref<512xi32, #tpu.memory_space<vmem>>) semaphore(%arg126 : memref<!tpu.dma_semaphore, #tpu.memory_space<semaphore_mem>>)
    %dma_start3A_439 = arith.constant 0 : i32
    %dma_start3A_440 = arith.constant 0 : i32
    %dma_start3A_441 = tpu.memref_slice %arg50[%dma_start3A_439, %dma_start3A_440] : memref<1x1000000xf32, #tpu.memory_space<hbm>> -> memref<1x1000000xf32, #tpu.memory_space<hbm>>
    %dma_start3A_442 = tpu.memref_squeeze %dma_start3A_441 : memref<1x1000000xf32, #tpu.memory_space<hbm>> -> memref<1000000xf32, #tpu.memory_space<hbm>>
    %dma_start3A_443 = arith.constant 0 : i32
    %dma_start3A_444 = tpu.memref_slice %dma_start3A_442[%dma_start3A_443] : memref<1000000xf32, #tpu.memory_space<hbm>> -> memref<1000000xf32, #tpu.memory_space<hbm>>
    tpu.enqueue_indirect_dma source(%dma_start3A_444 : memref<1000000xf32, #tpu.memory_space<hbm>>) target(%arg103 : memref<512xf32, #tpu.memory_space<vmem>>) offsets(%arg77 : memref<512xi32, #tpu.memory_space<vmem>>) semaphore(%arg126 : memref<!tpu.dma_semaphore, #tpu.memory_space<semaphore_mem>>)
    %dma_start3A_445 = arith.constant 0 : i32
    %dma_start3A_446 = arith.constant 0 : i32
    %dma_start3A_447 = tpu.memref_slice %arg51[%dma_start3A_445, %dma_start3A_446] : memref<1x1000000xf32, #tpu.memory_space<hbm>> -> memref<1x1000000xf32, #tpu.memory_space<hbm>>
    %dma_start3A_448 = tpu.memref_squeeze %dma_start3A_447 : memref<1x1000000xf32, #tpu.memory_space<hbm>> -> memref<1000000xf32, #tpu.memory_space<hbm>>
    %dma_start3A_449 = arith.constant 0 : i32
    %dma_start3A_450 = tpu.memref_slice %dma_start3A_448[%dma_start3A_449] : memref<1000000xf32, #tpu.memory_space<hbm>> -> memref<1000000xf32, #tpu.memory_space<hbm>>
    tpu.enqueue_indirect_dma source(%dma_start3A_450 : memref<1000000xf32, #tpu.memory_space<hbm>>) target(%arg104 : memref<512xf32, #tpu.memory_space<vmem>>) offsets(%arg78 : memref<512xi32, #tpu.memory_space<vmem>>) semaphore(%arg126 : memref<!tpu.dma_semaphore, #tpu.memory_space<semaphore_mem>>)
    %dma_start3A_451 = arith.constant 0 : i32
    %dma_start3A_452 = arith.constant 0 : i32
    %dma_start3A_453 = tpu.memref_slice %arg52[%dma_start3A_451, %dma_start3A_452] : memref<1x1000000xf32, #tpu.memory_space<hbm>> -> memref<1x1000000xf32, #tpu.memory_space<hbm>>
    %dma_start3A_454 = tpu.memref_squeeze %dma_start3A_453 : memref<1x1000000xf32, #tpu.memory_space<hbm>> -> memref<1000000xf32, #tpu.memory_space<hbm>>
    %dma_start3A_455 = arith.constant 0 : i32
    %dma_start3A_456 = tpu.memref_slice %dma_start3A_454[%dma_start3A_455] : memref<1000000xf32, #tpu.memory_space<hbm>> -> memref<1000000xf32, #tpu.memory_space<hbm>>
    tpu.enqueue_indirect_dma source(%dma_start3A_456 : memref<1000000xf32, #tpu.memory_space<hbm>>) target(%arg105 : memref<512xf32, #tpu.memory_space<vmem>>) offsets(%arg79 : memref<512xi32, #tpu.memory_space<vmem>>) semaphore(%arg126 : memref<!tpu.dma_semaphore, #tpu.memory_space<semaphore_mem>>)
    %dma_start3A_457 = arith.constant 0 : i32
    %dma_start3A_458 = arith.constant 0 : i32
    %dma_start3A_459 = tpu.memref_slice %arg53[%dma_start3A_457, %dma_start3A_458] : memref<1x1000000xf32, #tpu.memory_space<hbm>> -> memref<1x1000000xf32, #tpu.memory_space<hbm>>
    %dma_start3A_460 = tpu.memref_squeeze %dma_start3A_459 : memref<1x1000000xf32, #tpu.memory_space<hbm>> -> memref<1000000xf32, #tpu.memory_space<hbm>>
    %dma_start3A_461 = arith.constant 0 : i32
    %dma_start3A_462 = tpu.memref_slice %dma_start3A_460[%dma_start3A_461] : memref<1000000xf32, #tpu.memory_space<hbm>> -> memref<1000000xf32, #tpu.memory_space<hbm>>
    tpu.enqueue_indirect_dma source(%dma_start3A_462 : memref<1000000xf32, #tpu.memory_space<hbm>>) target(%arg106 : memref<512xf32, #tpu.memory_space<vmem>>) offsets(%arg80 : memref<512xi32, #tpu.memory_space<vmem>>) semaphore(%arg126 : memref<!tpu.dma_semaphore, #tpu.memory_space<semaphore_mem>>)
    %dma_start3A_463 = arith.constant 0 : i32
    %dma_start3A_464 = arith.constant 0 : i32
    %dma_start3A_465 = tpu.memref_slice %arg54[%dma_start3A_463, %dma_start3A_464] : memref<1x1000000xf32, #tpu.memory_space<hbm>> -> memref<1x1000000xf32, #tpu.memory_space<hbm>>
    %dma_start3A_466 = tpu.memref_squeeze %dma_start3A_465 : memref<1x1000000xf32, #tpu.memory_space<hbm>> -> memref<1000000xf32, #tpu.memory_space<hbm>>
    %dma_start3A_467 = arith.constant 0 : i32
    %dma_start3A_468 = tpu.memref_slice %dma_start3A_466[%dma_start3A_467] : memref<1000000xf32, #tpu.memory_space<hbm>> -> memref<1000000xf32, #tpu.memory_space<hbm>>
    tpu.enqueue_indirect_dma source(%dma_start3A_468 : memref<1000000xf32, #tpu.memory_space<hbm>>) target(%arg107 : memref<512xf32, #tpu.memory_space<vmem>>) offsets(%arg81 : memref<512xi32, #tpu.memory_space<vmem>>) semaphore(%arg126 : memref<!tpu.dma_semaphore, #tpu.memory_space<semaphore_mem>>)
    %dma_start3A_469 = arith.constant 0 : i32
    %dma_start3A_470 = arith.constant 0 : i32
    %dma_start3A_471 = tpu.memref_slice %arg55[%dma_start3A_469, %dma_start3A_470] : memref<1x1000000xf32, #tpu.memory_space<hbm>> -> memref<1x1000000xf32, #tpu.memory_space<hbm>>
    %dma_start3A_472 = tpu.memref_squeeze %dma_start3A_471 : memref<1x1000000xf32, #tpu.memory_space<hbm>> -> memref<1000000xf32, #tpu.memory_space<hbm>>
    %dma_start3A_473 = arith.constant 0 : i32
    %dma_start3A_474 = tpu.memref_slice %dma_start3A_472[%dma_start3A_473] : memref<1000000xf32, #tpu.memory_space<hbm>> -> memref<1000000xf32, #tpu.memory_space<hbm>>
    tpu.enqueue_indirect_dma source(%dma_start3A_474 : memref<1000000xf32, #tpu.memory_space<hbm>>) target(%arg108 : memref<512xf32, #tpu.memory_space<vmem>>) offsets(%arg82 : memref<512xi32, #tpu.memory_space<vmem>>) semaphore(%arg126 : memref<!tpu.dma_semaphore, #tpu.memory_space<semaphore_mem>>)
    %dma_start3A_475 = arith.constant 0 : i32
    %dma_start3A_476 = arith.constant 0 : i32
    %dma_start3A_477 = tpu.memref_slice %arg56[%dma_start3A_475, %dma_start3A_476] : memref<1x1000000xf32, #tpu.memory_space<hbm>> -> memref<1x1000000xf32, #tpu.memory_space<hbm>>
    %dma_start3A_478 = tpu.memref_squeeze %dma_start3A_477 : memref<1x1000000xf32, #tpu.memory_space<hbm>> -> memref<1000000xf32, #tpu.memory_space<hbm>>
    %dma_start3A_479 = arith.constant 0 : i32
    %dma_start3A_480 = tpu.memref_slice %dma_start3A_478[%dma_start3A_479] : memref<1000000xf32, #tpu.memory_space<hbm>> -> memref<1000000xf32, #tpu.memory_space<hbm>>
    tpu.enqueue_indirect_dma source(%dma_start3A_480 : memref<1000000xf32, #tpu.memory_space<hbm>>) target(%arg109 : memref<512xf32, #tpu.memory_space<vmem>>) offsets(%arg83 : memref<512xi32, #tpu.memory_space<vmem>>) semaphore(%arg126 : memref<!tpu.dma_semaphore, #tpu.memory_space<semaphore_mem>>)
    %dma_start3A_481 = arith.constant 0 : i32
    %dma_start3A_482 = arith.constant 0 : i32
    %dma_start3A_483 = tpu.memref_slice %arg57[%dma_start3A_481, %dma_start3A_482] : memref<1x1000000xf32, #tpu.memory_space<hbm>> -> memref<1x1000000xf32, #tpu.memory_space<hbm>>
    %dma_start3A_484 = tpu.memref_squeeze %dma_start3A_483 : memref<1x1000000xf32, #tpu.memory_space<hbm>> -> memref<1000000xf32, #tpu.memory_space<hbm>>
    %dma_start3A_485 = arith.constant 0 : i32
    %dma_start3A_486 = tpu.memref_slice %dma_start3A_484[%dma_start3A_485] : memref<1000000xf32, #tpu.memory_space<hbm>> -> memref<1000000xf32, #tpu.memory_space<hbm>>
    tpu.enqueue_indirect_dma source(%dma_start3A_486 : memref<1000000xf32, #tpu.memory_space<hbm>>) target(%arg110 : memref<512xf32, #tpu.memory_space<vmem>>) offsets(%arg84 : memref<512xi32, #tpu.memory_space<vmem>>) semaphore(%arg126 : memref<!tpu.dma_semaphore, #tpu.memory_space<semaphore_mem>>)
    %dma_start3A_487 = arith.constant 0 : i32
    %dma_start3A_488 = arith.constant 0 : i32
    %dma_start3A_489 = tpu.memref_slice %arg58[%dma_start3A_487, %dma_start3A_488] : memref<1x1000000xf32, #tpu.memory_space<hbm>> -> memref<1x1000000xf32, #tpu.memory_space<hbm>>
    %dma_start3A_490 = tpu.memref_squeeze %dma_start3A_489 : memref<1x1000000xf32, #tpu.memory_space<hbm>> -> memref<1000000xf32, #tpu.memory_space<hbm>>
    %dma_start3A_491 = arith.constant 0 : i32
    %dma_start3A_492 = tpu.memref_slice %dma_start3A_490[%dma_start3A_491] : memref<1000000xf32, #tpu.memory_space<hbm>> -> memref<1000000xf32, #tpu.memory_space<hbm>>
    tpu.enqueue_indirect_dma source(%dma_start3A_492 : memref<1000000xf32, #tpu.memory_space<hbm>>) target(%arg111 : memref<512xf32, #tpu.memory_space<vmem>>) offsets(%arg85 : memref<512xi32, #tpu.memory_space<vmem>>) semaphore(%arg126 : memref<!tpu.dma_semaphore, #tpu.memory_space<semaphore_mem>>)
    %dma_start3A_493 = arith.constant 0 : i32
    %dma_start3A_494 = arith.constant 0 : i32
    %dma_start3A_495 = tpu.memref_slice %arg59[%dma_start3A_493, %dma_start3A_494] : memref<1x1000000xf32, #tpu.memory_space<hbm>> -> memref<1x1000000xf32, #tpu.memory_space<hbm>>
    %dma_start3A_496 = tpu.memref_squeeze %dma_start3A_495 : memref<1x1000000xf32, #tpu.memory_space<hbm>> -> memref<1000000xf32, #tpu.memory_space<hbm>>
    %dma_start3A_497 = arith.constant 0 : i32
    %dma_start3A_498 = tpu.memref_slice %dma_start3A_496[%dma_start3A_497] : memref<1000000xf32, #tpu.memory_space<hbm>> -> memref<1000000xf32, #tpu.memory_space<hbm>>
    tpu.enqueue_indirect_dma source(%dma_start3A_498 : memref<1000000xf32, #tpu.memory_space<hbm>>) target(%arg112 : memref<512xf32, #tpu.memory_space<vmem>>) offsets(%arg86 : memref<512xi32, #tpu.memory_space<vmem>>) semaphore(%arg126 : memref<!tpu.dma_semaphore, #tpu.memory_space<semaphore_mem>>)
    %dma_start3A_499 = arith.constant 0 : i32
    %dma_start3A_500 = arith.constant 0 : i32
    %dma_start3A_501 = tpu.memref_slice %arg60[%dma_start3A_499, %dma_start3A_500] : memref<1x1000000xf32, #tpu.memory_space<hbm>> -> memref<1x1000000xf32, #tpu.memory_space<hbm>>
    %dma_start3A_502 = tpu.memref_squeeze %dma_start3A_501 : memref<1x1000000xf32, #tpu.memory_space<hbm>> -> memref<1000000xf32, #tpu.memory_space<hbm>>
    %dma_start3A_503 = arith.constant 0 : i32
    %dma_start3A_504 = tpu.memref_slice %dma_start3A_502[%dma_start3A_503] : memref<1000000xf32, #tpu.memory_space<hbm>> -> memref<1000000xf32, #tpu.memory_space<hbm>>
    tpu.enqueue_indirect_dma source(%dma_start3A_504 : memref<1000000xf32, #tpu.memory_space<hbm>>) target(%arg113 : memref<512xf32, #tpu.memory_space<vmem>>) offsets(%arg87 : memref<512xi32, #tpu.memory_space<vmem>>) semaphore(%arg126 : memref<!tpu.dma_semaphore, #tpu.memory_space<semaphore_mem>>)
    %dma_start3A_505 = arith.constant 0 : i32
    %dma_start3A_506 = arith.constant 0 : i32
    %dma_start3A_507 = tpu.memref_slice %arg61[%dma_start3A_505, %dma_start3A_506] : memref<1x1000000xf32, #tpu.memory_space<hbm>> -> memref<1x1000000xf32, #tpu.memory_space<hbm>>
    %dma_start3A_508 = tpu.memref_squeeze %dma_start3A_507 : memref<1x1000000xf32, #tpu.memory_space<hbm>> -> memref<1000000xf32, #tpu.memory_space<hbm>>
    %dma_start3A_509 = arith.constant 0 : i32
    %dma_start3A_510 = tpu.memref_slice %dma_start3A_508[%dma_start3A_509] : memref<1000000xf32, #tpu.memory_space<hbm>> -> memref<1000000xf32, #tpu.memory_space<hbm>>
    tpu.enqueue_indirect_dma source(%dma_start3A_510 : memref<1000000xf32, #tpu.memory_space<hbm>>) target(%arg114 : memref<512xf32, #tpu.memory_space<vmem>>) offsets(%arg88 : memref<512xi32, #tpu.memory_space<vmem>>) semaphore(%arg126 : memref<!tpu.dma_semaphore, #tpu.memory_space<semaphore_mem>>)
    %dma_start3A_511 = arith.constant 0 : i32
    %dma_start3A_512 = arith.constant 0 : i32
    %dma_start3A_513 = tpu.memref_slice %arg62[%dma_start3A_511, %dma_start3A_512] : memref<1x1000000xf32, #tpu.memory_space<hbm>> -> memref<1x1000000xf32, #tpu.memory_space<hbm>>
    %dma_start3A_514 = tpu.memref_squeeze %dma_start3A_513 : memref<1x1000000xf32, #tpu.memory_space<hbm>> -> memref<1000000xf32, #tpu.memory_space<hbm>>
    %dma_start3A_515 = arith.constant 0 : i32
    %dma_start3A_516 = tpu.memref_slice %dma_start3A_514[%dma_start3A_515] : memref<1000000xf32, #tpu.memory_space<hbm>> -> memref<1000000xf32, #tpu.memory_space<hbm>>
    tpu.enqueue_indirect_dma source(%dma_start3A_516 : memref<1000000xf32, #tpu.memory_space<hbm>>) target(%arg115 : memref<512xf32, #tpu.memory_space<vmem>>) offsets(%arg89 : memref<512xi32, #tpu.memory_space<vmem>>) semaphore(%arg126 : memref<!tpu.dma_semaphore, #tpu.memory_space<semaphore_mem>>)
    %dma_start3A_517 = arith.constant 0 : i32
    %dma_start3A_518 = arith.constant 0 : i32
    %dma_start3A_519 = tpu.memref_slice %arg63[%dma_start3A_517, %dma_start3A_518] : memref<1x1000000xf32, #tpu.memory_space<hbm>> -> memref<1x1000000xf32, #tpu.memory_space<hbm>>
    %dma_start3A_520 = tpu.memref_squeeze %dma_start3A_519 : memref<1x1000000xf32, #tpu.memory_space<hbm>> -> memref<1000000xf32, #tpu.memory_space<hbm>>
    %dma_start3A_521 = arith.constant 0 : i32
    %dma_start3A_522 = tpu.memref_slice %dma_start3A_520[%dma_start3A_521] : memref<1000000xf32, #tpu.memory_space<hbm>> -> memref<1000000xf32, #tpu.memory_space<hbm>>
    tpu.enqueue_indirect_dma source(%dma_start3A_522 : memref<1000000xf32, #tpu.memory_space<hbm>>) target(%arg116 : memref<512xf32, #tpu.memory_space<vmem>>) offsets(%arg90 : memref<512xi32, #tpu.memory_space<vmem>>) semaphore(%arg126 : memref<!tpu.dma_semaphore, #tpu.memory_space<semaphore_mem>>)
    %dma_start3A_523 = arith.constant 0 : i32
    %dma_start3A_524 = arith.constant 0 : i32
    %dma_start3A_525 = tpu.memref_slice %arg64[%dma_start3A_523, %dma_start3A_524] : memref<1x1000000xf32, #tpu.memory_space<hbm>> -> memref<1x1000000xf32, #tpu.memory_space<hbm>>
    %dma_start3A_526 = tpu.memref_squeeze %dma_start3A_525 : memref<1x1000000xf32, #tpu.memory_space<hbm>> -> memref<1000000xf32, #tpu.memory_space<hbm>>
    %dma_start3A_527 = arith.constant 0 : i32
    %dma_start3A_528 = tpu.memref_slice %dma_start3A_526[%dma_start3A_527] : memref<1000000xf32, #tpu.memory_space<hbm>> -> memref<1000000xf32, #tpu.memory_space<hbm>>
    tpu.enqueue_indirect_dma source(%dma_start3A_528 : memref<1000000xf32, #tpu.memory_space<hbm>>) target(%arg117 : memref<512xf32, #tpu.memory_space<vmem>>) offsets(%arg91 : memref<512xi32, #tpu.memory_space<vmem>>) semaphore(%arg126 : memref<!tpu.dma_semaphore, #tpu.memory_space<semaphore_mem>>)
    %dma_start3A_529 = arith.constant 0 : i32
    %dma_start3A_530 = arith.constant 0 : i32
    %dma_start3A_531 = tpu.memref_slice %arg65[%dma_start3A_529, %dma_start3A_530] : memref<1x1000000xf32, #tpu.memory_space<hbm>> -> memref<1x1000000xf32, #tpu.memory_space<hbm>>
    %dma_start3A_532 = tpu.memref_squeeze %dma_start3A_531 : memref<1x1000000xf32, #tpu.memory_space<hbm>> -> memref<1000000xf32, #tpu.memory_space<hbm>>
    %dma_start3A_533 = arith.constant 0 : i32
    %dma_start3A_534 = tpu.memref_slice %dma_start3A_532[%dma_start3A_533] : memref<1000000xf32, #tpu.memory_space<hbm>> -> memref<1000000xf32, #tpu.memory_space<hbm>>
    tpu.enqueue_indirect_dma source(%dma_start3A_534 : memref<1000000xf32, #tpu.memory_space<hbm>>) target(%arg118 : memref<512xf32, #tpu.memory_space<vmem>>) offsets(%arg92 : memref<512xi32, #tpu.memory_space<vmem>>) semaphore(%arg126 : memref<!tpu.dma_semaphore, #tpu.memory_space<semaphore_mem>>)
    %dma_start3A_535 = arith.constant 0 : i32
    %dma_start3A_536 = arith.constant 0 : i32
    %dma_start3A_537 = tpu.memref_slice %arg66[%dma_start3A_535, %dma_start3A_536] : memref<1x1000000xf32, #tpu.memory_space<hbm>> -> memref<1x1000000xf32, #tpu.memory_space<hbm>>
    %dma_start3A_538 = tpu.memref_squeeze %dma_start3A_537 : memref<1x1000000xf32, #tpu.memory_space<hbm>> -> memref<1000000xf32, #tpu.memory_space<hbm>>
    %dma_start3A_539 = arith.constant 0 : i32
    %dma_start3A_540 = tpu.memref_slice %dma_start3A_538[%dma_start3A_539] : memref<1000000xf32, #tpu.memory_space<hbm>> -> memref<1000000xf32, #tpu.memory_space<hbm>>
    tpu.enqueue_indirect_dma source(%dma_start3A_540 : memref<1000000xf32, #tpu.memory_space<hbm>>) target(%arg119 : memref<512xf32, #tpu.memory_space<vmem>>) offsets(%arg93 : memref<512xi32, #tpu.memory_space<vmem>>) semaphore(%arg126 : memref<!tpu.dma_semaphore, #tpu.memory_space<semaphore_mem>>)
    %dma_start3A_541 = arith.constant 0 : i32
    %dma_start3A_542 = arith.constant 0 : i32
    %dma_start3A_543 = tpu.memref_slice %arg67[%dma_start3A_541, %dma_start3A_542] : memref<1x1000000xf32, #tpu.memory_space<hbm>> -> memref<1x1000000xf32, #tpu.memory_space<hbm>>
    %dma_start3A_544 = tpu.memref_squeeze %dma_start3A_543 : memref<1x1000000xf32, #tpu.memory_space<hbm>> -> memref<1000000xf32, #tpu.memory_space<hbm>>
    %dma_start3A_545 = arith.constant 0 : i32
    %dma_start3A_546 = tpu.memref_slice %dma_start3A_544[%dma_start3A_545] : memref<1000000xf32, #tpu.memory_space<hbm>> -> memref<1000000xf32, #tpu.memory_space<hbm>>
    tpu.enqueue_indirect_dma source(%dma_start3A_546 : memref<1000000xf32, #tpu.memory_space<hbm>>) target(%arg120 : memref<512xf32, #tpu.memory_space<vmem>>) offsets(%arg94 : memref<512xi32, #tpu.memory_space<vmem>>) semaphore(%arg126 : memref<!tpu.dma_semaphore, #tpu.memory_space<semaphore_mem>>)
    %dma_wait3A_547 = arith.constant 0 : i32
    %dma_wait3A_548 = arith.constant 0 : i32
    %dma_wait3A_549 = tpu.memref_slice %arg121[%dma_wait3A_547, %dma_wait3A_548] : memref<13x512xf32, #tpu.memory_space<vmem>> -> memref<1x512xf32, #tpu.memory_space<vmem>>
    %dma_wait3A_550 = arith.constant 0 : i32
    %dma_wait3A_551 = tpu.memref_slice %arg28[%dma_wait3A_550, %mul3A_2] : memref<1x16384xf32, #tpu.memory_space<hbm>> -> memref<1x512xf32, #tpu.memory_space<hbm>>
    %dma_wait3A_552 = arith.constant 0 : i32
    %dma_wait3A_553 = arith.constant 0 : i32
    %dma_wait3A_554 = tpu.memref_slice %arg121[%dma_wait3A_552, %dma_wait3A_553] : memref<13x512xf32, #tpu.memory_space<vmem>> -> memref<1x512xf32, #tpu.memory_space<vmem>>
    %dma_wait3A_555 = arith.constant 0 : i32
    %dma_wait3A_556 = tpu.memref_slice %arg28[%dma_wait3A_555, %mul3A_2] : memref<1x16384xf32, #tpu.memory_space<hbm>> -> memref<1x512xf32, #tpu.memory_space<hbm>>
    tpu.wait_dma2 semaphore(%arg125 : memref<!tpu.dma_semaphore, #tpu.memory_space<semaphore_mem>>) src(%dma_wait3A_556 : memref<1x512xf32, #tpu.memory_space<hbm>>) dst(%dma_wait3A_554 : memref<1x512xf32, #tpu.memory_space<vmem>>)
    %dma_wait3A_557 = arith.constant 1 : i32
    %dma_wait3A_558 = arith.constant 0 : i32
    %dma_wait3A_559 = tpu.memref_slice %arg121[%dma_wait3A_557, %dma_wait3A_558] : memref<13x512xf32, #tpu.memory_space<vmem>> -> memref<1x512xf32, #tpu.memory_space<vmem>>
    %dma_wait3A_560 = arith.constant 0 : i32
    %dma_wait3A_561 = tpu.memref_slice %arg29[%dma_wait3A_560, %mul3A_2] : memref<1x16384xf32, #tpu.memory_space<hbm>> -> memref<1x512xf32, #tpu.memory_space<hbm>>
    %dma_wait3A_562 = arith.constant 1 : i32
    %dma_wait3A_563 = arith.constant 0 : i32
    %dma_wait3A_564 = tpu.memref_slice %arg121[%dma_wait3A_562, %dma_wait3A_563] : memref<13x512xf32, #tpu.memory_space<vmem>> -> memref<1x512xf32, #tpu.memory_space<vmem>>
    %dma_wait3A_565 = arith.constant 0 : i32
    %dma_wait3A_566 = tpu.memref_slice %arg29[%dma_wait3A_565, %mul3A_2] : memref<1x16384xf32, #tpu.memory_space<hbm>> -> memref<1x512xf32, #tpu.memory_space<hbm>>
    tpu.wait_dma2 semaphore(%arg125 : memref<!tpu.dma_semaphore, #tpu.memory_space<semaphore_mem>>) src(%dma_wait3A_566 : memref<1x512xf32, #tpu.memory_space<hbm>>) dst(%dma_wait3A_564 : memref<1x512xf32, #tpu.memory_space<vmem>>)
    %dma_wait3A_567 = arith.constant 2 : i32
    %dma_wait3A_568 = arith.constant 0 : i32
    %dma_wait3A_569 = tpu.memref_slice %arg121[%dma_wait3A_567, %dma_wait3A_568] : memref<13x512xf32, #tpu.memory_space<vmem>> -> memref<1x512xf32, #tpu.memory_space<vmem>>
    %dma_wait3A_570 = arith.constant 0 : i32
    %dma_wait3A_571 = tpu.memref_slice %arg30[%dma_wait3A_570, %mul3A_2] : memref<1x16384xf32, #tpu.memory_space<hbm>> -> memref<1x512xf32, #tpu.memory_space<hbm>>
    %dma_wait3A_572 = arith.constant 2 : i32
    %dma_wait3A_573 = arith.constant 0 : i32
    %dma_wait3A_574 = tpu.memref_slice %arg121[%dma_wait3A_572, %dma_wait3A_573] : memref<13x512xf32, #tpu.memory_space<vmem>> -> memref<1x512xf32, #tpu.memory_space<vmem>>
    %dma_wait3A_575 = arith.constant 0 : i32
    %dma_wait3A_576 = tpu.memref_slice %arg30[%dma_wait3A_575, %mul3A_2] : memref<1x16384xf32, #tpu.memory_space<hbm>> -> memref<1x512xf32, #tpu.memory_space<hbm>>
    tpu.wait_dma2 semaphore(%arg125 : memref<!tpu.dma_semaphore, #tpu.memory_space<semaphore_mem>>) src(%dma_wait3A_576 : memref<1x512xf32, #tpu.memory_space<hbm>>) dst(%dma_wait3A_574 : memref<1x512xf32, #tpu.memory_space<vmem>>)
    %dma_wait3A_577 = arith.constant 3 : i32
    %dma_wait3A_578 = arith.constant 0 : i32
    %dma_wait3A_579 = tpu.memref_slice %arg121[%dma_wait3A_577, %dma_wait3A_578] : memref<13x512xf32, #tpu.memory_space<vmem>> -> memref<1x512xf32, #tpu.memory_space<vmem>>
    %dma_wait3A_580 = arith.constant 0 : i32
    %dma_wait3A_581 = tpu.memref_slice %arg31[%dma_wait3A_580, %mul3A_2] : memref<1x16384xf32, #tpu.memory_space<hbm>> -> memref<1x512xf32, #tpu.memory_space<hbm>>
    %dma_wait3A_582 = arith.constant 3 : i32
    %dma_wait3A_583 = arith.constant 0 : i32
    %dma_wait3A_584 = tpu.memref_slice %arg121[%dma_wait3A_582, %dma_wait3A_583] : memref<13x512xf32, #tpu.memory_space<vmem>> -> memref<1x512xf32, #tpu.memory_space<vmem>>
    %dma_wait3A_585 = arith.constant 0 : i32
    %dma_wait3A_586 = tpu.memref_slice %arg31[%dma_wait3A_585, %mul3A_2] : memref<1x16384xf32, #tpu.memory_space<hbm>> -> memref<1x512xf32, #tpu.memory_space<hbm>>
    tpu.wait_dma2 semaphore(%arg125 : memref<!tpu.dma_semaphore, #tpu.memory_space<semaphore_mem>>) src(%dma_wait3A_586 : memref<1x512xf32, #tpu.memory_space<hbm>>) dst(%dma_wait3A_584 : memref<1x512xf32, #tpu.memory_space<vmem>>)
    %dma_wait3A_587 = arith.constant 4 : i32
    %dma_wait3A_588 = arith.constant 0 : i32
    %dma_wait3A_589 = tpu.memref_slice %arg121[%dma_wait3A_587, %dma_wait3A_588] : memref<13x512xf32, #tpu.memory_space<vmem>> -> memref<1x512xf32, #tpu.memory_space<vmem>>
    %dma_wait3A_590 = arith.constant 0 : i32
    %dma_wait3A_591 = tpu.memref_slice %arg32[%dma_wait3A_590, %mul3A_2] : memref<1x16384xf32, #tpu.memory_space<hbm>> -> memref<1x512xf32, #tpu.memory_space<hbm>>
    %dma_wait3A_592 = arith.constant 4 : i32
    %dma_wait3A_593 = arith.constant 0 : i32
    %dma_wait3A_594 = tpu.memref_slice %arg121[%dma_wait3A_592, %dma_wait3A_593] : memref<13x512xf32, #tpu.memory_space<vmem>> -> memref<1x512xf32, #tpu.memory_space<vmem>>
    %dma_wait3A_595 = arith.constant 0 : i32
    %dma_wait3A_596 = tpu.memref_slice %arg32[%dma_wait3A_595, %mul3A_2] : memref<1x16384xf32, #tpu.memory_space<hbm>> -> memref<1x512xf32, #tpu.memory_space<hbm>>
    tpu.wait_dma2 semaphore(%arg125 : memref<!tpu.dma_semaphore, #tpu.memory_space<semaphore_mem>>) src(%dma_wait3A_596 : memref<1x512xf32, #tpu.memory_space<hbm>>) dst(%dma_wait3A_594 : memref<1x512xf32, #tpu.memory_space<vmem>>)
    %dma_wait3A_597 = arith.constant 5 : i32
    %dma_wait3A_598 = arith.constant 0 : i32
    %dma_wait3A_599 = tpu.memref_slice %arg121[%dma_wait3A_597, %dma_wait3A_598] : memref<13x512xf32, #tpu.memory_space<vmem>> -> memref<1x512xf32, #tpu.memory_space<vmem>>
    %dma_wait3A_600 = arith.constant 0 : i32
    %dma_wait3A_601 = tpu.memref_slice %arg33[%dma_wait3A_600, %mul3A_2] : memref<1x16384xf32, #tpu.memory_space<hbm>> -> memref<1x512xf32, #tpu.memory_space<hbm>>
    %dma_wait3A_602 = arith.constant 5 : i32
    %dma_wait3A_603 = arith.constant 0 : i32
    %dma_wait3A_604 = tpu.memref_slice %arg121[%dma_wait3A_602, %dma_wait3A_603] : memref<13x512xf32, #tpu.memory_space<vmem>> -> memref<1x512xf32, #tpu.memory_space<vmem>>
    %dma_wait3A_605 = arith.constant 0 : i32
    %dma_wait3A_606 = tpu.memref_slice %arg33[%dma_wait3A_605, %mul3A_2] : memref<1x16384xf32, #tpu.memory_space<hbm>> -> memref<1x512xf32, #tpu.memory_space<hbm>>
    tpu.wait_dma2 semaphore(%arg125 : memref<!tpu.dma_semaphore, #tpu.memory_space<semaphore_mem>>) src(%dma_wait3A_606 : memref<1x512xf32, #tpu.memory_space<hbm>>) dst(%dma_wait3A_604 : memref<1x512xf32, #tpu.memory_space<vmem>>)
    %dma_wait3A_607 = arith.constant 6 : i32
    %dma_wait3A_608 = arith.constant 0 : i32
    %dma_wait3A_609 = tpu.memref_slice %arg121[%dma_wait3A_607, %dma_wait3A_608] : memref<13x512xf32, #tpu.memory_space<vmem>> -> memref<1x512xf32, #tpu.memory_space<vmem>>
    %dma_wait3A_610 = arith.constant 0 : i32
    %dma_wait3A_611 = tpu.memref_slice %arg34[%dma_wait3A_610, %mul3A_2] : memref<1x16384xf32, #tpu.memory_space<hbm>> -> memref<1x512xf32, #tpu.memory_space<hbm>>
    %dma_wait3A_612 = arith.constant 6 : i32
    %dma_wait3A_613 = arith.constant 0 : i32
    %dma_wait3A_614 = tpu.memref_slice %arg121[%dma_wait3A_612, %dma_wait3A_613] : memref<13x512xf32, #tpu.memory_space<vmem>> -> memref<1x512xf32, #tpu.memory_space<vmem>>
    %dma_wait3A_615 = arith.constant 0 : i32
    %dma_wait3A_616 = tpu.memref_slice %arg34[%dma_wait3A_615, %mul3A_2] : memref<1x16384xf32, #tpu.memory_space<hbm>> -> memref<1x512xf32, #tpu.memory_space<hbm>>
    tpu.wait_dma2 semaphore(%arg125 : memref<!tpu.dma_semaphore, #tpu.memory_space<semaphore_mem>>) src(%dma_wait3A_616 : memref<1x512xf32, #tpu.memory_space<hbm>>) dst(%dma_wait3A_614 : memref<1x512xf32, #tpu.memory_space<vmem>>)
    %dma_wait3A_617 = arith.constant 7 : i32
    %dma_wait3A_618 = arith.constant 0 : i32
    %dma_wait3A_619 = tpu.memref_slice %arg121[%dma_wait3A_617, %dma_wait3A_618] : memref<13x512xf32, #tpu.memory_space<vmem>> -> memref<1x512xf32, #tpu.memory_space<vmem>>
    %dma_wait3A_620 = arith.constant 0 : i32
    %dma_wait3A_621 = tpu.memref_slice %arg35[%dma_wait3A_620, %mul3A_2] : memref<1x16384xf32, #tpu.memory_space<hbm>> -> memref<1x512xf32, #tpu.memory_space<hbm>>
    %dma_wait3A_622 = arith.constant 7 : i32
    %dma_wait3A_623 = arith.constant 0 : i32
    %dma_wait3A_624 = tpu.memref_slice %arg121[%dma_wait3A_622, %dma_wait3A_623] : memref<13x512xf32, #tpu.memory_space<vmem>> -> memref<1x512xf32, #tpu.memory_space<vmem>>
    %dma_wait3A_625 = arith.constant 0 : i32
    %dma_wait3A_626 = tpu.memref_slice %arg35[%dma_wait3A_625, %mul3A_2] : memref<1x16384xf32, #tpu.memory_space<hbm>> -> memref<1x512xf32, #tpu.memory_space<hbm>>
    tpu.wait_dma2 semaphore(%arg125 : memref<!tpu.dma_semaphore, #tpu.memory_space<semaphore_mem>>) src(%dma_wait3A_626 : memref<1x512xf32, #tpu.memory_space<hbm>>) dst(%dma_wait3A_624 : memref<1x512xf32, #tpu.memory_space<vmem>>)
    %dma_wait3A_627 = arith.constant 8 : i32
    %dma_wait3A_628 = arith.constant 0 : i32
    %dma_wait3A_629 = tpu.memref_slice %arg121[%dma_wait3A_627, %dma_wait3A_628] : memref<13x512xf32, #tpu.memory_space<vmem>> -> memref<1x512xf32, #tpu.memory_space<vmem>>
    %dma_wait3A_630 = arith.constant 0 : i32
    %dma_wait3A_631 = tpu.memref_slice %arg36[%dma_wait3A_630, %mul3A_2] : memref<1x16384xf32, #tpu.memory_space<hbm>> -> memref<1x512xf32, #tpu.memory_space<hbm>>
    %dma_wait3A_632 = arith.constant 8 : i32
    %dma_wait3A_633 = arith.constant 0 : i32
    %dma_wait3A_634 = tpu.memref_slice %arg121[%dma_wait3A_632, %dma_wait3A_633] : memref<13x512xf32, #tpu.memory_space<vmem>> -> memref<1x512xf32, #tpu.memory_space<vmem>>
    %dma_wait3A_635 = arith.constant 0 : i32
    %dma_wait3A_636 = tpu.memref_slice %arg36[%dma_wait3A_635, %mul3A_2] : memref<1x16384xf32, #tpu.memory_space<hbm>> -> memref<1x512xf32, #tpu.memory_space<hbm>>
    tpu.wait_dma2 semaphore(%arg125 : memref<!tpu.dma_semaphore, #tpu.memory_space<semaphore_mem>>) src(%dma_wait3A_636 : memref<1x512xf32, #tpu.memory_space<hbm>>) dst(%dma_wait3A_634 : memref<1x512xf32, #tpu.memory_space<vmem>>)
    %dma_wait3A_637 = arith.constant 9 : i32
    %dma_wait3A_638 = arith.constant 0 : i32
    %dma_wait3A_639 = tpu.memref_slice %arg121[%dma_wait3A_637, %dma_wait3A_638] : memref<13x512xf32, #tpu.memory_space<vmem>> -> memref<1x512xf32, #tpu.memory_space<vmem>>
    %dma_wait3A_640 = arith.constant 0 : i32
    %dma_wait3A_641 = tpu.memref_slice %arg37[%dma_wait3A_640, %mul3A_2] : memref<1x16384xf32, #tpu.memory_space<hbm>> -> memref<1x512xf32, #tpu.memory_space<hbm>>
    %dma_wait3A_642 = arith.constant 9 : i32
    %dma_wait3A_643 = arith.constant 0 : i32
    %dma_wait3A_644 = tpu.memref_slice %arg121[%dma_wait3A_642, %dma_wait3A_643] : memref<13x512xf32, #tpu.memory_space<vmem>> -> memref<1x512xf32, #tpu.memory_space<vmem>>
    %dma_wait3A_645 = arith.constant 0 : i32
    %dma_wait3A_646 = tpu.memref_slice %arg37[%dma_wait3A_645, %mul3A_2] : memref<1x16384xf32, #tpu.memory_space<hbm>> -> memref<1x512xf32, #tpu.memory_space<hbm>>
    tpu.wait_dma2 semaphore(%arg125 : memref<!tpu.dma_semaphore, #tpu.memory_space<semaphore_mem>>) src(%dma_wait3A_646 : memref<1x512xf32, #tpu.memory_space<hbm>>) dst(%dma_wait3A_644 : memref<1x512xf32, #tpu.memory_space<vmem>>)
    %dma_wait3A_647 = arith.constant 10 : i32
    %dma_wait3A_648 = arith.constant 0 : i32
    %dma_wait3A_649 = tpu.memref_slice %arg121[%dma_wait3A_647, %dma_wait3A_648] : memref<13x512xf32, #tpu.memory_space<vmem>> -> memref<1x512xf32, #tpu.memory_space<vmem>>
    %dma_wait3A_650 = arith.constant 0 : i32
    %dma_wait3A_651 = tpu.memref_slice %arg38[%dma_wait3A_650, %mul3A_2] : memref<1x16384xf32, #tpu.memory_space<hbm>> -> memref<1x512xf32, #tpu.memory_space<hbm>>
    %dma_wait3A_652 = arith.constant 10 : i32
    %dma_wait3A_653 = arith.constant 0 : i32
    %dma_wait3A_654 = tpu.memref_slice %arg121[%dma_wait3A_652, %dma_wait3A_653] : memref<13x512xf32, #tpu.memory_space<vmem>> -> memref<1x512xf32, #tpu.memory_space<vmem>>
    %dma_wait3A_655 = arith.constant 0 : i32
    %dma_wait3A_656 = tpu.memref_slice %arg38[%dma_wait3A_655, %mul3A_2] : memref<1x16384xf32, #tpu.memory_space<hbm>> -> memref<1x512xf32, #tpu.memory_space<hbm>>
    tpu.wait_dma2 semaphore(%arg125 : memref<!tpu.dma_semaphore, #tpu.memory_space<semaphore_mem>>) src(%dma_wait3A_656 : memref<1x512xf32, #tpu.memory_space<hbm>>) dst(%dma_wait3A_654 : memref<1x512xf32, #tpu.memory_space<vmem>>)
    %dma_wait3A_657 = arith.constant 11 : i32
    %dma_wait3A_658 = arith.constant 0 : i32
    %dma_wait3A_659 = tpu.memref_slice %arg121[%dma_wait3A_657, %dma_wait3A_658] : memref<13x512xf32, #tpu.memory_space<vmem>> -> memref<1x512xf32, #tpu.memory_space<vmem>>
    %dma_wait3A_660 = arith.constant 0 : i32
    %dma_wait3A_661 = tpu.memref_slice %arg39[%dma_wait3A_660, %mul3A_2] : memref<1x16384xf32, #tpu.memory_space<hbm>> -> memref<1x512xf32, #tpu.memory_space<hbm>>
    %dma_wait3A_662 = arith.constant 11 : i32
    %dma_wait3A_663 = arith.constant 0 : i32
    %dma_wait3A_664 = tpu.memref_slice %arg121[%dma_wait3A_662, %dma_wait3A_663] : memref<13x512xf32, #tpu.memory_space<vmem>> -> memref<1x512xf32, #tpu.memory_space<vmem>>
    %dma_wait3A_665 = arith.constant 0 : i32
    %dma_wait3A_666 = tpu.memref_slice %arg39[%dma_wait3A_665, %mul3A_2] : memref<1x16384xf32, #tpu.memory_space<hbm>> -> memref<1x512xf32, #tpu.memory_space<hbm>>
    tpu.wait_dma2 semaphore(%arg125 : memref<!tpu.dma_semaphore, #tpu.memory_space<semaphore_mem>>) src(%dma_wait3A_666 : memref<1x512xf32, #tpu.memory_space<hbm>>) dst(%dma_wait3A_664 : memref<1x512xf32, #tpu.memory_space<vmem>>)
    %dma_wait3A_667 = arith.constant 12 : i32
    %dma_wait3A_668 = arith.constant 0 : i32
    %dma_wait3A_669 = tpu.memref_slice %arg121[%dma_wait3A_667, %dma_wait3A_668] : memref<13x512xf32, #tpu.memory_space<vmem>> -> memref<1x512xf32, #tpu.memory_space<vmem>>
    %dma_wait3A_670 = arith.constant 0 : i32
    %dma_wait3A_671 = tpu.memref_slice %arg40[%dma_wait3A_670, %mul3A_2] : memref<1x16384xf32, #tpu.memory_space<hbm>> -> memref<1x512xf32, #tpu.memory_space<hbm>>
    %dma_wait3A_672 = arith.constant 12 : i32
    %dma_wait3A_673 = arith.constant 0 : i32
    %dma_wait3A_674 = tpu.memref_slice %arg121[%dma_wait3A_672, %dma_wait3A_673] : memref<13x512xf32, #tpu.memory_space<vmem>> -> memref<1x512xf32, #tpu.memory_space<vmem>>
    %dma_wait3A_675 = arith.constant 0 : i32
    %dma_wait3A_676 = tpu.memref_slice %arg40[%dma_wait3A_675, %mul3A_2] : memref<1x16384xf32, #tpu.memory_space<hbm>> -> memref<1x512xf32, #tpu.memory_space<hbm>>
    tpu.wait_dma2 semaphore(%arg125 : memref<!tpu.dma_semaphore, #tpu.memory_space<semaphore_mem>>) src(%dma_wait3A_676 : memref<1x512xf32, #tpu.memory_space<hbm>>) dst(%dma_wait3A_674 : memref<1x512xf32, #tpu.memory_space<vmem>>)
    tpu.wait_dma2 semaphore(%arg125 : memref<!tpu.dma_semaphore, #tpu.memory_space<semaphore_mem>>) src(%arg41 : memref<40x16xf32, #tpu.memory_space<hbm>>) dst(%arg122 : memref<40x16xf32, #tpu.memory_space<vmem>>)
    %scan3A = arith.constant 0 : i32
    %scan3A_677 = arith.constant 0 : i32
    %scan3A_678 = arith.constant 32 : i32
    %scan3A_679 = arith.addi %scan3A_677, %scan3A_678 : i32
    %scan3A_680 = arith.constant 1 : i32
    scf.for %scan3A_844 = %scan3A_677 to %scan3A_679 step %scan3A_680  : i32 {
      %mul3A_845 = arith.constant 16 : i32
      %mul3A_846 = arith.muli %scan3A_844, %mul3A_845 : i32
      %get3A = arith.constant 39 : i32
      %get3A_847 = arith.index_cast %get3A : i32 to index
      %get3A_848 = arith.constant 0 : index
      %get3A_849 = tpu.vector_load %arg122[%get3A_847, %get3A_848] {strides = array<i32>} : memref<40x16xf32, #tpu.memory_space<vmem>>, vector<1x16xf32>,
      %get3A_850 = vector.shape_cast %get3A_849 : vector<1x16xf32> to vector<16xf32>
      %get3A_851 = arith.constant 0 : i32
      %get3A_852 = arith.index_cast %get3A_851 : i32 to index
      %get3A_853 = arith.index_cast %mul3A_846 : i32 to index
      %get3A_854 = tpu.vector_load %arg121[%get3A_852, %get3A_853] {strides = array<i32>} : memref<13x512xf32, #tpu.memory_space<vmem>>, vector<1x16xf32>,
      %get3A_855 = vector.shape_cast %get3A_854 : vector<1x16xf32> to vector<16xf32>
      %get3A_856 = arith.constant 26 : i32
      %get3A_857 = arith.index_cast %get3A_856 : i32 to index
      %get3A_858 = arith.constant 0 : index
      %get3A_859 = tpu.vector_load %arg122[%get3A_857, %get3A_858] {strides = array<i32>} : memref<40x16xf32, #tpu.memory_space<vmem>>, vector<1x16xf32>,
      %get3A_860 = vector.shape_cast %get3A_859 : vector<1x16xf32> to vector<16xf32>
      %mul3A_861 = arith.mulf %get3A_855, %get3A_860 : vector<16xf32>
      %add3A_862 = arith.addf %get3A_850, %mul3A_861 : vector<16xf32>
      %get3A_863 = arith.constant 1 : i32
      %get3A_864 = arith.index_cast %get3A_863 : i32 to index
      %get3A_865 = arith.index_cast %mul3A_846 : i32 to index
      %get3A_866 = tpu.vector_load %arg121[%get3A_864, %get3A_865] {strides = array<i32>} : memref<13x512xf32, #tpu.memory_space<vmem>>, vector<1x16xf32>,
      %get3A_867 = vector.shape_cast %get3A_866 : vector<1x16xf32> to vector<16xf32>
      %get3A_868 = arith.constant 27 : i32
      %get3A_869 = arith.index_cast %get3A_868 : i32 to index
      %get3A_870 = arith.constant 0 : index
      %get3A_871 = tpu.vector_load %arg122[%get3A_869, %get3A_870] {strides = array<i32>} : memref<40x16xf32, #tpu.memory_space<vmem>>, vector<1x16xf32>,
      %get3A_872 = vector.shape_cast %get3A_871 : vector<1x16xf32> to vector<16xf32>
      %mul3A_873 = arith.mulf %get3A_867, %get3A_872 : vector<16xf32>
      %add3A_874 = arith.addf %add3A_862, %mul3A_873 : vector<16xf32>
      %get3A_875 = arith.constant 2 : i32
      %get3A_876 = arith.index_cast %get3A_875 : i32 to index
      %get3A_877 = arith.index_cast %mul3A_846 : i32 to index
      %get3A_878 = tpu.vector_load %arg121[%get3A_876, %get3A_877] {strides = array<i32>} : memref<13x512xf32, #tpu.memory_space<vmem>>, vector<1x16xf32>,
      %get3A_879 = vector.shape_cast %get3A_878 : vector<1x16xf32> to vector<16xf32>
      %get3A_880 = arith.constant 28 : i32
      %get3A_881 = arith.index_cast %get3A_880 : i32 to index
      %get3A_882 = arith.constant 0 : index
      %get3A_883 = tpu.vector_load %arg122[%get3A_881, %get3A_882] {strides = array<i32>} : memref<40x16xf32, #tpu.memory_space<vmem>>, vector<1x16xf32>,
      %get3A_884 = vector.shape_cast %get3A_883 : vector<1x16xf32> to vector<16xf32>
      %mul3A_885 = arith.mulf %get3A_879, %get3A_884 : vector<16xf32>
      %add3A_886 = arith.addf %add3A_874, %mul3A_885 : vector<16xf32>
      %get3A_887 = arith.constant 3 : i32
      %get3A_888 = arith.index_cast %get3A_887 : i32 to index
      %get3A_889 = arith.index_cast %mul3A_846 : i32 to index
      %get3A_890 = tpu.vector_load %arg121[%get3A_888, %get3A_889] {strides = array<i32>} : memref<13x512xf32, #tpu.memory_space<vmem>>, vector<1x16xf32>,
      %get3A_891 = vector.shape_cast %get3A_890 : vector<1x16xf32> to vector<16xf32>
      %get3A_892 = arith.constant 29 : i32
      %get3A_893 = arith.index_cast %get3A_892 : i32 to index
      %get3A_894 = arith.constant 0 : index
      %get3A_895 = tpu.vector_load %arg122[%get3A_893, %get3A_894] {strides = array<i32>} : memref<40x16xf32, #tpu.memory_space<vmem>>, vector<1x16xf32>,
      %get3A_896 = vector.shape_cast %get3A_895 : vector<1x16xf32> to vector<16xf32>
      %mul3A_897 = arith.mulf %get3A_891, %get3A_896 : vector<16xf32>
      %add3A_898 = arith.addf %add3A_886, %mul3A_897 : vector<16xf32>
      %get3A_899 = arith.constant 4 : i32
      %get3A_900 = arith.index_cast %get3A_899 : i32 to index
      %get3A_901 = arith.index_cast %mul3A_846 : i32 to index
      %get3A_902 = tpu.vector_load %arg121[%get3A_900, %get3A_901] {strides = array<i32>} : memref<13x512xf32, #tpu.memory_space<vmem>>, vector<1x16xf32>,
      %get3A_903 = vector.shape_cast %get3A_902 : vector<1x16xf32> to vector<16xf32>
      %get3A_904 = arith.constant 30 : i32
      %get3A_905 = arith.index_cast %get3A_904 : i32 to index
      %get3A_906 = arith.constant 0 : index
      %get3A_907 = tpu.vector_load %arg122[%get3A_905, %get3A_906] {strides = array<i32>} : memref<40x16xf32, #tpu.memory_space<vmem>>, vector<1x16xf32>,
      %get3A_908 = vector.shape_cast %get3A_907 : vector<1x16xf32> to vector<16xf32>
      %mul3A_909 = arith.mulf %get3A_903, %get3A_908 : vector<16xf32>
      %add3A_910 = arith.addf %add3A_898, %mul3A_909 : vector<16xf32>
      %get3A_911 = arith.constant 5 : i32
      %get3A_912 = arith.index_cast %get3A_911 : i32 to index
      %get3A_913 = arith.index_cast %mul3A_846 : i32 to index
      %get3A_914 = tpu.vector_load %arg121[%get3A_912, %get3A_913] {strides = array<i32>} : memref<13x512xf32, #tpu.memory_space<vmem>>, vector<1x16xf32>,
      %get3A_915 = vector.shape_cast %get3A_914 : vector<1x16xf32> to vector<16xf32>
      %get3A_916 = arith.constant 31 : i32
      %get3A_917 = arith.index_cast %get3A_916 : i32 to index
      %get3A_918 = arith.constant 0 : index
      %get3A_919 = tpu.vector_load %arg122[%get3A_917, %get3A_918] {strides = array<i32>} : memref<40x16xf32, #tpu.memory_space<vmem>>, vector<1x16xf32>,
      %get3A_920 = vector.shape_cast %get3A_919 : vector<1x16xf32> to vector<16xf32>
      %mul3A_921 = arith.mulf %get3A_915, %get3A_920 : vector<16xf32>
      %add3A_922 = arith.addf %add3A_910, %mul3A_921 : vector<16xf32>
      %get3A_923 = arith.constant 6 : i32
      %get3A_924 = arith.index_cast %get3A_923 : i32 to index
      %get3A_925 = arith.index_cast %mul3A_846 : i32 to index
      %get3A_926 = tpu.vector_load %arg121[%get3A_924, %get3A_925] {strides = array<i32>} : memref<13x512xf32, #tpu.memory_space<vmem>>, vector<1x16xf32>,
      %get3A_927 = vector.shape_cast %get3A_926 : vector<1x16xf32> to vector<16xf32>
      %get3A_928 = arith.constant 32 : i32
      %get3A_929 = arith.index_cast %get3A_928 : i32 to index
      %get3A_930 = arith.constant 0 : index
      %get3A_931 = tpu.vector_load %arg122[%get3A_929, %get3A_930] {strides = array<i32>} : memref<40x16xf32, #tpu.memory_space<vmem>>, vector<1x16xf32>,
      %get3A_932 = vector.shape_cast %get3A_931 : vector<1x16xf32> to vector<16xf32>
      %mul3A_933 = arith.mulf %get3A_927, %get3A_932 : vector<16xf32>
      %add3A_934 = arith.addf %add3A_922, %mul3A_933 : vector<16xf32>
      %get3A_935 = arith.constant 7 : i32
      %get3A_936 = arith.index_cast %get3A_935 : i32 to index
      %get3A_937 = arith.index_cast %mul3A_846 : i32 to index
      %get3A_938 = tpu.vector_load %arg121[%get3A_936, %get3A_937] {strides = array<i32>} : memref<13x512xf32, #tpu.memory_space<vmem>>, vector<1x16xf32>,
      %get3A_939 = vector.shape_cast %get3A_938 : vector<1x16xf32> to vector<16xf32>
      %get3A_940 = arith.constant 33 : i32
      %get3A_941 = arith.index_cast %get3A_940 : i32 to index
      %get3A_942 = arith.constant 0 : index
      %get3A_943 = tpu.vector_load %arg122[%get3A_941, %get3A_942] {strides = array<i32>} : memref<40x16xf32, #tpu.memory_space<vmem>>, vector<1x16xf32>,
      %get3A_944 = vector.shape_cast %get3A_943 : vector<1x16xf32> to vector<16xf32>
      %mul3A_945 = arith.mulf %get3A_939, %get3A_944 : vector<16xf32>
      %add3A_946 = arith.addf %add3A_934, %mul3A_945 : vector<16xf32>
      %get3A_947 = arith.constant 8 : i32
      %get3A_948 = arith.index_cast %get3A_947 : i32 to index
      %get3A_949 = arith.index_cast %mul3A_846 : i32 to index
      %get3A_950 = tpu.vector_load %arg121[%get3A_948, %get3A_949] {strides = array<i32>} : memref<13x512xf32, #tpu.memory_space<vmem>>, vector<1x16xf32>,
      %get3A_951 = vector.shape_cast %get3A_950 : vector<1x16xf32> to vector<16xf32>
      %get3A_952 = arith.constant 34 : i32
      %get3A_953 = arith.index_cast %get3A_952 : i32 to index
      %get3A_954 = arith.constant 0 : index
      %get3A_955 = tpu.vector_load %arg122[%get3A_953, %get3A_954] {strides = array<i32>} : memref<40x16xf32, #tpu.memory_space<vmem>>, vector<1x16xf32>,
      %get3A_956 = vector.shape_cast %get3A_955 : vector<1x16xf32> to vector<16xf32>
      %mul3A_957 = arith.mulf %get3A_951, %get3A_956 : vector<16xf32>
      %add3A_958 = arith.addf %add3A_946, %mul3A_957 : vector<16xf32>
      %get3A_959 = arith.constant 9 : i32
      %get3A_960 = arith.index_cast %get3A_959 : i32 to index
      %get3A_961 = arith.index_cast %mul3A_846 : i32 to index
      %get3A_962 = tpu.vector_load %arg121[%get3A_960, %get3A_961] {strides = array<i32>} : memref<13x512xf32, #tpu.memory_space<vmem>>, vector<1x16xf32>,
      %get3A_963 = vector.shape_cast %get3A_962 : vector<1x16xf32> to vector<16xf32>
      %get3A_964 = arith.constant 35 : i32
      %get3A_965 = arith.index_cast %get3A_964 : i32 to index
      %get3A_966 = arith.constant 0 : index
      %get3A_967 = tpu.vector_load %arg122[%get3A_965, %get3A_966] {strides = array<i32>} : memref<40x16xf32, #tpu.memory_space<vmem>>, vector<1x16xf32>,
      %get3A_968 = vector.shape_cast %get3A_967 : vector<1x16xf32> to vector<16xf32>
      %mul3A_969 = arith.mulf %get3A_963, %get3A_968 : vector<16xf32>
      %add3A_970 = arith.addf %add3A_958, %mul3A_969 : vector<16xf32>
      %get3A_971 = arith.constant 10 : i32
      %get3A_972 = arith.index_cast %get3A_971 : i32 to index
      %get3A_973 = arith.index_cast %mul3A_846 : i32 to index
      %get3A_974 = tpu.vector_load %arg121[%get3A_972, %get3A_973] {strides = array<i32>} : memref<13x512xf32, #tpu.memory_space<vmem>>, vector<1x16xf32>,
      %get3A_975 = vector.shape_cast %get3A_974 : vector<1x16xf32> to vector<16xf32>
      %get3A_976 = arith.constant 36 : i32
      %get3A_977 = arith.index_cast %get3A_976 : i32 to index
      %get3A_978 = arith.constant 0 : index
      %get3A_979 = tpu.vector_load %arg122[%get3A_977, %get3A_978] {strides = array<i32>} : memref<40x16xf32, #tpu.memory_space<vmem>>, vector<1x16xf32>,
      %get3A_980 = vector.shape_cast %get3A_979 : vector<1x16xf32> to vector<16xf32>
      %mul3A_981 = arith.mulf %get3A_975, %get3A_980 : vector<16xf32>
      %add3A_982 = arith.addf %add3A_970, %mul3A_981 : vector<16xf32>
      %get3A_983 = arith.constant 11 : i32
      %get3A_984 = arith.index_cast %get3A_983 : i32 to index
      %get3A_985 = arith.index_cast %mul3A_846 : i32 to index
      %get3A_986 = tpu.vector_load %arg121[%get3A_984, %get3A_985] {strides = array<i32>} : memref<13x512xf32, #tpu.memory_space<vmem>>, vector<1x16xf32>,
      %get3A_987 = vector.shape_cast %get3A_986 : vector<1x16xf32> to vector<16xf32>
      %get3A_988 = arith.constant 37 : i32
      %get3A_989 = arith.index_cast %get3A_988 : i32 to index
      %get3A_990 = arith.constant 0 : index
      %get3A_991 = tpu.vector_load %arg122[%get3A_989, %get3A_990] {strides = array<i32>} : memref<40x16xf32, #tpu.memory_space<vmem>>, vector<1x16xf32>,
      %get3A_992 = vector.shape_cast %get3A_991 : vector<1x16xf32> to vector<16xf32>
      %mul3A_993 = arith.mulf %get3A_987, %get3A_992 : vector<16xf32>
      %add3A_994 = arith.addf %add3A_982, %mul3A_993 : vector<16xf32>
      %get3A_995 = arith.constant 12 : i32
      %get3A_996 = arith.index_cast %get3A_995 : i32 to index
      %get3A_997 = arith.index_cast %mul3A_846 : i32 to index
      %get3A_998 = tpu.vector_load %arg121[%get3A_996, %get3A_997] {strides = array<i32>} : memref<13x512xf32, #tpu.memory_space<vmem>>, vector<1x16xf32>,
      %get3A_999 = vector.shape_cast %get3A_998 : vector<1x16xf32> to vector<16xf32>
      %get3A_1000 = arith.constant 38 : i32
      %get3A_1001 = arith.index_cast %get3A_1000 : i32 to index
      %get3A_1002 = arith.constant 0 : index
      %get3A_1003 = tpu.vector_load %arg122[%get3A_1001, %get3A_1002] {strides = array<i32>} : memref<40x16xf32, #tpu.memory_space<vmem>>, vector<1x16xf32>,
      %get3A_1004 = vector.shape_cast %get3A_1003 : vector<1x16xf32> to vector<16xf32>
      %mul3A_1005 = arith.mulf %get3A_999, %get3A_1004 : vector<16xf32>
      %add3A_1006 = arith.addf %add3A_994, %mul3A_1005 : vector<16xf32>
      %swap3A = arith.index_cast %mul3A_846 : i32 to index
      %swap3A_1007 = tpu.vector_load %arg123[%swap3A] {strides = array<i32>} : memref<512xf32, #tpu.memory_space<vmem>>, vector<16xf32>,
      %swap3A_1008 = vector.shape_cast %swap3A_1007 : vector<16xf32> to vector<16xf32>
      %swap3A_1009 = vector.shape_cast %add3A_1006 : vector<16xf32> to vector<16xf32>
      tpu.vector_store %arg123[%swap3A], %swap3A_1009 {strides = array<i32>} : memref<512xf32, #tpu.memory_space<vmem>>, vector<16xf32>,
    }
    %scan3A_681 = arith.constant 32 : i32
    %dma_wait3A_682 = arith.constant 0 : i32
    %dma_wait3A_683 = arith.constant 0 : i32
    %dma_wait3A_684 = tpu.memref_slice %arg42[%dma_wait3A_682, %dma_wait3A_683] : memref<1x1000000xf32, #tpu.memory_space<hbm>> -> memref<1x1000000xf32, #tpu.memory_space<hbm>>
    %dma_wait3A_685 = tpu.memref_squeeze %dma_wait3A_684 : memref<1x1000000xf32, #tpu.memory_space<hbm>> -> memref<1000000xf32, #tpu.memory_space<hbm>>
    %dma_wait3A_686 = arith.constant 0 : i32
    %dma_wait3A_687 = tpu.memref_slice %dma_wait3A_685[%dma_wait3A_686] : memref<1000000xf32, #tpu.memory_space<hbm>> -> memref<1000000xf32, #tpu.memory_space<hbm>>
    tpu.wait_indirect_dma semaphore(%arg126 : memref<!tpu.dma_semaphore, #tpu.memory_space<semaphore_mem>>) src(%dma_wait3A_687 : memref<1000000xf32, #tpu.memory_space<hbm>>) dst(%arg95 : memref<512xf32, #tpu.memory_space<vmem>>)
    %dma_wait3A_688 = arith.constant 0 : i32
    %dma_wait3A_689 = arith.constant 0 : i32
    %dma_wait3A_690 = tpu.memref_slice %arg43[%dma_wait3A_688, %dma_wait3A_689] : memref<1x1000000xf32, #tpu.memory_space<hbm>> -> memref<1x1000000xf32, #tpu.memory_space<hbm>>
    %dma_wait3A_691 = tpu.memref_squeeze %dma_wait3A_690 : memref<1x1000000xf32, #tpu.memory_space<hbm>> -> memref<1000000xf32, #tpu.memory_space<hbm>>
    %dma_wait3A_692 = arith.constant 0 : i32
    %dma_wait3A_693 = tpu.memref_slice %dma_wait3A_691[%dma_wait3A_692] : memref<1000000xf32, #tpu.memory_space<hbm>> -> memref<1000000xf32, #tpu.memory_space<hbm>>
    tpu.wait_indirect_dma semaphore(%arg126 : memref<!tpu.dma_semaphore, #tpu.memory_space<semaphore_mem>>) src(%dma_wait3A_693 : memref<1000000xf32, #tpu.memory_space<hbm>>) dst(%arg96 : memref<512xf32, #tpu.memory_space<vmem>>)
    %dma_wait3A_694 = arith.constant 0 : i32
    %dma_wait3A_695 = arith.constant 0 : i32
    %dma_wait3A_696 = tpu.memref_slice %arg44[%dma_wait3A_694, %dma_wait3A_695] : memref<1x1000000xf32, #tpu.memory_space<hbm>> -> memref<1x1000000xf32, #tpu.memory_space<hbm>>
    %dma_wait3A_697 = tpu.memref_squeeze %dma_wait3A_696 : memref<1x1000000xf32, #tpu.memory_space<hbm>> -> memref<1000000xf32, #tpu.memory_space<hbm>>
    %dma_wait3A_698 = arith.constant 0 : i32
    %dma_wait3A_699 = tpu.memref_slice %dma_wait3A_697[%dma_wait3A_698] : memref<1000000xf32, #tpu.memory_space<hbm>> -> memref<1000000xf32, #tpu.memory_space<hbm>>
    tpu.wait_indirect_dma semaphore(%arg126 : memref<!tpu.dma_semaphore, #tpu.memory_space<semaphore_mem>>) src(%dma_wait3A_699 : memref<1000000xf32, #tpu.memory_space<hbm>>) dst(%arg97 : memref<512xf32, #tpu.memory_space<vmem>>)
    %dma_wait3A_700 = arith.constant 0 : i32
    %dma_wait3A_701 = arith.constant 0 : i32
    %dma_wait3A_702 = tpu.memref_slice %arg45[%dma_wait3A_700, %dma_wait3A_701] : memref<1x1000000xf32, #tpu.memory_space<hbm>> -> memref<1x1000000xf32, #tpu.memory_space<hbm>>
    %dma_wait3A_703 = tpu.memref_squeeze %dma_wait3A_702 : memref<1x1000000xf32, #tpu.memory_space<hbm>> -> memref<1000000xf32, #tpu.memory_space<hbm>>
    %dma_wait3A_704 = arith.constant 0 : i32
    %dma_wait3A_705 = tpu.memref_slice %dma_wait3A_703[%dma_wait3A_704] : memref<1000000xf32, #tpu.memory_space<hbm>> -> memref<1000000xf32, #tpu.memory_space<hbm>>
    tpu.wait_indirect_dma semaphore(%arg126 : memref<!tpu.dma_semaphore, #tpu.memory_space<semaphore_mem>>) src(%dma_wait3A_705 : memref<1000000xf32, #tpu.memory_space<hbm>>) dst(%arg98 : memref<512xf32, #tpu.memory_space<vmem>>)
    %dma_wait3A_706 = arith.constant 0 : i32
    %dma_wait3A_707 = arith.constant 0 : i32
    %dma_wait3A_708 = tpu.memref_slice %arg46[%dma_wait3A_706, %dma_wait3A_707] : memref<1x1000000xf32, #tpu.memory_space<hbm>> -> memref<1x1000000xf32, #tpu.memory_space<hbm>>
    %dma_wait3A_709 = tpu.memref_squeeze %dma_wait3A_708 : memref<1x1000000xf32, #tpu.memory_space<hbm>> -> memref<1000000xf32, #tpu.memory_space<hbm>>
    %dma_wait3A_710 = arith.constant 0 : i32
    %dma_wait3A_711 = tpu.memref_slice %dma_wait3A_709[%dma_wait3A_710] : memref<1000000xf32, #tpu.memory_space<hbm>> -> memref<1000000xf32, #tpu.memory_space<hbm>>
    tpu.wait_indirect_dma semaphore(%arg126 : memref<!tpu.dma_semaphore, #tpu.memory_space<semaphore_mem>>) src(%dma_wait3A_711 : memref<1000000xf32, #tpu.memory_space<hbm>>) dst(%arg99 : memref<512xf32, #tpu.memory_space<vmem>>)
    %dma_wait3A_712 = arith.constant 0 : i32
    %dma_wait3A_713 = arith.constant 0 : i32
    %dma_wait3A_714 = tpu.memref_slice %arg47[%dma_wait3A_712, %dma_wait3A_713] : memref<1x1000000xf32, #tpu.memory_space<hbm>> -> memref<1x1000000xf32, #tpu.memory_space<hbm>>
    %dma_wait3A_715 = tpu.memref_squeeze %dma_wait3A_714 : memref<1x1000000xf32, #tpu.memory_space<hbm>> -> memref<1000000xf32, #tpu.memory_space<hbm>>
    %dma_wait3A_716 = arith.constant 0 : i32
    %dma_wait3A_717 = tpu.memref_slice %dma_wait3A_715[%dma_wait3A_716] : memref<1000000xf32, #tpu.memory_space<hbm>> -> memref<1000000xf32, #tpu.memory_space<hbm>>
    tpu.wait_indirect_dma semaphore(%arg126 : memref<!tpu.dma_semaphore, #tpu.memory_space<semaphore_mem>>) src(%dma_wait3A_717 : memref<1000000xf32, #tpu.memory_space<hbm>>) dst(%arg100 : memref<512xf32, #tpu.memory_space<vmem>>)
    %dma_wait3A_718 = arith.constant 0 : i32
    %dma_wait3A_719 = arith.constant 0 : i32
    %dma_wait3A_720 = tpu.memref_slice %arg48[%dma_wait3A_718, %dma_wait3A_719] : memref<1x1000000xf32, #tpu.memory_space<hbm>> -> memref<1x1000000xf32, #tpu.memory_space<hbm>>
    %dma_wait3A_721 = tpu.memref_squeeze %dma_wait3A_720 : memref<1x1000000xf32, #tpu.memory_space<hbm>> -> memref<1000000xf32, #tpu.memory_space<hbm>>
    %dma_wait3A_722 = arith.constant 0 : i32
    %dma_wait3A_723 = tpu.memref_slice %dma_wait3A_721[%dma_wait3A_722] : memref<1000000xf32, #tpu.memory_space<hbm>> -> memref<1000000xf32, #tpu.memory_space<hbm>>
    tpu.wait_indirect_dma semaphore(%arg126 : memref<!tpu.dma_semaphore, #tpu.memory_space<semaphore_mem>>) src(%dma_wait3A_723 : memref<1000000xf32, #tpu.memory_space<hbm>>) dst(%arg101 : memref<512xf32, #tpu.memory_space<vmem>>)
    %dma_wait3A_724 = arith.constant 0 : i32
    %dma_wait3A_725 = arith.constant 0 : i32
    %dma_wait3A_726 = tpu.memref_slice %arg49[%dma_wait3A_724, %dma_wait3A_725] : memref<1x1000000xf32, #tpu.memory_space<hbm>> -> memref<1x1000000xf32, #tpu.memory_space<hbm>>
    %dma_wait3A_727 = tpu.memref_squeeze %dma_wait3A_726 : memref<1x1000000xf32, #tpu.memory_space<hbm>> -> memref<1000000xf32, #tpu.memory_space<hbm>>
    %dma_wait3A_728 = arith.constant 0 : i32
    %dma_wait3A_729 = tpu.memref_slice %dma_wait3A_727[%dma_wait3A_728] : memref<1000000xf32, #tpu.memory_space<hbm>> -> memref<1000000xf32, #tpu.memory_space<hbm>>
    tpu.wait_indirect_dma semaphore(%arg126 : memref<!tpu.dma_semaphore, #tpu.memory_space<semaphore_mem>>) src(%dma_wait3A_729 : memref<1000000xf32, #tpu.memory_space<hbm>>) dst(%arg102 : memref<512xf32, #tpu.memory_space<vmem>>)
    %dma_wait3A_730 = arith.constant 0 : i32
    %dma_wait3A_731 = arith.constant 0 : i32
    %dma_wait3A_732 = tpu.memref_slice %arg50[%dma_wait3A_730, %dma_wait3A_731] : memref<1x1000000xf32, #tpu.memory_space<hbm>> -> memref<1x1000000xf32, #tpu.memory_space<hbm>>
    %dma_wait3A_733 = tpu.memref_squeeze %dma_wait3A_732 : memref<1x1000000xf32, #tpu.memory_space<hbm>> -> memref<1000000xf32, #tpu.memory_space<hbm>>
    %dma_wait3A_734 = arith.constant 0 : i32
    %dma_wait3A_735 = tpu.memref_slice %dma_wait3A_733[%dma_wait3A_734] : memref<1000000xf32, #tpu.memory_space<hbm>> -> memref<1000000xf32, #tpu.memory_space<hbm>>
    tpu.wait_indirect_dma semaphore(%arg126 : memref<!tpu.dma_semaphore, #tpu.memory_space<semaphore_mem>>) src(%dma_wait3A_735 : memref<1000000xf32, #tpu.memory_space<hbm>>) dst(%arg103 : memref<512xf32, #tpu.memory_space<vmem>>)
    %dma_wait3A_736 = arith.constant 0 : i32
    %dma_wait3A_737 = arith.constant 0 : i32
    %dma_wait3A_738 = tpu.memref_slice %arg51[%dma_wait3A_736, %dma_wait3A_737] : memref<1x1000000xf32, #tpu.memory_space<hbm>> -> memref<1x1000000xf32, #tpu.memory_space<hbm>>
    %dma_wait3A_739 = tpu.memref_squeeze %dma_wait3A_738 : memref<1x1000000xf32, #tpu.memory_space<hbm>> -> memref<1000000xf32, #tpu.memory_space<hbm>>
    %dma_wait3A_740 = arith.constant 0 : i32
    %dma_wait3A_741 = tpu.memref_slice %dma_wait3A_739[%dma_wait3A_740] : memref<1000000xf32, #tpu.memory_space<hbm>> -> memref<1000000xf32, #tpu.memory_space<hbm>>
    tpu.wait_indirect_dma semaphore(%arg126 : memref<!tpu.dma_semaphore, #tpu.memory_space<semaphore_mem>>) src(%dma_wait3A_741 : memref<1000000xf32, #tpu.memory_space<hbm>>) dst(%arg104 : memref<512xf32, #tpu.memory_space<vmem>>)
    %dma_wait3A_742 = arith.constant 0 : i32
    %dma_wait3A_743 = arith.constant 0 : i32
    %dma_wait3A_744 = tpu.memref_slice %arg52[%dma_wait3A_742, %dma_wait3A_743] : memref<1x1000000xf32, #tpu.memory_space<hbm>> -> memref<1x1000000xf32, #tpu.memory_space<hbm>>
    %dma_wait3A_745 = tpu.memref_squeeze %dma_wait3A_744 : memref<1x1000000xf32, #tpu.memory_space<hbm>> -> memref<1000000xf32, #tpu.memory_space<hbm>>
    %dma_wait3A_746 = arith.constant 0 : i32
    %dma_wait3A_747 = tpu.memref_slice %dma_wait3A_745[%dma_wait3A_746] : memref<1000000xf32, #tpu.memory_space<hbm>> -> memref<1000000xf32, #tpu.memory_space<hbm>>
    tpu.wait_indirect_dma semaphore(%arg126 : memref<!tpu.dma_semaphore, #tpu.memory_space<semaphore_mem>>) src(%dma_wait3A_747 : memref<1000000xf32, #tpu.memory_space<hbm>>) dst(%arg105 : memref<512xf32, #tpu.memory_space<vmem>>)
    %dma_wait3A_748 = arith.constant 0 : i32
    %dma_wait3A_749 = arith.constant 0 : i32
    %dma_wait3A_750 = tpu.memref_slice %arg53[%dma_wait3A_748, %dma_wait3A_749] : memref<1x1000000xf32, #tpu.memory_space<hbm>> -> memref<1x1000000xf32, #tpu.memory_space<hbm>>
    %dma_wait3A_751 = tpu.memref_squeeze %dma_wait3A_750 : memref<1x1000000xf32, #tpu.memory_space<hbm>> -> memref<1000000xf32, #tpu.memory_space<hbm>>
    %dma_wait3A_752 = arith.constant 0 : i32
    %dma_wait3A_753 = tpu.memref_slice %dma_wait3A_751[%dma_wait3A_752] : memref<1000000xf32, #tpu.memory_space<hbm>> -> memref<1000000xf32, #tpu.memory_space<hbm>>
    tpu.wait_indirect_dma semaphore(%arg126 : memref<!tpu.dma_semaphore, #tpu.memory_space<semaphore_mem>>) src(%dma_wait3A_753 : memref<1000000xf32, #tpu.memory_space<hbm>>) dst(%arg106 : memref<512xf32, #tpu.memory_space<vmem>>)
    %dma_wait3A_754 = arith.constant 0 : i32
    %dma_wait3A_755 = arith.constant 0 : i32
    %dma_wait3A_756 = tpu.memref_slice %arg54[%dma_wait3A_754, %dma_wait3A_755] : memref<1x1000000xf32, #tpu.memory_space<hbm>> -> memref<1x1000000xf32, #tpu.memory_space<hbm>>
    %dma_wait3A_757 = tpu.memref_squeeze %dma_wait3A_756 : memref<1x1000000xf32, #tpu.memory_space<hbm>> -> memref<1000000xf32, #tpu.memory_space<hbm>>
    %dma_wait3A_758 = arith.constant 0 : i32
    %dma_wait3A_759 = tpu.memref_slice %dma_wait3A_757[%dma_wait3A_758] : memref<1000000xf32, #tpu.memory_space<hbm>> -> memref<1000000xf32, #tpu.memory_space<hbm>>
    tpu.wait_indirect_dma semaphore(%arg126 : memref<!tpu.dma_semaphore, #tpu.memory_space<semaphore_mem>>) src(%dma_wait3A_759 : memref<1000000xf32, #tpu.memory_space<hbm>>) dst(%arg107 : memref<512xf32, #tpu.memory_space<vmem>>)
    %dma_wait3A_760 = arith.constant 0 : i32
    %dma_wait3A_761 = arith.constant 0 : i32
    %dma_wait3A_762 = tpu.memref_slice %arg55[%dma_wait3A_760, %dma_wait3A_761] : memref<1x1000000xf32, #tpu.memory_space<hbm>> -> memref<1x1000000xf32, #tpu.memory_space<hbm>>
    %dma_wait3A_763 = tpu.memref_squeeze %dma_wait3A_762 : memref<1x1000000xf32, #tpu.memory_space<hbm>> -> memref<1000000xf32, #tpu.memory_space<hbm>>
    %dma_wait3A_764 = arith.constant 0 : i32
    %dma_wait3A_765 = tpu.memref_slice %dma_wait3A_763[%dma_wait3A_764] : memref<1000000xf32, #tpu.memory_space<hbm>> -> memref<1000000xf32, #tpu.memory_space<hbm>>
    tpu.wait_indirect_dma semaphore(%arg126 : memref<!tpu.dma_semaphore, #tpu.memory_space<semaphore_mem>>) src(%dma_wait3A_765 : memref<1000000xf32, #tpu.memory_space<hbm>>) dst(%arg108 : memref<512xf32, #tpu.memory_space<vmem>>)
    %dma_wait3A_766 = arith.constant 0 : i32
    %dma_wait3A_767 = arith.constant 0 : i32
    %dma_wait3A_768 = tpu.memref_slice %arg56[%dma_wait3A_766, %dma_wait3A_767] : memref<1x1000000xf32, #tpu.memory_space<hbm>> -> memref<1x1000000xf32, #tpu.memory_space<hbm>>
    %dma_wait3A_769 = tpu.memref_squeeze %dma_wait3A_768 : memref<1x1000000xf32, #tpu.memory_space<hbm>> -> memref<1000000xf32, #tpu.memory_space<hbm>>
    %dma_wait3A_770 = arith.constant 0 : i32
    %dma_wait3A_771 = tpu.memref_slice %dma_wait3A_769[%dma_wait3A_770] : memref<1000000xf32, #tpu.memory_space<hbm>> -> memref<1000000xf32, #tpu.memory_space<hbm>>
    tpu.wait_indirect_dma semaphore(%arg126 : memref<!tpu.dma_semaphore, #tpu.memory_space<semaphore_mem>>) src(%dma_wait3A_771 : memref<1000000xf32, #tpu.memory_space<hbm>>) dst(%arg109 : memref<512xf32, #tpu.memory_space<vmem>>)
    %dma_wait3A_772 = arith.constant 0 : i32
    %dma_wait3A_773 = arith.constant 0 : i32
    %dma_wait3A_774 = tpu.memref_slice %arg57[%dma_wait3A_772, %dma_wait3A_773] : memref<1x1000000xf32, #tpu.memory_space<hbm>> -> memref<1x1000000xf32, #tpu.memory_space<hbm>>
    %dma_wait3A_775 = tpu.memref_squeeze %dma_wait3A_774 : memref<1x1000000xf32, #tpu.memory_space<hbm>> -> memref<1000000xf32, #tpu.memory_space<hbm>>
    %dma_wait3A_776 = arith.constant 0 : i32
    %dma_wait3A_777 = tpu.memref_slice %dma_wait3A_775[%dma_wait3A_776] : memref<1000000xf32, #tpu.memory_space<hbm>> -> memref<1000000xf32, #tpu.memory_space<hbm>>
    tpu.wait_indirect_dma semaphore(%arg126 : memref<!tpu.dma_semaphore, #tpu.memory_space<semaphore_mem>>) src(%dma_wait3A_777 : memref<1000000xf32, #tpu.memory_space<hbm>>) dst(%arg110 : memref<512xf32, #tpu.memory_space<vmem>>)
    %dma_wait3A_778 = arith.constant 0 : i32
    %dma_wait3A_779 = arith.constant 0 : i32
    %dma_wait3A_780 = tpu.memref_slice %arg58[%dma_wait3A_778, %dma_wait3A_779] : memref<1x1000000xf32, #tpu.memory_space<hbm>> -> memref<1x1000000xf32, #tpu.memory_space<hbm>>
    %dma_wait3A_781 = tpu.memref_squeeze %dma_wait3A_780 : memref<1x1000000xf32, #tpu.memory_space<hbm>> -> memref<1000000xf32, #tpu.memory_space<hbm>>
    %dma_wait3A_782 = arith.constant 0 : i32
    %dma_wait3A_783 = tpu.memref_slice %dma_wait3A_781[%dma_wait3A_782] : memref<1000000xf32, #tpu.memory_space<hbm>> -> memref<1000000xf32, #tpu.memory_space<hbm>>
    tpu.wait_indirect_dma semaphore(%arg126 : memref<!tpu.dma_semaphore, #tpu.memory_space<semaphore_mem>>) src(%dma_wait3A_783 : memref<1000000xf32, #tpu.memory_space<hbm>>) dst(%arg111 : memref<512xf32, #tpu.memory_space<vmem>>)
    %dma_wait3A_784 = arith.constant 0 : i32
    %dma_wait3A_785 = arith.constant 0 : i32
    %dma_wait3A_786 = tpu.memref_slice %arg59[%dma_wait3A_784, %dma_wait3A_785] : memref<1x1000000xf32, #tpu.memory_space<hbm>> -> memref<1x1000000xf32, #tpu.memory_space<hbm>>
    %dma_wait3A_787 = tpu.memref_squeeze %dma_wait3A_786 : memref<1x1000000xf32, #tpu.memory_space<hbm>> -> memref<1000000xf32, #tpu.memory_space<hbm>>
    %dma_wait3A_788 = arith.constant 0 : i32
    %dma_wait3A_789 = tpu.memref_slice %dma_wait3A_787[%dma_wait3A_788] : memref<1000000xf32, #tpu.memory_space<hbm>> -> memref<1000000xf32, #tpu.memory_space<hbm>>
    tpu.wait_indirect_dma semaphore(%arg126 : memref<!tpu.dma_semaphore, #tpu.memory_space<semaphore_mem>>) src(%dma_wait3A_789 : memref<1000000xf32, #tpu.memory_space<hbm>>) dst(%arg112 : memref<512xf32, #tpu.memory_space<vmem>>)
    %dma_wait3A_790 = arith.constant 0 : i32
    %dma_wait3A_791 = arith.constant 0 : i32
    %dma_wait3A_792 = tpu.memref_slice %arg60[%dma_wait3A_790, %dma_wait3A_791] : memref<1x1000000xf32, #tpu.memory_space<hbm>> -> memref<1x1000000xf32, #tpu.memory_space<hbm>>
    %dma_wait3A_793 = tpu.memref_squeeze %dma_wait3A_792 : memref<1x1000000xf32, #tpu.memory_space<hbm>> -> memref<1000000xf32, #tpu.memory_space<hbm>>
    %dma_wait3A_794 = arith.constant 0 : i32
    %dma_wait3A_795 = tpu.memref_slice %dma_wait3A_793[%dma_wait3A_794] : memref<1000000xf32, #tpu.memory_space<hbm>> -> memref<1000000xf32, #tpu.memory_space<hbm>>
    tpu.wait_indirect_dma semaphore(%arg126 : memref<!tpu.dma_semaphore, #tpu.memory_space<semaphore_mem>>) src(%dma_wait3A_795 : memref<1000000xf32, #tpu.memory_space<hbm>>) dst(%arg113 : memref<512xf32, #tpu.memory_space<vmem>>)
    %dma_wait3A_796 = arith.constant 0 : i32
    %dma_wait3A_797 = arith.constant 0 : i32
    %dma_wait3A_798 = tpu.memref_slice %arg61[%dma_wait3A_796, %dma_wait3A_797] : memref<1x1000000xf32, #tpu.memory_space<hbm>> -> memref<1x1000000xf32, #tpu.memory_space<hbm>>
    %dma_wait3A_799 = tpu.memref_squeeze %dma_wait3A_798 : memref<1x1000000xf32, #tpu.memory_space<hbm>> -> memref<1000000xf32, #tpu.memory_space<hbm>>
    %dma_wait3A_800 = arith.constant 0 : i32
    %dma_wait3A_801 = tpu.memref_slice %dma_wait3A_799[%dma_wait3A_800] : memref<1000000xf32, #tpu.memory_space<hbm>> -> memref<1000000xf32, #tpu.memory_space<hbm>>
    tpu.wait_indirect_dma semaphore(%arg126 : memref<!tpu.dma_semaphore, #tpu.memory_space<semaphore_mem>>) src(%dma_wait3A_801 : memref<1000000xf32, #tpu.memory_space<hbm>>) dst(%arg114 : memref<512xf32, #tpu.memory_space<vmem>>)
    %dma_wait3A_802 = arith.constant 0 : i32
    %dma_wait3A_803 = arith.constant 0 : i32
    %dma_wait3A_804 = tpu.memref_slice %arg62[%dma_wait3A_802, %dma_wait3A_803] : memref<1x1000000xf32, #tpu.memory_space<hbm>> -> memref<1x1000000xf32, #tpu.memory_space<hbm>>
    %dma_wait3A_805 = tpu.memref_squeeze %dma_wait3A_804 : memref<1x1000000xf32, #tpu.memory_space<hbm>> -> memref<1000000xf32, #tpu.memory_space<hbm>>
    %dma_wait3A_806 = arith.constant 0 : i32
    %dma_wait3A_807 = tpu.memref_slice %dma_wait3A_805[%dma_wait3A_806] : memref<1000000xf32, #tpu.memory_space<hbm>> -> memref<1000000xf32, #tpu.memory_space<hbm>>
    tpu.wait_indirect_dma semaphore(%arg126 : memref<!tpu.dma_semaphore, #tpu.memory_space<semaphore_mem>>) src(%dma_wait3A_807 : memref<1000000xf32, #tpu.memory_space<hbm>>) dst(%arg115 : memref<512xf32, #tpu.memory_space<vmem>>)
    %dma_wait3A_808 = arith.constant 0 : i32
    %dma_wait3A_809 = arith.constant 0 : i32
    %dma_wait3A_810 = tpu.memref_slice %arg63[%dma_wait3A_808, %dma_wait3A_809] : memref<1x1000000xf32, #tpu.memory_space<hbm>> -> memref<1x1000000xf32, #tpu.memory_space<hbm>>
    %dma_wait3A_811 = tpu.memref_squeeze %dma_wait3A_810 : memref<1x1000000xf32, #tpu.memory_space<hbm>> -> memref<1000000xf32, #tpu.memory_space<hbm>>
    %dma_wait3A_812 = arith.constant 0 : i32
    %dma_wait3A_813 = tpu.memref_slice %dma_wait3A_811[%dma_wait3A_812] : memref<1000000xf32, #tpu.memory_space<hbm>> -> memref<1000000xf32, #tpu.memory_space<hbm>>
    tpu.wait_indirect_dma semaphore(%arg126 : memref<!tpu.dma_semaphore, #tpu.memory_space<semaphore_mem>>) src(%dma_wait3A_813 : memref<1000000xf32, #tpu.memory_space<hbm>>) dst(%arg116 : memref<512xf32, #tpu.memory_space<vmem>>)
    %dma_wait3A_814 = arith.constant 0 : i32
    %dma_wait3A_815 = arith.constant 0 : i32
    %dma_wait3A_816 = tpu.memref_slice %arg64[%dma_wait3A_814, %dma_wait3A_815] : memref<1x1000000xf32, #tpu.memory_space<hbm>> -> memref<1x1000000xf32, #tpu.memory_space<hbm>>
    %dma_wait3A_817 = tpu.memref_squeeze %dma_wait3A_816 : memref<1x1000000xf32, #tpu.memory_space<hbm>> -> memref<1000000xf32, #tpu.memory_space<hbm>>
    %dma_wait3A_818 = arith.constant 0 : i32
    %dma_wait3A_819 = tpu.memref_slice %dma_wait3A_817[%dma_wait3A_818] : memref<1000000xf32, #tpu.memory_space<hbm>> -> memref<1000000xf32, #tpu.memory_space<hbm>>
    tpu.wait_indirect_dma semaphore(%arg126 : memref<!tpu.dma_semaphore, #tpu.memory_space<semaphore_mem>>) src(%dma_wait3A_819 : memref<1000000xf32, #tpu.memory_space<hbm>>) dst(%arg117 : memref<512xf32, #tpu.memory_space<vmem>>)
    %dma_wait3A_820 = arith.constant 0 : i32
    %dma_wait3A_821 = arith.constant 0 : i32
    %dma_wait3A_822 = tpu.memref_slice %arg65[%dma_wait3A_820, %dma_wait3A_821] : memref<1x1000000xf32, #tpu.memory_space<hbm>> -> memref<1x1000000xf32, #tpu.memory_space<hbm>>
    %dma_wait3A_823 = tpu.memref_squeeze %dma_wait3A_822 : memref<1x1000000xf32, #tpu.memory_space<hbm>> -> memref<1000000xf32, #tpu.memory_space<hbm>>
    %dma_wait3A_824 = arith.constant 0 : i32
    %dma_wait3A_825 = tpu.memref_slice %dma_wait3A_823[%dma_wait3A_824] : memref<1000000xf32, #tpu.memory_space<hbm>> -> memref<1000000xf32, #tpu.memory_space<hbm>>
    tpu.wait_indirect_dma semaphore(%arg126 : memref<!tpu.dma_semaphore, #tpu.memory_space<semaphore_mem>>) src(%dma_wait3A_825 : memref<1000000xf32, #tpu.memory_space<hbm>>) dst(%arg118 : memref<512xf32, #tpu.memory_space<vmem>>)
    %dma_wait3A_826 = arith.constant 0 : i32
    %dma_wait3A_827 = arith.constant 0 : i32
    %dma_wait3A_828 = tpu.memref_slice %arg66[%dma_wait3A_826, %dma_wait3A_827] : memref<1x1000000xf32, #tpu.memory_space<hbm>> -> memref<1x1000000xf32, #tpu.memory_space<hbm>>
    %dma_wait3A_829 = tpu.memref_squeeze %dma_wait3A_828 : memref<1x1000000xf32, #tpu.memory_space<hbm>> -> memref<1000000xf32, #tpu.memory_space<hbm>>
    %dma_wait3A_830 = arith.constant 0 : i32
    %dma_wait3A_831 = tpu.memref_slice %dma_wait3A_829[%dma_wait3A_830] : memref<1000000xf32, #tpu.memory_space<hbm>> -> memref<1000000xf32, #tpu.memory_space<hbm>>
    tpu.wait_indirect_dma semaphore(%arg126 : memref<!tpu.dma_semaphore, #tpu.memory_space<semaphore_mem>>) src(%dma_wait3A_831 : memref<1000000xf32, #tpu.memory_space<hbm>>) dst(%arg119 : memref<512xf32, #tpu.memory_space<vmem>>)
    %dma_wait3A_832 = arith.constant 0 : i32
    %dma_wait3A_833 = arith.constant 0 : i32
    %dma_wait3A_834 = tpu.memref_slice %arg67[%dma_wait3A_832, %dma_wait3A_833] : memref<1x1000000xf32, #tpu.memory_space<hbm>> -> memref<1x1000000xf32, #tpu.memory_space<hbm>>
    %dma_wait3A_835 = tpu.memref_squeeze %dma_wait3A_834 : memref<1x1000000xf32, #tpu.memory_space<hbm>> -> memref<1000000xf32, #tpu.memory_space<hbm>>
    %dma_wait3A_836 = arith.constant 0 : i32
    %dma_wait3A_837 = tpu.memref_slice %dma_wait3A_835[%dma_wait3A_836] : memref<1000000xf32, #tpu.memory_space<hbm>> -> memref<1000000xf32, #tpu.memory_space<hbm>>
    tpu.wait_indirect_dma semaphore(%arg126 : memref<!tpu.dma_semaphore, #tpu.memory_space<semaphore_mem>>) src(%dma_wait3A_837 : memref<1000000xf32, #tpu.memory_space<hbm>>) dst(%arg120 : memref<512xf32, #tpu.memory_space<vmem>>)
    %scan3A_838 = arith.constant 0 : i32
    %scan3A_839 = arith.constant 0 : i32
    %scan3A_840 = arith.constant 32 : i32
    %scan3A_841 = arith.addi %scan3A_839, %scan3A_840 : i32
    %scan3A_842 = arith.constant 1 : i32
    scf.for %scan3A_844 = %scan3A_839 to %scan3A_841 step %scan3A_842  : i32 {
      %mul3A_845 = arith.constant 16 : i32
      %mul3A_846 = arith.muli %scan3A_844, %mul3A_845 : i32
      %get3A = arith.index_cast %mul3A_846 : i32 to index
      %get3A_847 = tpu.vector_load %arg123[%get3A] {strides = array<i32>} : memref<512xf32, #tpu.memory_space<vmem>>, vector<16xf32>,
      %get3A_848 = vector.shape_cast %get3A_847 : vector<16xf32> to vector<16xf32>
      %get3A_849 = arith.index_cast %mul3A_846 : i32 to index
      %get3A_850 = tpu.vector_load %arg95[%get3A_849] {strides = array<i32>} : memref<512xf32, #tpu.memory_space<vmem>>, vector<16xf32>,
      %get3A_851 = vector.shape_cast %get3A_850 : vector<16xf32> to vector<16xf32>
      %get3A_852 = arith.constant 0 : i32
      %get3A_853 = arith.index_cast %get3A_852 : i32 to index
      %get3A_854 = arith.constant 0 : index
      %get3A_855 = tpu.vector_load %arg122[%get3A_853, %get3A_854] {strides = array<i32>} : memref<40x16xf32, #tpu.memory_space<vmem>>, vector<1x16xf32>,
      %get3A_856 = vector.shape_cast %get3A_855 : vector<1x16xf32> to vector<16xf32>
      %mul3A_857 = arith.mulf %get3A_851, %get3A_856 : vector<16xf32>
      %add3A_858 = arith.addf %get3A_848, %mul3A_857 : vector<16xf32>
      %get3A_859 = arith.index_cast %mul3A_846 : i32 to index
      %get3A_860 = tpu.vector_load %arg96[%get3A_859] {strides = array<i32>} : memref<512xf32, #tpu.memory_space<vmem>>, vector<16xf32>,
      %get3A_861 = vector.shape_cast %get3A_860 : vector<16xf32> to vector<16xf32>
      %get3A_862 = arith.constant 1 : i32
      %get3A_863 = arith.index_cast %get3A_862 : i32 to index
      %get3A_864 = arith.constant 0 : index
      %get3A_865 = tpu.vector_load %arg122[%get3A_863, %get3A_864] {strides = array<i32>} : memref<40x16xf32, #tpu.memory_space<vmem>>, vector<1x16xf32>,
      %get3A_866 = vector.shape_cast %get3A_865 : vector<1x16xf32> to vector<16xf32>
      %mul3A_867 = arith.mulf %get3A_861, %get3A_866 : vector<16xf32>
      %add3A_868 = arith.addf %add3A_858, %mul3A_867 : vector<16xf32>
      %get3A_869 = arith.index_cast %mul3A_846 : i32 to index
      %get3A_870 = tpu.vector_load %arg97[%get3A_869] {strides = array<i32>} : memref<512xf32, #tpu.memory_space<vmem>>, vector<16xf32>,
      %get3A_871 = vector.shape_cast %get3A_870 : vector<16xf32> to vector<16xf32>
      %get3A_872 = arith.constant 2 : i32
      %get3A_873 = arith.index_cast %get3A_872 : i32 to index
      %get3A_874 = arith.constant 0 : index
      %get3A_875 = tpu.vector_load %arg122[%get3A_873, %get3A_874] {strides = array<i32>} : memref<40x16xf32, #tpu.memory_space<vmem>>, vector<1x16xf32>,
      %get3A_876 = vector.shape_cast %get3A_875 : vector<1x16xf32> to vector<16xf32>
      %mul3A_877 = arith.mulf %get3A_871, %get3A_876 : vector<16xf32>
      %add3A_878 = arith.addf %add3A_868, %mul3A_877 : vector<16xf32>
      %get3A_879 = arith.index_cast %mul3A_846 : i32 to index
      %get3A_880 = tpu.vector_load %arg98[%get3A_879] {strides = array<i32>} : memref<512xf32, #tpu.memory_space<vmem>>, vector<16xf32>,
      %get3A_881 = vector.shape_cast %get3A_880 : vector<16xf32> to vector<16xf32>
      %get3A_882 = arith.constant 3 : i32
      %get3A_883 = arith.index_cast %get3A_882 : i32 to index
      %get3A_884 = arith.constant 0 : index
      %get3A_885 = tpu.vector_load %arg122[%get3A_883, %get3A_884] {strides = array<i32>} : memref<40x16xf32, #tpu.memory_space<vmem>>, vector<1x16xf32>,
      %get3A_886 = vector.shape_cast %get3A_885 : vector<1x16xf32> to vector<16xf32>
      %mul3A_887 = arith.mulf %get3A_881, %get3A_886 : vector<16xf32>
      %add3A_888 = arith.addf %add3A_878, %mul3A_887 : vector<16xf32>
      %get3A_889 = arith.index_cast %mul3A_846 : i32 to index
      %get3A_890 = tpu.vector_load %arg99[%get3A_889] {strides = array<i32>} : memref<512xf32, #tpu.memory_space<vmem>>, vector<16xf32>,
      %get3A_891 = vector.shape_cast %get3A_890 : vector<16xf32> to vector<16xf32>
      %get3A_892 = arith.constant 4 : i32
      %get3A_893 = arith.index_cast %get3A_892 : i32 to index
      %get3A_894 = arith.constant 0 : index
      %get3A_895 = tpu.vector_load %arg122[%get3A_893, %get3A_894] {strides = array<i32>} : memref<40x16xf32, #tpu.memory_space<vmem>>, vector<1x16xf32>,
      %get3A_896 = vector.shape_cast %get3A_895 : vector<1x16xf32> to vector<16xf32>
      %mul3A_897 = arith.mulf %get3A_891, %get3A_896 : vector<16xf32>
      %add3A_898 = arith.addf %add3A_888, %mul3A_897 : vector<16xf32>
      %get3A_899 = arith.index_cast %mul3A_846 : i32 to index
      %get3A_900 = tpu.vector_load %arg100[%get3A_899] {strides = array<i32>} : memref<512xf32, #tpu.memory_space<vmem>>, vector<16xf32>,
      %get3A_901 = vector.shape_cast %get3A_900 : vector<16xf32> to vector<16xf32>
      %get3A_902 = arith.constant 5 : i32
      %get3A_903 = arith.index_cast %get3A_902 : i32 to index
      %get3A_904 = arith.constant 0 : index
      %get3A_905 = tpu.vector_load %arg122[%get3A_903, %get3A_904] {strides = array<i32>} : memref<40x16xf32, #tpu.memory_space<vmem>>, vector<1x16xf32>,
      %get3A_906 = vector.shape_cast %get3A_905 : vector<1x16xf32> to vector<16xf32>
      %mul3A_907 = arith.mulf %get3A_901, %get3A_906 : vector<16xf32>
      %add3A_908 = arith.addf %add3A_898, %mul3A_907 : vector<16xf32>
      %get3A_909 = arith.index_cast %mul3A_846 : i32 to index
      %get3A_910 = tpu.vector_load %arg101[%get3A_909] {strides = array<i32>} : memref<512xf32, #tpu.memory_space<vmem>>, vector<16xf32>,
      %get3A_911 = vector.shape_cast %get3A_910 : vector<16xf32> to vector<16xf32>
      %get3A_912 = arith.constant 6 : i32
      %get3A_913 = arith.index_cast %get3A_912 : i32 to index
      %get3A_914 = arith.constant 0 : index
      %get3A_915 = tpu.vector_load %arg122[%get3A_913, %get3A_914] {strides = array<i32>} : memref<40x16xf32, #tpu.memory_space<vmem>>, vector<1x16xf32>,
      %get3A_916 = vector.shape_cast %get3A_915 : vector<1x16xf32> to vector<16xf32>
      %mul3A_917 = arith.mulf %get3A_911, %get3A_916 : vector<16xf32>
      %add3A_918 = arith.addf %add3A_908, %mul3A_917 : vector<16xf32>
      %get3A_919 = arith.index_cast %mul3A_846 : i32 to index
      %get3A_920 = tpu.vector_load %arg102[%get3A_919] {strides = array<i32>} : memref<512xf32, #tpu.memory_space<vmem>>, vector<16xf32>,
      %get3A_921 = vector.shape_cast %get3A_920 : vector<16xf32> to vector<16xf32>
      %get3A_922 = arith.constant 7 : i32
      %get3A_923 = arith.index_cast %get3A_922 : i32 to index
      %get3A_924 = arith.constant 0 : index
      %get3A_925 = tpu.vector_load %arg122[%get3A_923, %get3A_924] {strides = array<i32>} : memref<40x16xf32, #tpu.memory_space<vmem>>, vector<1x16xf32>,
      %get3A_926 = vector.shape_cast %get3A_925 : vector<1x16xf32> to vector<16xf32>
      %mul3A_927 = arith.mulf %get3A_921, %get3A_926 : vector<16xf32>
      %add3A_928 = arith.addf %add3A_918, %mul3A_927 : vector<16xf32>
      %get3A_929 = arith.index_cast %mul3A_846 : i32 to index
      %get3A_930 = tpu.vector_load %arg103[%get3A_929] {strides = array<i32>} : memref<512xf32, #tpu.memory_space<vmem>>, vector<16xf32>,
      %get3A_931 = vector.shape_cast %get3A_930 : vector<16xf32> to vector<16xf32>
      %get3A_932 = arith.constant 8 : i32
      %get3A_933 = arith.index_cast %get3A_932 : i32 to index
      %get3A_934 = arith.constant 0 : index
      %get3A_935 = tpu.vector_load %arg122[%get3A_933, %get3A_934] {strides = array<i32>} : memref<40x16xf32, #tpu.memory_space<vmem>>, vector<1x16xf32>,
      %get3A_936 = vector.shape_cast %get3A_935 : vector<1x16xf32> to vector<16xf32>
      %mul3A_937 = arith.mulf %get3A_931, %get3A_936 : vector<16xf32>
      %add3A_938 = arith.addf %add3A_928, %mul3A_937 : vector<16xf32>
      %get3A_939 = arith.index_cast %mul3A_846 : i32 to index
      %get3A_940 = tpu.vector_load %arg104[%get3A_939] {strides = array<i32>} : memref<512xf32, #tpu.memory_space<vmem>>, vector<16xf32>,
      %get3A_941 = vector.shape_cast %get3A_940 : vector<16xf32> to vector<16xf32>
      %get3A_942 = arith.constant 9 : i32
      %get3A_943 = arith.index_cast %get3A_942 : i32 to index
      %get3A_944 = arith.constant 0 : index
      %get3A_945 = tpu.vector_load %arg122[%get3A_943, %get3A_944] {strides = array<i32>} : memref<40x16xf32, #tpu.memory_space<vmem>>, vector<1x16xf32>,
      %get3A_946 = vector.shape_cast %get3A_945 : vector<1x16xf32> to vector<16xf32>
      %mul3A_947 = arith.mulf %get3A_941, %get3A_946 : vector<16xf32>
      %add3A_948 = arith.addf %add3A_938, %mul3A_947 : vector<16xf32>
      %get3A_949 = arith.index_cast %mul3A_846 : i32 to index
      %get3A_950 = tpu.vector_load %arg105[%get3A_949] {strides = array<i32>} : memref<512xf32, #tpu.memory_space<vmem>>, vector<16xf32>,
      %get3A_951 = vector.shape_cast %get3A_950 : vector<16xf32> to vector<16xf32>
      %get3A_952 = arith.constant 10 : i32
      %get3A_953 = arith.index_cast %get3A_952 : i32 to index
      %get3A_954 = arith.constant 0 : index
      %get3A_955 = tpu.vector_load %arg122[%get3A_953, %get3A_954] {strides = array<i32>} : memref<40x16xf32, #tpu.memory_space<vmem>>, vector<1x16xf32>,
      %get3A_956 = vector.shape_cast %get3A_955 : vector<1x16xf32> to vector<16xf32>
      %mul3A_957 = arith.mulf %get3A_951, %get3A_956 : vector<16xf32>
      %add3A_958 = arith.addf %add3A_948, %mul3A_957 : vector<16xf32>
      %get3A_959 = arith.index_cast %mul3A_846 : i32 to index
      %get3A_960 = tpu.vector_load %arg106[%get3A_959] {strides = array<i32>} : memref<512xf32, #tpu.memory_space<vmem>>, vector<16xf32>,
      %get3A_961 = vector.shape_cast %get3A_960 : vector<16xf32> to vector<16xf32>
      %get3A_962 = arith.constant 11 : i32
      %get3A_963 = arith.index_cast %get3A_962 : i32 to index
      %get3A_964 = arith.constant 0 : index
      %get3A_965 = tpu.vector_load %arg122[%get3A_963, %get3A_964] {strides = array<i32>} : memref<40x16xf32, #tpu.memory_space<vmem>>, vector<1x16xf32>,
      %get3A_966 = vector.shape_cast %get3A_965 : vector<1x16xf32> to vector<16xf32>
      %mul3A_967 = arith.mulf %get3A_961, %get3A_966 : vector<16xf32>
      %add3A_968 = arith.addf %add3A_958, %mul3A_967 : vector<16xf32>
      %get3A_969 = arith.index_cast %mul3A_846 : i32 to index
      %get3A_970 = tpu.vector_load %arg107[%get3A_969] {strides = array<i32>} : memref<512xf32, #tpu.memory_space<vmem>>, vector<16xf32>,
      %get3A_971 = vector.shape_cast %get3A_970 : vector<16xf32> to vector<16xf32>
      %get3A_972 = arith.constant 12 : i32
      %get3A_973 = arith.index_cast %get3A_972 : i32 to index
      %get3A_974 = arith.constant 0 : index
      %get3A_975 = tpu.vector_load %arg122[%get3A_973, %get3A_974] {strides = array<i32>} : memref<40x16xf32, #tpu.memory_space<vmem>>, vector<1x16xf32>,
      %get3A_976 = vector.shape_cast %get3A_975 : vector<1x16xf32> to vector<16xf32>
      %mul3A_977 = arith.mulf %get3A_971, %get3A_976 : vector<16xf32>
      %add3A_978 = arith.addf %add3A_968, %mul3A_977 : vector<16xf32>
      %get3A_979 = arith.index_cast %mul3A_846 : i32 to index
      %get3A_980 = tpu.vector_load %arg108[%get3A_979] {strides = array<i32>} : memref<512xf32, #tpu.memory_space<vmem>>, vector<16xf32>,
      %get3A_981 = vector.shape_cast %get3A_980 : vector<16xf32> to vector<16xf32>
      %get3A_982 = arith.constant 13 : i32
      %get3A_983 = arith.index_cast %get3A_982 : i32 to index
      %get3A_984 = arith.constant 0 : index
      %get3A_985 = tpu.vector_load %arg122[%get3A_983, %get3A_984] {strides = array<i32>} : memref<40x16xf32, #tpu.memory_space<vmem>>, vector<1x16xf32>,
      %get3A_986 = vector.shape_cast %get3A_985 : vector<1x16xf32> to vector<16xf32>
      %mul3A_987 = arith.mulf %get3A_981, %get3A_986 : vector<16xf32>
      %add3A_988 = arith.addf %add3A_978, %mul3A_987 : vector<16xf32>
      %get3A_989 = arith.index_cast %mul3A_846 : i32 to index
      %get3A_990 = tpu.vector_load %arg109[%get3A_989] {strides = array<i32>} : memref<512xf32, #tpu.memory_space<vmem>>, vector<16xf32>,
      %get3A_991 = vector.shape_cast %get3A_990 : vector<16xf32> to vector<16xf32>
      %get3A_992 = arith.constant 14 : i32
      %get3A_993 = arith.index_cast %get3A_992 : i32 to index
      %get3A_994 = arith.constant 0 : index
      %get3A_995 = tpu.vector_load %arg122[%get3A_993, %get3A_994] {strides = array<i32>} : memref<40x16xf32, #tpu.memory_space<vmem>>, vector<1x16xf32>,
      %get3A_996 = vector.shape_cast %get3A_995 : vector<1x16xf32> to vector<16xf32>
      %mul3A_997 = arith.mulf %get3A_991, %get3A_996 : vector<16xf32>
      %add3A_998 = arith.addf %add3A_988, %mul3A_997 : vector<16xf32>
      %get3A_999 = arith.index_cast %mul3A_846 : i32 to index
      %get3A_1000 = tpu.vector_load %arg110[%get3A_999] {strides = array<i32>} : memref<512xf32, #tpu.memory_space<vmem>>, vector<16xf32>,
      %get3A_1001 = vector.shape_cast %get3A_1000 : vector<16xf32> to vector<16xf32>
      %get3A_1002 = arith.constant 15 : i32
      %get3A_1003 = arith.index_cast %get3A_1002 : i32 to index
      %get3A_1004 = arith.constant 0 : index
      %get3A_1005 = tpu.vector_load %arg122[%get3A_1003, %get3A_1004] {strides = array<i32>} : memref<40x16xf32, #tpu.memory_space<vmem>>, vector<1x16xf32>,
      %get3A_1006 = vector.shape_cast %get3A_1005 : vector<1x16xf32> to vector<16xf32>
      %mul3A_1007 = arith.mulf %get3A_1001, %get3A_1006 : vector<16xf32>
      %add3A_1008 = arith.addf %add3A_998, %mul3A_1007 : vector<16xf32>
      %get3A_1009 = arith.index_cast %mul3A_846 : i32 to index
      %get3A_1010 = tpu.vector_load %arg111[%get3A_1009] {strides = array<i32>} : memref<512xf32, #tpu.memory_space<vmem>>, vector<16xf32>,
      %get3A_1011 = vector.shape_cast %get3A_1010 : vector<16xf32> to vector<16xf32>
      %get3A_1012 = arith.constant 16 : i32
      %get3A_1013 = arith.index_cast %get3A_1012 : i32 to index
      %get3A_1014 = arith.constant 0 : index
      %get3A_1015 = tpu.vector_load %arg122[%get3A_1013, %get3A_1014] {strides = array<i32>} : memref<40x16xf32, #tpu.memory_space<vmem>>, vector<1x16xf32>,
      %get3A_1016 = vector.shape_cast %get3A_1015 : vector<1x16xf32> to vector<16xf32>
      %mul3A_1017 = arith.mulf %get3A_1011, %get3A_1016 : vector<16xf32>
      %add3A_1018 = arith.addf %add3A_1008, %mul3A_1017 : vector<16xf32>
      %get3A_1019 = arith.index_cast %mul3A_846 : i32 to index
      %get3A_1020 = tpu.vector_load %arg112[%get3A_1019] {strides = array<i32>} : memref<512xf32, #tpu.memory_space<vmem>>, vector<16xf32>,
      %get3A_1021 = vector.shape_cast %get3A_1020 : vector<16xf32> to vector<16xf32>
      %get3A_1022 = arith.constant 17 : i32
      %get3A_1023 = arith.index_cast %get3A_1022 : i32 to index
      %get3A_1024 = arith.constant 0 : index
      %get3A_1025 = tpu.vector_load %arg122[%get3A_1023, %get3A_1024] {strides = array<i32>} : memref<40x16xf32, #tpu.memory_space<vmem>>, vector<1x16xf32>,
      %get3A_1026 = vector.shape_cast %get3A_1025 : vector<1x16xf32> to vector<16xf32>
      %mul3A_1027 = arith.mulf %get3A_1021, %get3A_1026 : vector<16xf32>
      %add3A_1028 = arith.addf %add3A_1018, %mul3A_1027 : vector<16xf32>
      %get3A_1029 = arith.index_cast %mul3A_846 : i32 to index
      %get3A_1030 = tpu.vector_load %arg113[%get3A_1029] {strides = array<i32>} : memref<512xf32, #tpu.memory_space<vmem>>, vector<16xf32>,
      %get3A_1031 = vector.shape_cast %get3A_1030 : vector<16xf32> to vector<16xf32>
      %get3A_1032 = arith.constant 18 : i32
      %get3A_1033 = arith.index_cast %get3A_1032 : i32 to index
      %get3A_1034 = arith.constant 0 : index
      %get3A_1035 = tpu.vector_load %arg122[%get3A_1033, %get3A_1034] {strides = array<i32>} : memref<40x16xf32, #tpu.memory_space<vmem>>, vector<1x16xf32>,
      %get3A_1036 = vector.shape_cast %get3A_1035 : vector<1x16xf32> to vector<16xf32>
      %mul3A_1037 = arith.mulf %get3A_1031, %get3A_1036 : vector<16xf32>
      %add3A_1038 = arith.addf %add3A_1028, %mul3A_1037 : vector<16xf32>
      %get3A_1039 = arith.index_cast %mul3A_846 : i32 to index
      %get3A_1040 = tpu.vector_load %arg114[%get3A_1039] {strides = array<i32>} : memref<512xf32, #tpu.memory_space<vmem>>, vector<16xf32>,
      %get3A_1041 = vector.shape_cast %get3A_1040 : vector<16xf32> to vector<16xf32>
      %get3A_1042 = arith.constant 19 : i32
      %get3A_1043 = arith.index_cast %get3A_1042 : i32 to index
      %get3A_1044 = arith.constant 0 : index
      %get3A_1045 = tpu.vector_load %arg122[%get3A_1043, %get3A_1044] {strides = array<i32>} : memref<40x16xf32, #tpu.memory_space<vmem>>, vector<1x16xf32>,
      %get3A_1046 = vector.shape_cast %get3A_1045 : vector<1x16xf32> to vector<16xf32>
      %mul3A_1047 = arith.mulf %get3A_1041, %get3A_1046 : vector<16xf32>
      %add3A_1048 = arith.addf %add3A_1038, %mul3A_1047 : vector<16xf32>
      %get3A_1049 = arith.index_cast %mul3A_846 : i32 to index
      %get3A_1050 = tpu.vector_load %arg115[%get3A_1049] {strides = array<i32>} : memref<512xf32, #tpu.memory_space<vmem>>, vector<16xf32>,
      %get3A_1051 = vector.shape_cast %get3A_1050 : vector<16xf32> to vector<16xf32>
      %get3A_1052 = arith.constant 20 : i32
      %get3A_1053 = arith.index_cast %get3A_1052 : i32 to index
      %get3A_1054 = arith.constant 0 : index
      %get3A_1055 = tpu.vector_load %arg122[%get3A_1053, %get3A_1054] {strides = array<i32>} : memref<40x16xf32, #tpu.memory_space<vmem>>, vector<1x16xf32>,
      %get3A_1056 = vector.shape_cast %get3A_1055 : vector<1x16xf32> to vector<16xf32>
      %mul3A_1057 = arith.mulf %get3A_1051, %get3A_1056 : vector<16xf32>
      %add3A_1058 = arith.addf %add3A_1048, %mul3A_1057 : vector<16xf32>
      %get3A_1059 = arith.index_cast %mul3A_846 : i32 to index
      %get3A_1060 = tpu.vector_load %arg116[%get3A_1059] {strides = array<i32>} : memref<512xf32, #tpu.memory_space<vmem>>, vector<16xf32>,
      %get3A_1061 = vector.shape_cast %get3A_1060 : vector<16xf32> to vector<16xf32>
      %get3A_1062 = arith.constant 21 : i32
      %get3A_1063 = arith.index_cast %get3A_1062 : i32 to index
      %get3A_1064 = arith.constant 0 : index
      %get3A_1065 = tpu.vector_load %arg122[%get3A_1063, %get3A_1064] {strides = array<i32>} : memref<40x16xf32, #tpu.memory_space<vmem>>, vector<1x16xf32>,
      %get3A_1066 = vector.shape_cast %get3A_1065 : vector<1x16xf32> to vector<16xf32>
      %mul3A_1067 = arith.mulf %get3A_1061, %get3A_1066 : vector<16xf32>
      %add3A_1068 = arith.addf %add3A_1058, %mul3A_1067 : vector<16xf32>
      %get3A_1069 = arith.index_cast %mul3A_846 : i32 to index
      %get3A_1070 = tpu.vector_load %arg117[%get3A_1069] {strides = array<i32>} : memref<512xf32, #tpu.memory_space<vmem>>, vector<16xf32>,
      %get3A_1071 = vector.shape_cast %get3A_1070 : vector<16xf32> to vector<16xf32>
      %get3A_1072 = arith.constant 22 : i32
      %get3A_1073 = arith.index_cast %get3A_1072 : i32 to index
      %get3A_1074 = arith.constant 0 : index
      %get3A_1075 = tpu.vector_load %arg122[%get3A_1073, %get3A_1074] {strides = array<i32>} : memref<40x16xf32, #tpu.memory_space<vmem>>, vector<1x16xf32>,
      %get3A_1076 = vector.shape_cast %get3A_1075 : vector<1x16xf32> to vector<16xf32>
      %mul3A_1077 = arith.mulf %get3A_1071, %get3A_1076 : vector<16xf32>
      %add3A_1078 = arith.addf %add3A_1068, %mul3A_1077 : vector<16xf32>
      %get3A_1079 = arith.index_cast %mul3A_846 : i32 to index
      %get3A_1080 = tpu.vector_load %arg118[%get3A_1079] {strides = array<i32>} : memref<512xf32, #tpu.memory_space<vmem>>, vector<16xf32>,
      %get3A_1081 = vector.shape_cast %get3A_1080 : vector<16xf32> to vector<16xf32>
      %get3A_1082 = arith.constant 23 : i32
      %get3A_1083 = arith.index_cast %get3A_1082 : i32 to index
      %get3A_1084 = arith.constant 0 : index
      %get3A_1085 = tpu.vector_load %arg122[%get3A_1083, %get3A_1084] {strides = array<i32>} : memref<40x16xf32, #tpu.memory_space<vmem>>, vector<1x16xf32>,
      %get3A_1086 = vector.shape_cast %get3A_1085 : vector<1x16xf32> to vector<16xf32>
      %mul3A_1087 = arith.mulf %get3A_1081, %get3A_1086 : vector<16xf32>
      %add3A_1088 = arith.addf %add3A_1078, %mul3A_1087 : vector<16xf32>
      %get3A_1089 = arith.index_cast %mul3A_846 : i32 to index
      %get3A_1090 = tpu.vector_load %arg119[%get3A_1089] {strides = array<i32>} : memref<512xf32, #tpu.memory_space<vmem>>, vector<16xf32>,
      %get3A_1091 = vector.shape_cast %get3A_1090 : vector<16xf32> to vector<16xf32>
      %get3A_1092 = arith.constant 24 : i32
      %get3A_1093 = arith.index_cast %get3A_1092 : i32 to index
      %get3A_1094 = arith.constant 0 : index
      %get3A_1095 = tpu.vector_load %arg122[%get3A_1093, %get3A_1094] {strides = array<i32>} : memref<40x16xf32, #tpu.memory_space<vmem>>, vector<1x16xf32>,
      %get3A_1096 = vector.shape_cast %get3A_1095 : vector<1x16xf32> to vector<16xf32>
      %mul3A_1097 = arith.mulf %get3A_1091, %get3A_1096 : vector<16xf32>
      %add3A_1098 = arith.addf %add3A_1088, %mul3A_1097 : vector<16xf32>
      %get3A_1099 = arith.index_cast %mul3A_846 : i32 to index
      %get3A_1100 = tpu.vector_load %arg120[%get3A_1099] {strides = array<i32>} : memref<512xf32, #tpu.memory_space<vmem>>, vector<16xf32>,
      %get3A_1101 = vector.shape_cast %get3A_1100 : vector<16xf32> to vector<16xf32>
      %get3A_1102 = arith.constant 25 : i32
      %get3A_1103 = arith.index_cast %get3A_1102 : i32 to index
      %get3A_1104 = arith.constant 0 : index
      %get3A_1105 = tpu.vector_load %arg122[%get3A_1103, %get3A_1104] {strides = array<i32>} : memref<40x16xf32, #tpu.memory_space<vmem>>, vector<1x16xf32>,
      %get3A_1106 = vector.shape_cast %get3A_1105 : vector<1x16xf32> to vector<16xf32>
      %mul3A_1107 = arith.mulf %get3A_1101, %get3A_1106 : vector<16xf32>
      %add3A_1108 = arith.addf %add3A_1098, %mul3A_1107 : vector<16xf32>
      %swap3A = arith.index_cast %mul3A_846 : i32 to index
      %swap3A_1109 = tpu.vector_load %arg123[%swap3A] {strides = array<i32>} : memref<512xf32, #tpu.memory_space<vmem>>, vector<16xf32>,
      %swap3A_1110 = vector.shape_cast %swap3A_1109 : vector<16xf32> to vector<16xf32>
      %swap3A_1111 = vector.shape_cast %add3A_1108 : vector<16xf32> to vector<16xf32>
      tpu.vector_store %arg123[%swap3A], %swap3A_1111 {strides = array<i32>} : memref<512xf32, #tpu.memory_space<vmem>>, vector<16xf32>,
    }
    %scan3A_843 = arith.constant 32 : i32
    "tpu.region"() ({
      %run_scoped3A = tpu.sem_alloc : memref<!tpu.dma_semaphore, #tpu.memory_space<semaphore_mem>>
      %dma_start3A_844 = tpu.memref_slice %arg68[%mul3A_2] : memref<16384xf32, #tpu.memory_space<hbm>> -> memref<512xf32, #tpu.memory_space<hbm>>
      %dma_start3A_845 = tpu.memref_slice %arg68[%mul3A_2] : memref<16384xf32, #tpu.memory_space<hbm>> -> memref<512xf32, #tpu.memory_space<hbm>>
      tpu.enqueue_dma source(%arg123 : memref<512xf32, #tpu.memory_space<vmem>>) target(%dma_start3A_845 : memref<512xf32, #tpu.memory_space<hbm>>) target_semaphore(%run_scoped3A : memref<!tpu.dma_semaphore, #tpu.memory_space<semaphore_mem>>)
      %dma_wait3A_846 = tpu.memref_slice %arg68[%mul3A_2] : memref<16384xf32, #tpu.memory_space<hbm>> -> memref<512xf32, #tpu.memory_space<hbm>>
      %dma_wait3A_847 = tpu.memref_slice %arg68[%mul3A_2] : memref<16384xf32, #tpu.memory_space<hbm>> -> memref<512xf32, #tpu.memory_space<hbm>>
      tpu.wait_dma2 semaphore(%run_scoped3A : memref<!tpu.dma_semaphore, #tpu.memory_space<semaphore_mem>>) src(%arg123 : memref<512xf32, #tpu.memory_space<vmem>>) dst(%dma_wait3A_847 : memref<512xf32, #tpu.memory_space<hbm>>)
      tpu.yield
    }) : () -> ()
    return
  }
}

</mosaic_0001>

<sc_bundles>
// kernel: lr_layer_sc.3.cloned.1.call-start
scs
__scs_entry_jumppad:
0x0: {  	(pc) =	sbr.rel $0x88, $3  }
0x1: {  	(tag) =	ssettag $0x0;
	lr =	simm.s32 $0x1  }
0x2: {  	[smem:$0x3F5E] =	sst lr;
	_ =	strace $0xD0000000  }
0x3: {  	_ = 	snop  }
0x4: {  	_ = 	snop  }
0x5: {  	_ = 	snop  }
0x6: {  	_ = 	snop  }
0x7: {  	_ = 	snop  }
__scs_overlays_trampoline_lowered:
0x8: {  	[smem:$0x3F6D] =	sst s0  }
0x9: {  	[smem:$0x3F6E] =	sst s1  }
0xa: {  	[smem:$0x3F6F] =	sst s2  }
0xb: {  	[smem:$0x3F70] =	sst s3  }
0xc: {  	[smem:$0x3F71] =	sst s4  }
0xd: {  	[smem:$0x3F72] =	sst s5  }
0xe: {  	[smem:$0x3F73] =	sst s6  }
0xf: {  	[smem:$0x3F74] =	sst s7  }
0x10: {  	[smem:$0x3F75] =	sst s8  }
0x11: {  	[smem:$0x3F76] =	sst s9;
	s0 =	simm.s32 @!p0 $0x0  }
0x12: {  	s1 =	sld [smem:$0x3F5C];
	s0 =	simm.s32 @p0 $0x1  }
0x13: {  	[smem:$0x3F77] =	sst s0;
	s0 =	simm.s32 @!p1 $0x0  }
0x14: {  	s2 =	sld [smem:$0x3F5B];
	s0 =	simm.s32 @p1 $0x1  }
0x15: {  	[smem:$0x3F78] =	sst s0;
	s0 =	simm.s32 @!p2 $0x0  }
0x16: {  	s3 =	sld [smem:$0x3FDB];
	s0 =	simm.s32 @p2 $0x1  }
0x17: {  	s4 =	simm.s32 $0x1BF5;
	[smem:$0x3F7A] =	sst s0  }
0x18: {  	s0 =	sld [smem:$0x3F5D];
	_ =	swait.ge [sflag:s4], $0x0  }
0x19: {  	s7 =	sld [smem:$0x3F5E]  }
0x1a: {  	s8 =	sadd.s32 $0xFFFFE003, lr  }
0x1b: {  	s9 =	sadd.s32 $0xFFFFFEF7, lr;
	s5 =	simm.s32 $0xFFFFFFFF;
	p2 =	slt.u32 s8, $0xFFFFF086  }
0x1c: {  	p1 =	slt.u32 s9, $0xF7A;
	s5 =	simm.s32 @!p2 $0x0  }
0x1d: {  	s5 =	simm.s32 @p1 $0x1;
	p0 =	seq.s32 s7, s2  }
0x1e: {  	s7 =	smul.u32 @!p0 $0xF7A, s2;
	p2 =	seq.s32 @!p0 s5, $0x0  }
0x1f: {  	s9 =	smul.u32 $0xF7A, s1;
	s8 =	simm.s32 @!p0 $0x1BF5;
	p2 =	por !p2, p0  }
0x20: {  	[sflag:s8] =	ssyncset.s32 @!p0 $0xFFFFF086;
	s6 =	sadd.s32 @!p0 s3, s7;
	s7 =	simm.s32 @!p0 $0x108  }
0x21: {  	s3 =	sadd.s32 s3, s9;
	s6 =	sadd.s32 @!p0 $0x88, s6;
	s7 =	simm.s32 @p2 $0x1082  }
0x22: {  	[simem:s7], [sflag:s8] =	dma.local @!p0 [hbm:s6], $0xF7A  }
0x23: {  	s9 =	sor.u32 $0xD0000000, s2;
	s6 =	simm.s32 $0x108;
	_ =	swait.ge @!p0 [sflag:s8], $0x0  }
0x24: {  	s3 =	sadd.s32 $0x88, s3;
	s6 =	simm.s32 @!p1 $0x1082;
	[sflag:s4] =	ssyncset.s32 $0xFFFFF086  }
0x25: {  	[simem:s6], [sflag:s4] =	dma.local [hbm:s3], $0xF7A  }
0x26: {  	[smem:$0x3F5E] =	sst s1;
	(tag) =	ssettag s2;
	_ =	strace s9  }
0x27: {  	s1 =	sld [smem:$0x3F6E]  }
0x28: {  	s2 =	sld [smem:$0x3F6F]  }
0x29: {  	s4 =	sld [smem:$0x3F71]  }
0x2a: {  	p0 =	seq.s32 s5, $0x0;
	s5 =	sld [smem:$0x3F72]  }
0x2b: {  	s6 =	sld [smem:$0x3F73]  }
0x2c: {  	s7 =	sld [smem:$0x3F74]  }
0x2d: {  	s3 =	simm.s32 $0x108;
	s8 =	sld [smem:$0x3F75]  }
0x2e: {  	s3 =	simm.s32 @!p0 $0x1082;
	s9 =	sld [smem:$0x3F76]  }
0x2f: {  	lr =	sadd.s32 s0, s3;
	s0 =	sld [smem:$0x3F6D]  }
0x30: {  	s3 =	sld [smem:$0x3F70]  }
0x31: {  	[smem:$0x3F79] =	sst s10  }
0x32: {  	s10 =	sld [smem:$0x3F77];
	_ =	sdelay $0x3  }
0x33: {  	p0 =	seq.s32 s10, $0x1;
	s10 =	sld [smem:$0x3F79];
	_ =	sdelay $0x3  }
0x34: {  	[smem:$0x3F79] =	sst s10  }
0x35: {  	s10 =	sld [smem:$0x3F78];
	_ =	sdelay $0x3  }
0x36: {  	p1 =	seq.s32 s10, $0x1;
	s10 =	sld [smem:$0x3F79];
	_ =	sdelay $0x3  }
0x37: {  	[smem:$0x3F79] =	sst s10  }
0x38: {  	s10 =	sld [smem:$0x3F7A]  }
0x39: {  	_ = 	snop;
	(pc) =	sbr.ind lr, $3  }
0x3a: {  	_ = 	snop  }
0x3b: {  	_ = 	snop  }
0x3c: {  	p2 =	seq.s32 s10, $0x1;
	s10 =	sld [smem:$0x3F79]  }
0x3d: {  	_ =	shalt  }
0x3e: {  	_ =	shalt  }
0x3f: {  	_ =	shalt  }
0x40: {  	_ =	shalt  }
0x41: {  	_ =	shalt  }
0x42: {  	_ =	shalt  }
0x43: {  	_ =	shalt  }
0x44: {  	_ =	shalt  }
0x45: {  	_ =	shalt  }
0x46: {  	_ =	shalt  }
0x47: {  	_ =	shalt  }
0x48: {  	_ =	shalt  }
0x49: {  	_ =	shalt  }
0x4a: {  	_ =	shalt  }
0x4b: {  	_ =	shalt  }
0x4c: {  	_ =	shalt  }
0x4d: {  	_ =	shalt  }
0x4e: {  	_ =	shalt  }
0x4f: {  	_ =	shalt  }
0x50: {  	_ =	shalt  }
0x51: {  	_ =	shalt  }
0x52: {  	_ =	shalt  }
0x53: {  	_ =	shalt  }
0x54: {  	_ =	shalt  }
0x55: {  	_ =	shalt  }
0x56: {  	_ =	shalt  }
0x57: {  	_ =	shalt  }
0x58: {  	_ =	shalt  }
0x59: {  	_ =	shalt  }
0x5a: {  	_ =	shalt  }
0x5b: {  	_ =	shalt  }
0x5c: {  	_ =	shalt  }
0x5d: {  	_ =	shalt  }
0x5e: {  	_ =	shalt  }
0x5f: {  	_ =	shalt  }
0x60: {  	_ =	shalt  }
0x61: {  	_ =	shalt  }
0x62: {  	_ =	shalt  }
0x63: {  	_ =	shalt  }
0x64: {  	_ =	shalt  }
0x65: {  	_ =	shalt  }
0x66: {  	_ =	shalt  }
0x67: {  	_ =	shalt  }
0x68: {  	_ =	shalt  }
0x69: {  	_ =	shalt  }
0x6a: {  	_ =	shalt  }
0x6b: {  	_ =	shalt  }
0x6c: {  	_ =	shalt  }
0x6d: {  	_ =	shalt  }
0x6e: {  	_ =	shalt  }
0x6f: {  	_ =	shalt  }
0x70: {  	_ =	shalt  }
0x71: {  	_ =	shalt  }
0x72: {  	_ =	shalt  }
0x73: {  	_ =	shalt  }
0x74: {  	_ =	shalt  }
0x75: {  	_ =	shalt  }
0x76: {  	_ =	shalt  }
0x77: {  	_ =	shalt  }
0x78: {  	_ =	shalt  }
0x79: {  	_ =	shalt  }
0x7a: {  	_ =	shalt  }
0x7b: {  	_ =	shalt  }
0x7c: {  	_ =	shalt  }
0x7d: {  	_ =	shalt  }
0x7e: {  	_ =	shalt  }
0x7f: {  	_ =	shalt  }
0x80: {  	_ =	shalt  }
0x81: {  	_ =	shalt  }
0x82: {  	_ =	shalt  }
0x83: {  	_ =	shalt  }
0x84: {  	_ =	shalt  }
0x85: {  	_ =	shalt  }
0x86: {  	_ =	shalt  }
0x87: {  	_ =	shalt  }
.Lfunc_end0:
.L_simem_size_0:
called_computation_lowered:
.L_overlay_start_0:
0x88: {  	s2 =	sld [smem:$0x3FD9]  }
0x89: {  	s3 =	sld [smem:$0x3FFE];
	_ =	sdelay $0x1  }
0x8a: {  	s5 =	srdreg.scid  }
0x8b: {  	s4 =	sand.u32 $0x1, s5  }
0x8c: {  	s1 =	sshll.u32 s4, $0xA;
	s2 =	sadd.s32 s3, s2  }
0x8d: {  	s2 =	sadd.s32 s2, s1  }
0x8e: {  	[smem:$0x3F85] =	sst s2  }
0x8f: {  	_ = 	snop  }
0x90: {  	s18 =	sld [smem:$0x3FBB]  }
0x91: {  	s3 =	sld [smem:$0x3FBA]  }
0x92: {  	s15 =	sld [smem:$0x3FB9]  }
0x93: {  	s17 =	sld [smem:$0x3FB8]  }
0x94: {  	s6 =	sld [smem:$0x3FB7]  }
0x95: {  	s7 =	sld [smem:$0x3FB6]  }
0x96: {  	s8 =	sld [smem:$0x3FB5]  }
0x97: {  	s9 =	sld [smem:$0x3FB4]  }
0x98: {  	s10 =	sld [smem:$0x3FB3]  }
0x99: {  	s11 =	sld [smem:$0x3FB2]  }
0x9a: {  	s12 =	sld [smem:$0x3FB1]  }
0x9b: {  	s13 =	sld [smem:$0x3FB0]  }
0x9c: {  	s14 =	sld [smem:$0x3FAF]  }
0x9d: {  	s28 =	sld [smem:$0x3FAE]  }
0x9e: {  	s29 =	sld [smem:$0x3FAD]  }
0x9f: {  	s30 =	sld [smem:$0x3FAC]  }
0xa0: {  	s31 =	sld [smem:$0x3FAB]  }
0xa1: {  	s20 =	sld [smem:$0x3FA9]  }
0xa2: {  	s21 =	sld [smem:$0x3FA8]  }
0xa3: {  	s22 =	sld [smem:$0x3FA7]  }
0xa4: {  	s23 =	sld [smem:$0x3FA6]  }
0xa5: {  	s24 =	sld [smem:$0x3FA5]  }
0xa6: {  	s25 =	sld [smem:$0x3FA4]  }
0xa7: {  	s26 =	sld [smem:$0x3FA3];
	(tm) =	ssettm $0x1  }
0xa8: {  	s16 =	sld [smem:$0x3FFB];
	_ =	sdelay $0x3  }
0xa9: {  	_ =	strace s16  }
0xaa: {  	s16 =	sld [smem:$0x3FFC];
	_ =	sdelay $0x3  }
0xab: {  	_ =	strace s16  }
0xac: {  	s16 =	sld [smem:$0x3FFD];
	_ =	sdelay $0x3  }
0xad: {  	_ =	strace s16  }
0xae: {  	_ =	strace $0x8FFFFFFF  }
0xaf: {  	s2 =	sld [smem:$0x3FDB];
	_ =	sdelay $0x1  }
0xb0: {  	s0 =	simm.s32 $_scs_section_size  }
0xb1: {  	s19 =	simm.s32 $_tile_task_arg_handler_lowered;
	s1 =	simm.s32 $_size__tile_task_arg_handler_lowered  }
0xb2: {  	s1 =	sshll.u32 s1, $0x1;
	s0 =	sadd.s32 s0, s2;
	s2 =	sshll.u32 s19, $0x1  }
0xb3: {  	s16 =	simm.s32 $0x1BFF;
	s19 =	simm.s32 $0x60;
	s2 =	sadd.s32 s2, s0  }
0xb4: {  	[timem:s19], [sflag:s16] =	dma.local [hbm:s2], s1  }
0xb5: {  	_ =	swait.ge [sflag:s16], s1  }
0xb6: {  	s19 =	simm.s32 $_tile_overlayer_lowered;
	s1 =	ssub.s32 $0x0, s1;
	[sflag:s16] =	ssyncset.done $0x0  }
0xb7: {  	[sflag:s16] =	ssyncadd.s32 s1;
	s1 =	sshll.u32 s19, $0x1;
	s19 =	simm.s32 $_size__tile_overlayer_lowered  }
0xb8: {  	s2 =	sshll.u32 s19, $0x1;
	s19 =	sadd.s32 s1, s0;
	s1 =	simm.s32 $0x0  }
0xb9: {  	[timem:s1], [sflag:s16] =	dma.local [hbm:s19], s2  }
0xba: {  	_ =	swait.ge [sflag:s16], s2  }
0xbb: {  	s2 =	ssub.s32 $0x0, s2;
	[sflag:s16] =	ssyncset.done $0x0  }
0xbc: {  	[sflag:s16] =	ssyncadd.s32 s2;
	_ =	sdelay $0x1  }
0xbd: {  	s19 =	simm.s32 $0x1B8B  }
0xbe: {  	_ =	swait.ge [sflag:s19], $0x1  }
0xbf: {  	[sflag:s19] =	ssyncset.done $0x0  }
0xc0: {  	s16 =	simm.s32 $0x1B8E;
	s2 =	sld [smem:$0x3FFE];
	[sflag:s19] =	ssyncadd.s32 $0xFFFFFFFF  }
0xc1: {  	s19 =	simm.s32 $execute0_lowered;
	[smem:$0x3FD2] =	sst s16  }
0xc2: {  	s16 =	sshll.u32 s19, $0x1;
	_ =	strace $0x80000046;
	[dreg:$0x1] =	wrdreg $0xFFFFFFFF  }
0xc3: {  	s19 =	simm.s32 $_size_execute0_lowered;
	s0 =	sadd.s32 s0, s16;
	[dreg:$0x0] =	wrdreg $0x0  }
0xc4: {  	s19 =	sshll.u32 s19, $0x1;
	[dreg:$0x2] =	wrdreg s0  }
0xc5: {  	[dreg:$0x3] =	wrdreg s19  }
0xc6: {  	[dreg:$0x4] =	wrdreg $0xC0  }
0xc7: {  	_ =	task [dreg:s1], $0x5FFFF  }
0xc8: {  	[dreg:$0x1] =	wrdreg $0xFFFFFFFF  }
0xc9: {  	[dreg:$0x0] =	wrdreg $0x30  }
0xca: {  	[dreg:$0x2] =	wrdreg $0x0  }
0xcb: {  	[dreg:$0x3] =	wrdreg s18  }
0xcc: {  	[dreg:$0x4] =	wrdreg s3  }
0xcd: {  	[dreg:$0x5] =	wrdreg s15  }
0xce: {  	[dreg:$0x6] =	wrdreg s17  }
0xcf: {  	[dreg:$0x7] =	wrdreg s6  }
0xd0: {  	[dreg:$0x8] =	wrdreg s7  }
0xd1: {  	[dreg:$0x9] =	wrdreg s8  }
0xd2: {  	[dreg:$0xa] =	wrdreg s9  }
0xd3: {  	[dreg:$0xb] =	wrdreg s10  }
0xd4: {  	[dreg:$0xc] =	wrdreg s11  }
0xd5: {  	[dreg:$0xd] =	wrdreg s12  }
0xd6: {  	[dreg:$0xe] =	wrdreg s13  }
0xd7: {  	[dreg:$0xf] =	wrdreg s14  }
0xd8: {  	_ =	task [dreg:s1], $0x10FFFF  }
0xd9: {  	[dreg:$0x1] =	wrdreg $0xFFFFFFFF  }
0xda: {  	s12 =	sld [smem:$0x3FAA]  }
0xdb: {  	[dreg:$0x0] =	wrdreg $0x30  }
0xdc: {  	[dreg:$0x2] =	wrdreg $0xD  }
0xdd: {  	[dreg:$0x3] =	wrdreg s28  }
0xde: {  	[dreg:$0x4] =	wrdreg s29  }
0xdf: {  	[dreg:$0x5] =	wrdreg s30  }
0xe0: {  	[dreg:$0x6] =	wrdreg s31  }
0xe1: {  	[dreg:$0x7] =	wrdreg s12  }
0xe2: {  	[dreg:$0x8] =	wrdreg s20  }
0xe3: {  	[dreg:$0x9] =	wrdreg s21  }
0xe4: {  	[dreg:$0xa] =	wrdreg s22  }
0xe5: {  	[dreg:$0xb] =	wrdreg s23  }
0xe6: {  	[dreg:$0xc] =	wrdreg s24  }
0xe7: {  	[dreg:$0xd] =	wrdreg s25  }
0xe8: {  	[dreg:$0xe] =	wrdreg s26  }
0xe9: {  	[dreg:$0xf] =	wrdreg s2  }
0xea: {  	_ =	task [dreg:s1], $0x10FFFF  }
0xeb: {  	[dreg:$0x1] =	wrdreg $0xFFFFFFFF  }
0xec: {  	s13 =	sld [smem:$0x3FA2]  }
0xed: {  	s14 =	sld [smem:$0x3FA1]  }
0xee: {  	s15 =	sld [smem:$0x3FA0]  }
0xef: {  	s16 =	sld [smem:$0x3F9F]  }
0xf0: {  	s17 =	sld [smem:$0x3F9E]  }
0xf1: {  	s18 =	sld [smem:$0x3F9D]  }
0xf2: {  	s19 =	sld [smem:$0x3F9C]  }
0xf3: {  	s20 =	sld [smem:$0x3F9B]  }
0xf4: {  	s21 =	sld [smem:$0x3F9A]  }
0xf5: {  	s22 =	sld [smem:$0x3F99]  }
0xf6: {  	s23 =	sld [smem:$0x3F98]  }
0xf7: {  	s24 =	sld [smem:$0x3F97]  }
0xf8: {  	s25 =	sld [smem:$0x3F96]  }
0xf9: {  	[dreg:$0x0] =	wrdreg $0x30  }
0xfa: {  	[dreg:$0x2] =	wrdreg $0x1A  }
0xfb: {  	[dreg:$0x3] =	wrdreg s13  }
0xfc: {  	[dreg:$0x4] =	wrdreg s14  }
0xfd: {  	[dreg:$0x5] =	wrdreg s15  }
0xfe: {  	[dreg:$0x6] =	wrdreg s16  }
0xff: {  	[dreg:$0x7] =	wrdreg s17  }
0x100: {  	[dreg:$0x8] =	wrdreg s18  }
0x101: {  	[dreg:$0x9] =	wrdreg s19  }
0x102: {  	[dreg:$0xa] =	wrdreg s20  }
0x103: {  	[dreg:$0xb] =	wrdreg s21  }
0x104: {  	[dreg:$0xc] =	wrdreg s22  }
0x105: {  	[dreg:$0xd] =	wrdreg s23  }
0x106: {  	[dreg:$0xe] =	wrdreg s24  }
0x107: {  	[dreg:$0xf] =	wrdreg s25  }
0x108: {  	_ =	task [dreg:s1], $0x10FFFF  }
0x109: {  	[dreg:$0x1] =	wrdreg $0xFFFFFFFF  }
0x10a: {  	s26 =	sld [smem:$0x3F95]  }
0x10b: {  	s28 =	sld [smem:$0x3F94]  }
0x10c: {  	s29 =	sld [smem:$0x3F93]  }
0x10d: {  	s30 =	sld [smem:$0x3F92]  }
0x10e: {  	s31 =	sld [smem:$0x3F91]  }
0x10f: {  	s2 =	sld [smem:$0x3F90]  }
0x110: {  	s3 =	sld [smem:$0x3F8F]  }
0x111: {  	s6 =	sld [smem:$0x3F8E]  }
0x112: {  	s7 =	sld [smem:$0x3F8D]  }
0x113: {  	s8 =	sld [smem:$0x3F8C]  }
0x114: {  	s9 =	sld [smem:$0x3F8B]  }
0x115: {  	s10 =	sld [smem:$0x3F8A]  }
0x116: {  	s11 =	sld [smem:$0x3F89]  }
0x117: {  	[dreg:$0x0] =	wrdreg $0x30  }
0x118: {  	[dreg:$0x2] =	wrdreg $0x27  }
0x119: {  	[dreg:$0x3] =	wrdreg s26  }
0x11a: {  	[dreg:$0x4] =	wrdreg s28  }
0x11b: {  	[dreg:$0x5] =	wrdreg s29  }
0x11c: {  	[dreg:$0x6] =	wrdreg s30  }
0x11d: {  	[dreg:$0x7] =	wrdreg s31  }
0x11e: {  	[dreg:$0x8] =	wrdreg s2  }
0x11f: {  	[dreg:$0x9] =	wrdreg s3  }
0x120: {  	[dreg:$0xa] =	wrdreg s6  }
0x121: {  	[dreg:$0xb] =	wrdreg s7  }
0x122: {  	[dreg:$0xc] =	wrdreg s8  }
0x123: {  	[dreg:$0xd] =	wrdreg s9  }
0x124: {  	[dreg:$0xe] =	wrdreg s10  }
0x125: {  	[dreg:$0xf] =	wrdreg s11  }
0x126: {  	_ =	task [dreg:s1], $0x10FFFF  }
0x127: {  	s12 =	sld [smem:$0x3FD0]  }
0x128: {  	[dreg:$0x1] =	wrdreg $0xFFFFFFFF  }
0x129: {  	[dreg:$0x0] =	wrdreg $0x30  }
0x12a: {  	[dreg:$0x2] =	wrdreg $0x34  }
0x12b: {  	[dreg:$0x3] =	wrdreg s12  }
0x12c: {  	[dreg:$0x4] =	wrdreg $0x9  }
0x12d: {  	_ =	task [dreg:s1], $0x5FFFF  }
0x12e: {  	[dreg:$0x1] =	wrdreg $0xFFFFFFFF  }
0x12f: {  	s13 =	sld [smem:$0x3FC9]  }
0x130: {  	s14 =	sld [smem:$0x3FC8]  }
0x131: {  	s15 =	sld [smem:$0x3FC7]  }
0x132: {  	s16 =	sld [smem:$0x3FC6]  }
0x133: {  	s17 =	sld [smem:$0x3FC5]  }
0x134: {  	s18 =	sld [smem:$0x3FC4]  }
0x135: {  	s19 =	sld [smem:$0x3FC3]  }
0x136: {  	s20 =	sld [smem:$0x3FC2]  }
0x137: {  	s21 =	sld [smem:$0x3FC1]  }
0x138: {  	s22 =	sld [smem:$0x3FC0]  }
0x139: {  	s23 =	sld [smem:$0x3FBF]  }
0x13a: {  	s24 =	sld [smem:$0x3FBE]  }
0x13b: {  	s25 =	sld [smem:$0x3FBD]  }
0x13c: {  	s26 =	sld [smem:$0x3FBC]  }
0x13d: {  	[dreg:$0x0] =	wrdreg $0x60  }
0x13e: {  	[dreg:$0x2] =	wrdreg s13  }
0x13f: {  	[dreg:$0x3] =	wrdreg s14  }
0x140: {  	[dreg:$0x4] =	wrdreg s15  }
0x141: {  	[dreg:$0x5] =	wrdreg s16  }
0x142: {  	[dreg:$0x6] =	wrdreg s17  }
0x143: {  	[dreg:$0x7] =	wrdreg s18  }
0x144: {  	[dreg:$0x8] =	wrdreg s19  }
0x145: {  	[dreg:$0x9] =	wrdreg s20  }
0x146: {  	[dreg:$0xa] =	wrdreg s21  }
0x147: {  	[dreg:$0xb] =	wrdreg s22  }
0x148: {  	[dreg:$0xc] =	wrdreg s23  }
0x149: {  	[dreg:$0xd] =	wrdreg s24  }
0x14a: {  	[dreg:$0xe] =	wrdreg s25  }
0x14b: {  	[dreg:$0xf] =	wrdreg s26  }
0x14c: {  	_ =	task.clear_ibuf [dreg:s1], $0x10FFFF;
	_ =	strace $0x90000046  }
0x14d: {  	s28 =	simm.s32 $0x9;
	_ =	strace $0x80000048  }
0x14e: {  	_ =	swait.ge [sflag:s28], $0x1  }
0x14f: {  	[sflag:s28] =	ssyncadd.s32 $0xFFFFFFFF  }
0x150: {  	_ =	strace $0x90000048  }
0x151: {  	_ =	sfence  }
0x152: {  	s29 =	sld [smem:$0x0];
	_ =	sdelay $0x2  }
0x153: {  	s30 =	sshll.u32 s5, $0xD;
	s31 =	sshrl.u32 s5, $0x2  }
0x154: {  	s2 =	sand.u32 $0x4000, s30;
	s0 =	sadd.s32 s31, s29  }
0x155: {  	s2 =	sor.u32 s2, s4;
	s0 =	sshll.u32 s0, $0x11  }
0x156: {  	s0 =	sor.u32 s0, s2  }
0x157: {  	s0 =	sadd.s32 $0x8F2B, s0  }
0x158: {  	[sflag:s0] =	ssyncadd.remote.s32 $0x1  }
0x159: {  	_ =	sfence.sel $0xFFFF  }
0x15a: {  	[dreg:$0x0] =	wrdreg $0xFFFFFFFF;
	(pc) =	sbr.abs _section_cstart, $3  }
0x15b: {  	[dreg:$0x1] =	wrdreg $0xFFFFFFFF  }
0x15c: {  	_ =	task.clear_ibuf [dreg:s1], $0x2FFFF;
	_ =	strace $0x9FFFFFFF  }
0x15d: {  	(tm) =	ssettm $0x7FFFFFFF  }
tec
_tile_task_arg_handler_lowered:
.L_overlay_start_1:
0x0: {  	(tag) =	ssettag $0x1  }
0x1: {  	s0 =	rddreg [dreg:$0x0]  }
0x2: {  	s1 =	rddreg [dreg:$0x1]  }
0x3: {  	s2 =	rddreg [dreg:$0x2]  }
0x4: {  	s3 =	rddreg [dreg:$0x3]  }
0x5: {  	s4 =	rddreg [dreg:$0x4]  }
0x6: {  	s5 =	rddreg [dreg:$0x5]  }
0x7: {  	s6 =	rddreg [dreg:$0x6]  }
0x8: {  	s7 =	rddreg [dreg:$0x7]  }
0x9: {  	s8 =	rddreg [dreg:$0x8]  }
0xa: {  	s9 =	rddreg [dreg:$0x9]  }
0xb: {  	s10 =	rddreg [dreg:$0xa]  }
0xc: {  	s11 =	rddreg [dreg:$0xb]  }
0xd: {  	s12 =	rddreg [dreg:$0xc]  }
0xe: {  	s13 =	rddreg [dreg:$0xd]  }
0xf: {  	[smem:s0] =	sst s1  }
0x10: {  	[smem:s0+$0x1] =	sst s2  }
0x11: {  	[smem:s0+$0x2] =	sst s3  }
0x12: {  	[smem:s0+$0x3] =	sst s4  }
0x13: {  	[smem:s0+$0x4] =	sst s5  }
0x14: {  	[smem:s0+$0x5] =	sst s6  }
0x15: {  	[smem:s0+$0x6] =	sst s7  }
0x16: {  	[smem:s0+$0x7] =	sst s8  }
0x17: {  	[smem:s0+$0x8] =	sst s9  }
0x18: {  	[smem:s0+$0x9] =	sst s10  }
0x19: {  	[smem:s0+$0xA] =	sst s11  }
0x1a: {  	[smem:s0+$0xB] =	sst s12  }
0x1b: {  	[smem:s0+$0xC] =	sst s13;
	_ =	shalt  }
.Lfunc_end2:
execute0_lowered:
.L_overlay_start_2:
0x1c: {  	(tag) =	ssettag $0x2  }
0x1d: {  	s22 =	rddreg [dreg:$0x0];
	s0 =	simm.s32 $0x0  }
0x1e: {  	[smem:$0x7FF] =	sst s0  }
0x1f: {  	s2 =	sld [smem:$0x0]  }
0x20: {  	s28 =	sld [smem:$0x1]  }
0x21: {  	s29 =	sld [smem:$0x2]  }
0x22: {  	s23 =	sld [smem:$0x3]  }
0x23: {  	s24 =	sld [smem:$0x4]  }
0x24: {  	s20 =	sld [smem:$0x5]  }
0x25: {  	s21 =	sld [smem:$0x6]  }
0x26: {  	s18 =	sld [smem:$0x7]  }
0x27: {  	s19 =	sld [smem:$0x8]  }
0x28: {  	s16 =	sld [smem:$0x9]  }
0x29: {  	s17 =	sld [smem:$0xA]  }
0x2a: {  	s14 =	sld [smem:$0xB]  }
0x2b: {  	s15 =	sld [smem:$0xC]  }
0x2c: {  	s12 =	sld [smem:$0xD]  }
0x2d: {  	s13 =	sld [smem:$0xE]  }
0x2e: {  	s10 =	sld [smem:$0xF]  }
0x2f: {  	s11 =	sld [smem:$0x10]  }
0x30: {  	s8 =	sld [smem:$0x11]  }
0x31: {  	s9 =	sld [smem:$0x12]  }
0x32: {  	s5 =	sld [smem:$0x13]  }
0x33: {  	s7 =	sld [smem:$0x14]  }
0x34: {  	s4 =	sld [smem:$0x15]  }
0x35: {  	s6 =	sld [smem:$0x16]  }
0x36: {  	s26 =	sld [smem:$0x17]  }
0x37: {  	s30 =	sld [smem:$0x18]  }
0x38: {  	s3 =	sld [smem:$0x1A]  }
0x39: {  	s25 =	sld [smem:$0x1B]  }
0x3a: {  	s1 =	sld [smem:$0x19]  }
0x3b: {  	[dreg:$0xe] =	wrdreg s3  }
0x3c: {  	[dreg:$0xf] =	wrdreg s25  }
0x3d: {  	s3 =	sld [smem:$0x1C]  }
0x3e: {  	s25 =	sld [smem:$0x1D]  }
0x3f: {  	[smem:$0x7C7] =	sst s1  }
0x40: {  	[dreg:$0x10] =	wrdreg s3  }
0x41: {  	[dreg:$0x11] =	wrdreg s25  }
0x42: {  	s3 =	srdreg.scid;
	s25 =	sld [smem:$0x1F]  }
0x43: {  	s1 =	sand.u32 $0x1, s3;
	s3 =	sld [smem:$0x1E]  }
0x44: {  	s31 =	sld [smem:$0x20]  }
0x45: {  	[dreg:$0x13] =	wrdreg s25  }
0x46: {  	s25 =	stileid.u32;
	[dreg:$0x12] =	wrdreg s3  }
0x47: {  	s3 =	ssub.s32 $0x2, s1;
	s1 =	sshll.u32 s1, $0x6;
	s25 =	sshll.u32 s25, $0x7  }
0x48: {  	[dreg:$0x14] =	wrdreg s31;
	s1 =	sor.u32 s1, s25  }
0x49: {  	s25 =	sld [smem:$0x21];
	s22 =	sadd.s32 s22, s1  }
0x4a: {  	s2 =	sadd.s32 s2, s1;
	[dreg:$0x16] =	wrdreg s22  }
0x4b: {  	s23 =	sadd.s32 s23, s1;
	[smem:$0x7AE] =	sst s2  }
0x4c: {  	s18 =	sadd.s32 s18, s1;
	[smem:$0x7B3] =	sst s23  }
0x4d: {  	s19 =	sadd.s32 s19, s1;
	[smem:$0x7B9] =	sst s18  }
0x4e: {  	[smem:$0x7BA] =	sst s19  }
0x4f: {  	s23 =	sadd.s32 s20, s1;
	s20 =	sld [smem:$0x2D]  }
0x50: {  	s18 =	sld [smem:$0x34]  }
0x51: {  	[dreg:$0x15] =	wrdreg s25;
	s25 =	sshrl.u32 s3, $0x1  }
0x52: {  	s3 =	ssub.s32 s3, s25;
	s25 =	sld [smem:$0x22]  }
0x53: {  	s19 =	sld [smem:$0x33]  }
0x54: {  	[smem:$0x7B6] =	sst s23  }
0x55: {  	[dreg:$0x17] =	wrdreg s25  }
0x56: {  	s25 =	rddreg [dreg:$0x1]  }
0x57: {  	s22 =	sadd.s32 s25, s1;
	s25 =	rddreg [dreg:$0x2]  }
0x58: {  	[dreg:$0x18] =	wrdreg s22  }
0x59: {  	s22 =	sadd.s32 s25, s1;
	s25 =	sld [smem:$0x23]  }
0x5a: {  	s23 =	sld [smem:$0x2E]  }
0x5b: {  	[dreg:$0x19] =	wrdreg s22  }
0x5c: {  	[dreg:$0x1a] =	wrdreg s25  }
0x5d: {  	s25 =	rddreg [dreg:$0x3]  }
0x5e: {  	s22 =	sadd.s32 s25, s1;
	s25 =	rddreg [dreg:$0x4]  }
0x5f: {  	[dreg:$0x1b] =	wrdreg s22  }
0x60: {  	s22 =	sadd.s32 s25, s1;
	s25 =	sld [smem:$0x24]  }
0x61: {  	[smem:$0x7BB] =	sst s20  }
0x62: {  	[dreg:$0x1c] =	wrdreg s22  }
0x63: {  	[dreg:$0x1d] =	wrdreg s25  }
0x64: {  	s25 =	rddreg [dreg:$0x5]  }
0x65: {  	s22 =	sadd.s32 s25, s1;
	s25 =	rddreg [dreg:$0x6]  }
0x66: {  	[dreg:$0x1e] =	wrdreg s22  }
0x67: {  	s22 =	sadd.s32 s25, s1;
	s25 =	sld [smem:$0x25]  }
0x68: {  	[smem:$0x7C4] =	sst s19  }
0x69: {  	[dreg:$0x1f] =	wrdreg s22  }
0x6a: {  	[smem:$0x7A3] =	sst s25  }
0x6b: {  	s25 =	rddreg [dreg:$0x7]  }
0x6c: {  	s22 =	sadd.s32 s25, s1;
	s25 =	rddreg [dreg:$0x8]  }
0x6d: {  	[smem:$0x7A4] =	sst s22  }
0x6e: {  	s22 =	sadd.s32 s25, s1;
	s25 =	sld [smem:$0x26]  }
0x6f: {  	s20 =	sld [smem:$0x35]  }
0x70: {  	[smem:$0x7A5] =	sst s22  }
0x71: {  	[smem:$0x7A6] =	sst s25  }
0x72: {  	s25 =	rddreg [dreg:$0x9]  }
0x73: {  	s22 =	sadd.s32 s25, s1;
	s25 =	rddreg [dreg:$0xa]  }
0x74: {  	[smem:$0x7A7] =	sst s22  }
0x75: {  	s22 =	sadd.s32 s25, s1;
	s25 =	sld [smem:$0x27]  }
0x76: {  	[smem:$0x7BE] =	sst s23  }
0x77: {  	[smem:$0x7A8] =	sst s22  }
0x78: {  	[smem:$0x7A9] =	sst s25  }
0x79: {  	s25 =	rddreg [dreg:$0xb]  }
0x7a: {  	s22 =	sadd.s32 s25, s1;
	s25 =	rddreg [dreg:$0xc]  }
0x7b: {  	[smem:$0x7AA] =	sst s22  }
0x7c: {  	s22 =	sadd.s32 s25, s1;
	s25 =	sld [smem:$0x28]  }
0x7d: {  	[smem:$0x7C5] =	sst s20  }
0x7e: {  	[smem:$0x7AB] =	sst s22  }
0x7f: {  	[smem:$0x7AC] =	sst s25  }
0x80: {  	s25 =	rddreg [dreg:$0xd]  }
0x81: {  	s22 =	sadd.s32 s25, s1;
	s25 =	sld [smem:$0x29]  }
0x82: {  	[smem:$0x7AD] =	sst s22;
	s22 =	sadd.s32 s28, s1  }
0x83: {  	[smem:$0x7B0] =	sst s22  }
0x84: {  	s22 =	sld [smem:$0x2A]  }
0x85: {  	[smem:$0x7AF] =	sst s25;
	s25 =	sadd.s32 s29, s1  }
0x86: {  	[smem:$0x7B1] =	sst s25;
	s25 =	sadd.s32 s24, s1  }
0x87: {  	s24 =	sadd.s32 s21, s1;
	s21 =	sadd.s32 s16, s1;
	s16 =	sld [smem:$0x31]  }
0x88: {  	[smem:$0x7B2] =	sst s22  }
0x89: {  	[smem:$0x7B4] =	sst s25  }
0x8a: {  	s22 =	sld [smem:$0x2B]  }
0x8b: {  	[smem:$0x7B7] =	sst s24  }
0x8c: {  	s25 =	sld [smem:$0x2C]  }
0x8d: {  	[smem:$0x7BC] =	sst s21  }
0x8e: {  	s24 =	sadd.s32 s14, s1;
	s14 =	sadd.s32 s15, s1;
	s15 =	sld [smem:$0x30]  }
0x8f: {  	[smem:$0x7BF] =	sst s24  }
0x90: {  	[smem:$0x7C2] =	sst s16  }
0x91: {  	[smem:$0x7B5] =	sst s22  }
0x92: {  	[smem:$0x7B8] =	sst s25  }
0x93: {  	s12 =	sadd.s32 s12, s1;
	s25 =	sld [smem:$0x2F]  }
0x94: {  	s13 =	sadd.s32 s13, s1;
	s10 =	sadd.s32 s10, s1;
	[smem:$0x7C1] =	sst s15  }
0x95: {  	s11 =	sadd.s32 s11, s1;
	s22 =	sadd.s32 s17, s1;
	s17 =	sld [smem:$0x32]  }
0x96: {  	s2 =	sadd.s32 s6, s1;
	s6 =	sadd.s32 s30, s1;
	[smem:$0x7BD] =	sst s22  }
0x97: {  	s16 =	sadd.s32 s9, s1;
	s9 =	sadd.s32 s4, s1;
	[smem:$0x7C0] =	sst s25  }
0x98: {  	s4 =	sadd.s32 s26, s1;
	s15 =	sadd.s32 s8, s1;
	[smem:$0x7C3] =	sst s17  }
0x99: {  	s17 =	sadd.s32 s5, s1;
	s5 =	sadd.s32 s7, s1;
	s1 =	sadd.s32 s18, s1  }
0x9a: {  	s22 =	smax.u32 s3, $0x1;
	[smem:$0x7C6] =	sst s1  }
0x9b: {  	s23 =	sadd.s32 $0x10, s14;
	_ =	strace $0x80000047;
	[smem:$0x7C9] =	sst s22  }
0x9c: {  	s24 =	sadd.s32 $0x20, s14;
	[smem:$0x7CA] =	sst s23  }
0x9d: {  	[smem:$0x7CB] =	sst s24  }
0x9e: {  	s25 =	sadd.s32 $0x30, s14;
	[smem:$0x7CC] =	sst s14  }
0x9f: {  	s26 =	sadd.s32 $0x10, s12;
	[smem:$0x7CD] =	sst s25  }
0xa0: {  	s3 =	sadd.s32 $0x20, s12;
	[smem:$0x7CE] =	sst s26  }
0xa1: {  	[smem:$0x7CF] =	sst s3  }
0xa2: {  	s7 =	sadd.s32 $0x30, s12;
	[smem:$0x7D0] =	sst s12  }
0xa3: {  	s8 =	sadd.s32 $0x10, s13;
	[smem:$0x7D1] =	sst s7  }
0xa4: {  	[smem:$0x7D2] =	sst s8  }
0xa5: {  	s18 =	sadd.s32 $0x20, s10;
	[smem:$0x7D4] =	sst s13  }
0xa6: {  	[smem:$0x7D7] =	sst s18  }
0xa7: {  	s19 =	sadd.s32 $0x30, s10;
	[smem:$0x7D8] =	sst s10  }
0xa8: {  	s20 =	sadd.s32 $0x10, s11;
	[smem:$0x7D9] =	sst s19  }
0xa9: {  	[smem:$0x7DA] =	sst s20  }
0xaa: {  	[smem:$0x7DC] =	sst s11  }
0xab: {  	[smem:$0x7E0] =	sst s15  }
0xac: {  	[smem:$0x7E4] =	sst s16  }
0xad: {  	[smem:$0x7E8] =	sst s17  }
0xae: {  	[smem:$0x7EC] =	sst s5  }
0xaf: {  	[smem:$0x7F0] =	sst s9  }
0xb0: {  	[smem:$0x7F4] =	sst s2  }
0xb1: {  	[smem:$0x7F8] =	sst s4  }
0xb2: {  	[smem:$0x7FC] =	sst s6  }
0xb3: {  	s12 =	sadd.s32 $0x20, s13;
	s21 =	sld [smem:$0x7C7]  }
0xb4: {  	s13 =	sadd.s32 $0x30, s13;
	[smem:$0x7D3] =	sst s12  }
0xb5: {  	s14 =	sadd.s32 $0x10, s10;
	[smem:$0x7D5] =	sst s13  }
0xb6: {  	s22 =	sadd.s32 $0x30, s11;
	[smem:$0x7D6] =	sst s14  }
0xb7: {  	s23 =	sadd.s32 $0x10, s15;
	[smem:$0x7DD] =	sst s22  }
0xb8: {  	s24 =	sadd.s32 $0x20, s15;
	[smem:$0x7DE] =	sst s23  }
0xb9: {  	s25 =	sadd.s32 $0x30, s15;
	[smem:$0x7DF] =	sst s24  }
0xba: {  	s26 =	sadd.s32 $0x10, s16;
	[smem:$0x7E1] =	sst s25  }
0xbb: {  	s3 =	sadd.s32 $0x20, s16;
	[smem:$0x7E2] =	sst s26  }
0xbc: {  	s7 =	sadd.s32 $0x30, s16;
	[smem:$0x7E3] =	sst s3  }
0xbd: {  	s8 =	sadd.s32 $0x10, s17;
	[smem:$0x7E5] =	sst s7  }
0xbe: {  	s10 =	sadd.s32 $0x20, s17;
	[smem:$0x7E6] =	sst s8  }
0xbf: {  	s15 =	sadd.s32 $0x10, s9;
	[smem:$0x7E7] =	sst s10  }
0xc0: {  	s16 =	sadd.s32 $0x20, s9;
	[smem:$0x7EE] =	sst s15  }
0xc1: {  	s18 =	sadd.s32 $0x10, s2;
	[smem:$0x7EF] =	sst s16  }
0xc2: {  	s31 =	simm.s32 $0x2400;
	s19 =	sadd.s32 $0x20, s2;
	[smem:$0x7F2] =	sst s18  }
0xc3: {  	s30 =	simm.s32 $0x1400;
	s20 =	sadd.s32 $0x30, s2;
	[smem:$0x7F3] =	sst s19  }
0xc4: {  	s28 =	simm.s32 $0x2000;
	s12 =	sadd.s32 $0x10, s5;
	[smem:$0x7F5] =	sst s20  }
0xc5: {  	s29 =	simm.s32 $0x2200;
	s13 =	sadd.s32 $0x20, s5;
	[smem:$0x7EA] =	sst s12  }
0xc6: {  	s14 =	sadd.s32 $0x30, s5;
	s22 =	sadd.s32 $0x20, s4;
	[smem:$0x7EB] =	sst s13  }
0xc7: {  	s23 =	sadd.s32 $0x30, s4;
	s24 =	sadd.s32 $0x10, s6;
	[smem:$0x7ED] =	sst s14  }
0xc8: {  	s25 =	sadd.s32 $0x20, s6;
	s26 =	sadd.s32 $0x30, s6;
	[smem:$0x7F7] =	sst s22  }
0xc9: {  	s15 =	simm.s32 $0x200;
	s20 =	simm.s32 $0x2;
	[smem:$0x7F9] =	sst s23  }
0xca: {  	s10 =	simm.s32 $0xE00;
	s16 =	simm.s32 $0x1000;
	[smem:$0x7FA] =	sst s24  }
0xcb: {  	s19 =	simm.s32 $0x1600;
	s6 =	simm.s32 $0x2E00;
	[smem:$0x7FB] =	sst s25  }
0xcc: {  	s3 =	simm.s32 $0x3000;
	[smem:$0x7FD] =	sst s26;
	s12 =	simm.s32 $0x1  }
0xcd: {  	s13 =	simm.s32 $0x3;
	s26 =	simm.s32 $0xC00;
	s1 =	sadd.s32 $0x400, s21  }
0xce: {  	s22 =	simm.s32 $0x1A00;
	s21 =	sadd.s32 $0x20, s11;
	[smem:$0x7C8] =	sst s1  }
0xcf: {  	s24 =	simm.s32 $0x1C00;
	s11 =	sadd.s32 $0x30, s17;
	[smem:$0x7DB] =	sst s21  }
0xd0: {  	s25 =	simm.s32 $0x1E00;
	s17 =	sadd.s32 $0x30, s9;
	[smem:$0x7E9] =	sst s11  }
0xd1: {  	s14 =	simm.s32 $0x3200;
	s9 =	simm.s32 $0x2800;
	[smem:$0x7F1] =	sst s17  }
0xd2: {  	s21 =	sadd.s32 $0x10, s4;
	s17 =	simm.s32 $0x0;
	s11 =	simm.s32 $0x1200  }
0xd3: {  	s4 =	simm.s32 $0x2C00;
	[smem:$0x7F6] =	sst s21;
	s21 =	simm.s32 $0x1800  }
.LBB3_1:
0xd4: {  	s1 =	rddreg [dreg:$0x16]  }
0xd5: {  	s7 =	rddreg [dreg:$0x18]  }
0xd6: {  	[tilespmem:s0], [sflag:$0x1] =	stream.linear.gather [hbm4b:s1+s0], $0x200, $0x38;
	[tilespmem:$0x9E00] =	vst v63  }
0xd7: {  	s8 =	rddreg [dreg:$0x19]  }
0xd8: {  	[tilespmem:s15], [sflag:$0x1] =	stream.linear.gather [hbm4b:s7+s0], $0x200, $0x38;
	[tilespmem:$0x9E00] =	vst v63  }
0xd9: {  	s18 =	rddreg [dreg:$0x1b];
	s7 =	simm.s32 $0x400  }
0xda: {  	[tilespmem:s7], [sflag:$0x1] =	stream.linear.gather [hbm4b:s8+s0], $0x200, $0x38;
	[tilespmem:$0x9E00] =	vst v63  }
0xdb: {  	s23 =	rddreg [dreg:$0x1c];
	s8 =	simm.s32 $0x600  }
0xdc: {  	[tilespmem:s8], [sflag:$0x1] =	stream.linear.gather [hbm4b:s18+s0], $0x200, $0x38;
	[tilespmem:$0x9E00] =	vst v63  }
0xdd: {  	s2 =	rddreg [dreg:$0x1e];
	s18 =	simm.s32 $0x800  }
0xde: {  	[tilespmem:s18], [sflag:$0x1] =	stream.linear.gather [hbm4b:s23+s0], $0x200, $0x38;
	[tilespmem:$0x9E00] =	vst v63  }
0xdf: {  	s5 =	rddreg [dreg:$0x1f];
	s23 =	simm.s32 $0xA00  }
0xe0: {  	[tilespmem:s23], [sflag:$0x1] =	stream.linear.gather [hbm4b:s2+s0], $0x200, $0x38;
	[tilespmem:$0x9E00] =	vst v63  }
0xe1: {  	s2 =	sld [smem:$0x7A4]  }
0xe2: {  	[tilespmem:s26], [sflag:$0x1] =	stream.linear.gather [hbm4b:s5+s0], $0x200, $0x38;
	[tilespmem:$0x9E00] =	vst v63  }
0xe3: {  	s5 =	sld [smem:$0x7A5]  }
0xe4: {  	[tilespmem:s10], [sflag:$0x1] =	stream.linear.gather [hbm4b:s2+s0], $0x200, $0x38;
	[tilespmem:$0x9E00] =	vst v63  }
0xe5: {  	s2 =	sld [smem:$0x7A7]  }
0xe6: {  	[tilespmem:s16], [sflag:$0x1] =	stream.linear.gather [hbm4b:s5+s0], $0x200, $0x38;
	[tilespmem:$0x9E00] =	vst v63  }
0xe7: {  	s5 =	sld [smem:$0x7A8]  }
0xe8: {  	[tilespmem:s11], [sflag:$0x1] =	stream.linear.gather [hbm4b:s2+s0], $0x200, $0x38;
	[tilespmem:$0x9E00] =	vst v63  }
0xe9: {  	s2 =	sld [smem:$0x7AA]  }
0xea: {  	[tilespmem:s30], [sflag:$0x1] =	stream.linear.gather [hbm4b:s5+s0], $0x200, $0x38;
	[tilespmem:$0x9E00] =	vst v63  }
0xeb: {  	s5 =	sld [smem:$0x7AB]  }
0xec: {  	[tilespmem:s19], [sflag:$0x1] =	stream.linear.gather [hbm4b:s2+s0], $0x200, $0x38;
	[tilespmem:$0x9E00] =	vst v63  }
0xed: {  	s2 =	sld [smem:$0x7AD]  }
0xee: {  	[tilespmem:s21], [sflag:$0x1] =	stream.linear.gather [hbm4b:s5+s0], $0x200, $0x38;
	[tilespmem:$0x9E00] =	vst v63  }
0xef: {  	s5 =	sld [smem:$0x7AE]  }
0xf0: {  	[tilespmem:s22], [sflag:$0x1] =	stream.linear.gather [hbm4b:s2+s0], $0x200, $0x38;
	[tilespmem:$0x9E00] =	vst v63  }
0xf1: {  	s2 =	sld [smem:$0x7B0]  }
0xf2: {  	[tilespmem:s24], [sflag:$0x1] =	stream.linear.gather [hbm4b:s5+s0], $0x200, $0x38;
	[tilespmem:$0x9E00] =	vst v63  }
0xf3: {  	s5 =	sld [smem:$0x7B1]  }
0xf4: {  	[tilespmem:s25], [sflag:$0x1] =	stream.linear.gather [hbm4b:s2+s0], $0x200, $0x38;
	[tilespmem:$0x9E00] =	vst v63  }
0xf5: {  	s2 =	sld [smem:$0x7B3]  }
0xf6: {  	[tilespmem:s28], [sflag:$0x1] =	stream.linear.gather [hbm4b:s5+s0], $0x200, $0x38;
	[tilespmem:$0x9E00] =	vst v63  }
0xf7: {  	s5 =	sld [smem:$0x7B4]  }
0xf8: {  	[tilespmem:s29], [sflag:$0x1] =	stream.linear.gather [hbm4b:s2+s0], $0x200, $0x38;
	[tilespmem:$0x9E00] =	vst v63  }
0xf9: {  	s2 =	sld [smem:$0x7B6]  }
0xfa: {  	[tilespmem:s31], [sflag:$0x1] =	stream.linear.gather [hbm4b:s5+s0], $0x200, $0x38;
	[tilespmem:$0x9E00] =	vst v63  }
0xfb: {  	s5 =	simm.s32 $0x2600  }
0xfc: {  	[tilespmem:s5], [sflag:$0x1] =	stream.linear.gather [hbm4b:s2+s0], $0x200, $0x38;
	[tilespmem:$0x9E00] =	vst v63  }
0xfd: {  	s2 =	sld [smem:$0x7B7];
	_ =	sdelay $0x1  }
0xfe: {  	s1 =	sld [smem:$0x7B9]  }
0xff: {  	[tilespmem:s9], [sflag:$0x1] =	stream.linear.gather [hbm4b:s2+s0], $0x200, $0x38;
	[tilespmem:$0x9E00] =	vst v63  }
0x100: {  	s2 =	simm.s32 $0x2A00  }
0x101: {  	[tilespmem:s2], [sflag:$0x1] =	stream.linear.gather [hbm4b:s1+s0], $0x200, $0x38;
	[tilespmem:$0x9E00] =	vst v63  }
0x102: {  	s2 =	sld [smem:$0x7BA];
	_ =	sdelay $0x2  }
0x103: {  	[tilespmem:s4], [sflag:$0x1] =	stream.linear.gather [hbm4b:s2+s0], $0x200, $0x38;
	[tilespmem:$0x9E00] =	vst v63  }
0x104: {  	s2 =	sld [smem:$0x7BC];
	_ =	sdelay $0x2  }
0x105: {  	[tilespmem:s6], [sflag:$0x1] =	stream.linear.gather [hbm4b:s2+s0], $0x200, $0x38;
	[tilespmem:$0x9E00] =	vst v63  }
0x106: {  	s2 =	sld [smem:$0x7BD];
	_ =	sdelay $0x2  }
0x107: {  	[tilespmem:s3], [sflag:$0x1] =	stream.linear.gather [hbm4b:s2+s0], $0x200, $0x38;
	[tilespmem:$0x9E00] =	vst v63  }
0x108: {  	s2 =	sld [smem:$0x7BF];
	_ =	sdelay $0x1  }
0x109: {  	s1 =	sld [smem:$0x7CC]  }
0x10a: {  	[tilespmem:s14], [sflag:$0x1] =	stream.linear.gather [hbm4b:s2+s0], $0x200, $0x38;
	[tilespmem:$0x9E00] =	vst v63  }
0x10b: {  	s2 =	simm.s32 $0x6800  }
0x10c: {  	[tilespmem:s2], [sflag:$0x2] =	stream.linear.gather [hbm4b:s1+s0], $0x80, $0x38;
	[tilespmem:$0x9E00] =	vst v63  }
0x10d: {  	s1 =	sld [smem:$0x7CA];
	_ =	sdelay $0x1  }
0x10e: {  	s2 =	simm.s32 $0x6C00  }
0x10f: {  	[tilespmem:s2], [sflag:$0x2] =	stream.linear.gather [hbm4b:s1+s0], $0x80, $0x38;
	[tilespmem:$0x9E00] =	vst v63  }
0x110: {  	s1 =	sld [smem:$0x7CB];
	_ =	sdelay $0x1  }
0x111: {  	s2 =	simm.s32 $0x7000  }
0x112: {  	[tilespmem:s2], [sflag:$0x2] =	stream.linear.gather [hbm4b:s1+s0], $0x80, $0x38;
	[tilespmem:$0x9E00] =	vst v63  }
0x113: {  	s1 =	sld [smem:$0x7CD];
	_ =	sdelay $0x1  }
0x114: {  	s2 =	simm.s32 $0x7400  }
0x115: {  	[tilespmem:s2], [sflag:$0x2] =	stream.linear.gather [hbm4b:s1+s0], $0x80, $0x38;
	[tilespmem:$0x9E00] =	vst v63  }
0x116: {  	s1 =	sld [smem:$0x7D0];
	_ =	sdelay $0x1  }
0x117: {  	s2 =	simm.s32 $0x6880  }
0x118: {  	[tilespmem:s2], [sflag:$0x2] =	stream.linear.gather [hbm4b:s1+s0], $0x80, $0x38;
	[tilespmem:$0x9E00] =	vst v63  }
0x119: {  	s1 =	sld [smem:$0x7CE];
	_ =	sdelay $0x1  }
0x11a: {  	s2 =	simm.s32 $0x6C80  }
0x11b: {  	[tilespmem:s2], [sflag:$0x2] =	stream.linear.gather [hbm4b:s1+s0], $0x80, $0x38;
	[tilespmem:$0x9E00] =	vst v63  }
0x11c: {  	s1 =	sld [smem:$0x7CF];
	_ =	sdelay $0x1  }
0x11d: {  	s2 =	simm.s32 $0x7080  }
0x11e: {  	[tilespmem:s2], [sflag:$0x2] =	stream.linear.gather [hbm4b:s1+s0], $0x80, $0x38;
	[tilespmem:$0x9E00] =	vst v63  }
0x11f: {  	s1 =	sld [smem:$0x7D1];
	_ =	sdelay $0x1  }
0x120: {  	s2 =	simm.s32 $0x7480  }
0x121: {  	[tilespmem:s2], [sflag:$0x2] =	stream.linear.gather [hbm4b:s1+s0], $0x80, $0x38;
	[tilespmem:$0x9E00] =	vst v63  }
0x122: {  	s1 =	sld [smem:$0x7D4];
	_ =	sdelay $0x1  }
0x123: {  	s2 =	simm.s32 $0x6900  }
0x124: {  	[tilespmem:s2], [sflag:$0x2] =	stream.linear.gather [hbm4b:s1+s0], $0x80, $0x38;
	[tilespmem:$0x9E00] =	vst v63  }
0x125: {  	s1 =	sld [smem:$0x7D2];
	_ =	sdelay $0x1  }
0x126: {  	s2 =	simm.s32 $0x6D00  }
0x127: {  	[tilespmem:s2], [sflag:$0x2] =	stream.linear.gather [hbm4b:s1+s0], $0x80, $0x38;
	[tilespmem:$0x9E00] =	vst v63  }
0x128: {  	s1 =	sld [smem:$0x7D3];
	_ =	sdelay $0x1  }
0x129: {  	s2 =	simm.s32 $0x7100  }
0x12a: {  	[tilespmem:s2], [sflag:$0x2] =	stream.linear.gather [hbm4b:s1+s0], $0x80, $0x38;
	[tilespmem:$0x9E00] =	vst v63  }
0x12b: {  	s1 =	sld [smem:$0x7D5];
	_ =	sdelay $0x1  }
0x12c: {  	s2 =	simm.s32 $0x7500  }
0x12d: {  	[tilespmem:s2], [sflag:$0x2] =	stream.linear.gather [hbm4b:s1+s0], $0x80, $0x38;
	[tilespmem:$0x9E00] =	vst v63  }
0x12e: {  	s1 =	sld [smem:$0x7D8];
	_ =	sdelay $0x1  }
0x12f: {  	s2 =	simm.s32 $0x6980  }
0x130: {  	[tilespmem:s2], [sflag:$0x2] =	stream.linear.gather [hbm4b:s1+s0], $0x80, $0x38;
	[tilespmem:$0x9E00] =	vst v63  }
0x131: {  	s1 =	sld [smem:$0x7D6];
	_ =	sdelay $0x1  }
0x132: {  	s2 =	simm.s32 $0x6D80  }
0x133: {  	[tilespmem:s2], [sflag:$0x2] =	stream.linear.gather [hbm4b:s1+s0], $0x80, $0x38;
	[tilespmem:$0x9E00] =	vst v63  }
0x134: {  	s1 =	sld [smem:$0x7D7];
	_ =	sdelay $0x1  }
0x135: {  	s2 =	simm.s32 $0x7180  }
0x136: {  	[tilespmem:s2], [sflag:$0x2] =	stream.linear.gather [hbm4b:s1+s0], $0x80, $0x38;
	[tilespmem:$0x9E00] =	vst v63  }
0x137: {  	s1 =	sld [smem:$0x7D9];
	_ =	sdelay $0x1  }
0x138: {  	s2 =	simm.s32 $0x7580  }
0x139: {  	[tilespmem:s2], [sflag:$0x2] =	stream.linear.gather [hbm4b:s1+s0], $0x80, $0x38;
	[tilespmem:$0x9E00] =	vst v63  }
0x13a: {  	s1 =	sld [smem:$0x7DC];
	_ =	sdelay $0x1  }
0x13b: {  	s2 =	simm.s32 $0x6A00  }
0x13c: {  	[tilespmem:s2], [sflag:$0x2] =	stream.linear.gather [hbm4b:s1+s0], $0x80, $0x38;
	[tilespmem:$0x9E00] =	vst v63  }
0x13d: {  	s1 =	sld [smem:$0x7DA];
	_ =	sdelay $0x1  }
0x13e: {  	s2 =	simm.s32 $0x6E00  }
0x13f: {  	[tilespmem:s2], [sflag:$0x2] =	stream.linear.gather [hbm4b:s1+s0], $0x80, $0x38;
	[tilespmem:$0x9E00] =	vst v63  }
0x140: {  	s1 =	sld [smem:$0x7DB];
	_ =	sdelay $0x1  }
0x141: {  	s2 =	simm.s32 $0x7200  }
0x142: {  	[tilespmem:s2], [sflag:$0x2] =	stream.linear.gather [hbm4b:s1+s0], $0x80, $0x38;
	[tilespmem:$0x9E00] =	vst v63  }
0x143: {  	s1 =	sld [smem:$0x7DD];
	_ =	sdelay $0x1  }
0x144: {  	s2 =	simm.s32 $0x7600  }
0x145: {  	[tilespmem:s2], [sflag:$0x2] =	stream.linear.gather [hbm4b:s1+s0], $0x80, $0x38;
	[tilespmem:$0x9E00] =	vst v63  }
0x146: {  	s1 =	sld [smem:$0x7E0];
	_ =	sdelay $0x1  }
0x147: {  	s2 =	simm.s32 $0x6A80  }
0x148: {  	[tilespmem:s2], [sflag:$0x2] =	stream.linear.gather [hbm4b:s1+s0], $0x80, $0x38;
	[tilespmem:$0x9E00] =	vst v63  }
0x149: {  	s1 =	sld [smem:$0x7DE];
	_ =	sdelay $0x1  }
0x14a: {  	s2 =	simm.s32 $0x6E80  }
0x14b: {  	[tilespmem:s2], [sflag:$0x2] =	stream.linear.gather [hbm4b:s1+s0], $0x80, $0x38;
	[tilespmem:$0x9E00] =	vst v63  }
0x14c: {  	s1 =	sld [smem:$0x7DF];
	_ =	sdelay $0x1  }
0x14d: {  	s2 =	simm.s32 $0x7280  }
0x14e: {  	[tilespmem:s2], [sflag:$0x2] =	stream.linear.gather [hbm4b:s1+s0], $0x80, $0x38;
	[tilespmem:$0x9E00] =	vst v63  }
0x14f: {  	s1 =	sld [smem:$0x7E1];
	_ =	sdelay $0x1  }
0x150: {  	s2 =	simm.s32 $0x7680  }
0x151: {  	[tilespmem:s2], [sflag:$0x2] =	stream.linear.gather [hbm4b:s1+s0], $0x80, $0x38;
	[tilespmem:$0x9E00] =	vst v63  }
0x152: {  	s1 =	sld [smem:$0x7E4];
	_ =	sdelay $0x1  }
0x153: {  	s2 =	simm.s32 $0x6B00  }
0x154: {  	[tilespmem:s2], [sflag:$0x2] =	stream.linear.gather [hbm4b:s1+s0], $0x80, $0x38;
	[tilespmem:$0x9E00] =	vst v63  }
0x155: {  	s1 =	sld [smem:$0x7E2];
	_ =	sdelay $0x1  }
0x156: {  	s2 =	simm.s32 $0x6F00  }
0x157: {  	[tilespmem:s2], [sflag:$0x2] =	stream.linear.gather [hbm4b:s1+s0], $0x80, $0x38;
	[tilespmem:$0x9E00] =	vst v63  }
0x158: {  	s1 =	sld [smem:$0x7E3];
	_ =	sdelay $0x1  }
0x159: {  	s2 =	simm.s32 $0x7300  }
0x15a: {  	[tilespmem:s2], [sflag:$0x2] =	stream.linear.gather [hbm4b:s1+s0], $0x80, $0x38;
	[tilespmem:$0x9E00] =	vst v63  }
0x15b: {  	s1 =	sld [smem:$0x7E5];
	_ =	sdelay $0x1  }
0x15c: {  	s2 =	simm.s32 $0x7700  }
0x15d: {  	[tilespmem:s2], [sflag:$0x2] =	stream.linear.gather [hbm4b:s1+s0], $0x80, $0x38;
	[tilespmem:$0x9E00] =	vst v63  }
0x15e: {  	s1 =	sld [smem:$0x7E8];
	_ =	sdelay $0x1  }
0x15f: {  	s2 =	simm.s32 $0x6B80  }
0x160: {  	[tilespmem:s2], [sflag:$0x2] =	stream.linear.gather [hbm4b:s1+s0], $0x80, $0x38;
	[tilespmem:$0x9E00] =	vst v63  }
0x161: {  	s1 =	sld [smem:$0x7E6];
	_ =	sdelay $0x1  }
0x162: {  	s2 =	simm.s32 $0x6F80  }
0x163: {  	[tilespmem:s2], [sflag:$0x2] =	stream.linear.gather [hbm4b:s1+s0], $0x80, $0x38;
	[tilespmem:$0x9E00] =	vst v63  }
0x164: {  	s1 =	sld [smem:$0x7E7];
	_ =	sdelay $0x1  }
0x165: {  	s2 =	simm.s32 $0x7380  }
0x166: {  	[tilespmem:s2], [sflag:$0x2] =	stream.linear.gather [hbm4b:s1+s0], $0x80, $0x38;
	[tilespmem:$0x9E00] =	vst v63  }
0x167: {  	s1 =	sld [smem:$0x7E9];
	_ =	sdelay $0x1  }
0x168: {  	s2 =	simm.s32 $0x7780  }
0x169: {  	[tilespmem:s2], [sflag:$0x2] =	stream.linear.gather [hbm4b:s1+s0], $0x80, $0x38;
	[tilespmem:$0x9E00] =	vst v63  }
0x16a: {  	s1 =	sld [smem:$0x7EC];
	_ =	sdelay $0x1  }
0x16b: {  	s2 =	simm.s32 $0x7800  }
0x16c: {  	[tilespmem:s2], [sflag:$0x2] =	stream.linear.gather [hbm4b:s1+s0], $0x80, $0x38;
	[tilespmem:$0x9E00] =	vst v63  }
0x16d: {  	s1 =	sld [smem:$0x7EA];
	_ =	sdelay $0x1  }
0x16e: {  	s2 =	simm.s32 $0x7C00  }
0x16f: {  	[tilespmem:s2], [sflag:$0x2] =	stream.linear.gather [hbm4b:s1+s0], $0x80, $0x38;
	[tilespmem:$0x9E00] =	vst v63  }
0x170: {  	s1 =	sld [smem:$0x7EB];
	_ =	sdelay $0x1  }
0x171: {  	s2 =	simm.s32 $0x8000  }
0x172: {  	[tilespmem:s2], [sflag:$0x2] =	stream.linear.gather [hbm4b:s1+s0], $0x80, $0x38;
	[tilespmem:$0x9E00] =	vst v63  }
0x173: {  	s1 =	sld [smem:$0x7ED];
	_ =	sdelay $0x1  }
0x174: {  	s2 =	simm.s32 $0x8400  }
0x175: {  	[tilespmem:s2], [sflag:$0x2] =	stream.linear.gather [hbm4b:s1+s0], $0x80, $0x38;
	[tilespmem:$0x9E00] =	vst v63  }
0x176: {  	s1 =	sld [smem:$0x7F0];
	_ =	sdelay $0x1  }
0x177: {  	s2 =	simm.s32 $0x7880  }
0x178: {  	[tilespmem:s2], [sflag:$0x2] =	stream.linear.gather [hbm4b:s1+s0], $0x80, $0x38;
	[tilespmem:$0x9E00] =	vst v63  }
0x179: {  	s1 =	sld [smem:$0x7EE];
	_ =	sdelay $0x1  }
0x17a: {  	s2 =	simm.s32 $0x7C80  }
0x17b: {  	[tilespmem:s2], [sflag:$0x2] =	stream.linear.gather [hbm4b:s1+s0], $0x80, $0x38;
	[tilespmem:$0x9E00] =	vst v63  }
0x17c: {  	s1 =	sld [smem:$0x7EF];
	_ =	sdelay $0x1  }
0x17d: {  	s2 =	simm.s32 $0x8080  }
0x17e: {  	[tilespmem:s2], [sflag:$0x2] =	stream.linear.gather [hbm4b:s1+s0], $0x80, $0x38;
	[tilespmem:$0x9E00] =	vst v63  }
0x17f: {  	s1 =	sld [smem:$0x7F1];
	_ =	sdelay $0x1  }
0x180: {  	s2 =	simm.s32 $0x8480  }
0x181: {  	[tilespmem:s2], [sflag:$0x2] =	stream.linear.gather [hbm4b:s1+s0], $0x80, $0x38;
	[tilespmem:$0x9E00] =	vst v63  }
0x182: {  	s1 =	sld [smem:$0x7F4];
	_ =	sdelay $0x1  }
0x183: {  	s2 =	simm.s32 $0x7900  }
0x184: {  	[tilespmem:s2], [sflag:$0x2] =	stream.linear.gather [hbm4b:s1+s0], $0x80, $0x38;
	[tilespmem:$0x9E00] =	vst v63  }
0x185: {  	s1 =	sld [smem:$0x7F2];
	_ =	sdelay $0x1  }
0x186: {  	s2 =	simm.s32 $0x7D00  }
0x187: {  	[tilespmem:s2], [sflag:$0x2] =	stream.linear.gather [hbm4b:s1+s0], $0x80, $0x38;
	[tilespmem:$0x9E00] =	vst v63  }
0x188: {  	s1 =	sld [smem:$0x7F3];
	_ =	sdelay $0x1  }
0x189: {  	s2 =	simm.s32 $0x8100  }
0x18a: {  	[tilespmem:s2], [sflag:$0x2] =	stream.linear.gather [hbm4b:s1+s0], $0x80, $0x38;
	[tilespmem:$0x9E00] =	vst v63  }
0x18b: {  	s1 =	sld [smem:$0x7F5];
	_ =	sdelay $0x1  }
0x18c: {  	s2 =	simm.s32 $0x8500  }
0x18d: {  	[tilespmem:s2], [sflag:$0x2] =	stream.linear.gather [hbm4b:s1+s0], $0x80, $0x38;
	[tilespmem:$0x9E00] =	vst v63  }
0x18e: {  	s1 =	sld [smem:$0x7F8];
	_ =	sdelay $0x1  }
0x18f: {  	s2 =	simm.s32 $0x7980  }
0x190: {  	[tilespmem:s2], [sflag:$0x2] =	stream.linear.gather [hbm4b:s1+s0], $0x80, $0x38;
	[tilespmem:$0x9E00] =	vst v63  }
0x191: {  	s1 =	sld [smem:$0x7F6];
	_ =	sdelay $0x1  }
0x192: {  	s2 =	simm.s32 $0x7D80  }
0x193: {  	[tilespmem:s2], [sflag:$0x2] =	stream.linear.gather [hbm4b:s1+s0], $0x80, $0x38;
	[tilespmem:$0x9E00] =	vst v63  }
0x194: {  	s1 =	sld [smem:$0x7F7];
	_ =	sdelay $0x1  }
0x195: {  	s2 =	simm.s32 $0x8180  }
0x196: {  	[tilespmem:s2], [sflag:$0x2] =	stream.linear.gather [hbm4b:s1+s0], $0x80, $0x38;
	[tilespmem:$0x9E00] =	vst v63  }
0x197: {  	s1 =	sld [smem:$0x7F9];
	_ =	sdelay $0x1  }
0x198: {  	s2 =	simm.s32 $0x8580  }
0x199: {  	[tilespmem:s2], [sflag:$0x2] =	stream.linear.gather [hbm4b:s1+s0], $0x80, $0x38;
	[tilespmem:$0x9E00] =	vst v63  }
0x19a: {  	s1 =	sld [smem:$0x7FC];
	_ =	sdelay $0x1  }
0x19b: {  	s2 =	simm.s32 $0x7A00  }
0x19c: {  	[tilespmem:s2], [sflag:$0x2] =	stream.linear.gather [hbm4b:s1+s0], $0x80, $0x38;
	[tilespmem:$0x9E00] =	vst v63  }
0x19d: {  	s1 =	sld [smem:$0x7FA];
	_ =	sdelay $0x1  }
0x19e: {  	s2 =	simm.s32 $0x7E00  }
0x19f: {  	[tilespmem:s2], [sflag:$0x2] =	stream.linear.gather [hbm4b:s1+s0], $0x80, $0x38;
	[tilespmem:$0x9E00] =	vst v63  }
0x1a0: {  	s1 =	sld [smem:$0x7FB];
	_ =	sdelay $0x1  }
0x1a1: {  	s2 =	simm.s32 $0x8200  }
0x1a2: {  	[tilespmem:s2], [sflag:$0x2] =	stream.linear.gather [hbm4b:s1+s0], $0x80, $0x38;
	[tilespmem:$0x9E00] =	vst v63  }
0x1a3: {  	s1 =	sld [smem:$0x7FD];
	_ =	sdelay $0x1  }
0x1a4: {  	s2 =	simm.s32 $0x8600  }
0x1a5: {  	[tilespmem:s2], [sflag:$0x2] =	stream.linear.gather [hbm4b:s1+s0], $0x80, $0x38;
	[tilespmem:$0x9E00] =	vst v63  }
0x1a6: {  	s1 =	sld [smem:$0x7C8];
	_ =	sdelay $0x1  }
0x1a7: {  	s2 =	simm.s32 $0x8800  }
0x1a8: {  	[tilespmem:s2], [sflag:$0x2] =	stream.linear.gather [hbm4b:s1+s0], $0x1400, $0x38;
	[tilespmem:$0x9E00] =	vst v63  }
0x1a9: {  	_ =	swait.ge [sflag:s12], $0x200  }
0x1aa: {  	[sflag:s12] =	ssyncset.done $0x0  }
0x1ab: {  	[sflag:s12] =	ssyncadd.s32 $0xFFFFFE00  }
0x1ac: {  	_ =	swait.ge [sflag:s12], $0x200  }
0x1ad: {  	[sflag:s12] =	ssyncset.done $0x0  }
0x1ae: {  	[sflag:s12] =	ssyncadd.s32 $0xFFFFFE00  }
0x1af: {  	_ =	swait.ge [sflag:s12], $0x200  }
0x1b0: {  	[sflag:s12] =	ssyncset.done $0x0  }
0x1b1: {  	[sflag:s12] =	ssyncadd.s32 $0xFFFFFE00  }
0x1b2: {  	_ =	swait.ge [sflag:s12], $0x200  }
0x1b3: {  	[sflag:s12] =	ssyncset.done $0x0  }
0x1b4: {  	[sflag:s12] =	ssyncadd.s32 $0xFFFFFE00  }
0x1b5: {  	_ =	swait.ge [sflag:s12], $0x200  }
0x1b6: {  	[sflag:s12] =	ssyncset.done $0x0  }
0x1b7: {  	[sflag:s12] =	ssyncadd.s32 $0xFFFFFE00  }
0x1b8: {  	_ =	swait.ge [sflag:s12], $0x200  }
0x1b9: {  	[sflag:s12] =	ssyncset.done $0x0  }
0x1ba: {  	[sflag:s12] =	ssyncadd.s32 $0xFFFFFE00  }
0x1bb: {  	_ =	swait.ge [sflag:s12], $0x200  }
0x1bc: {  	[sflag:s12] =	ssyncset.done $0x0  }
0x1bd: {  	[sflag:s12] =	ssyncadd.s32 $0xFFFFFE00  }
0x1be: {  	_ =	swait.ge [sflag:s12], $0x200  }
0x1bf: {  	[sflag:s12] =	ssyncset.done $0x0  }
0x1c0: {  	[sflag:s12] =	ssyncadd.s32 $0xFFFFFE00  }
0x1c1: {  	_ =	swait.ge [sflag:s12], $0x200  }
0x1c2: {  	[sflag:s12] =	ssyncset.done $0x0  }
0x1c3: {  	[sflag:s12] =	ssyncadd.s32 $0xFFFFFE00  }
0x1c4: {  	_ =	swait.ge [sflag:s12], $0x200  }
0x1c5: {  	[sflag:s12] =	ssyncset.done $0x0  }
0x1c6: {  	[sflag:s12] =	ssyncadd.s32 $0xFFFFFE00  }
0x1c7: {  	_ =	swait.ge [sflag:s12], $0x200  }
0x1c8: {  	[sflag:s12] =	ssyncset.done $0x0  }
0x1c9: {  	[sflag:s12] =	ssyncadd.s32 $0xFFFFFE00  }
0x1ca: {  	_ =	swait.ge [sflag:s12], $0x200  }
0x1cb: {  	[sflag:s12] =	ssyncset.done $0x0  }
0x1cc: {  	[sflag:s12] =	ssyncadd.s32 $0xFFFFFE00  }
0x1cd: {  	_ =	swait.ge [sflag:s12], $0x200  }
0x1ce: {  	[sflag:s12] =	ssyncset.done $0x0  }
0x1cf: {  	[sflag:s12] =	ssyncadd.s32 $0xFFFFFE00  }
0x1d0: {  	_ =	swait.ge [sflag:s12], $0x200  }
0x1d1: {  	[sflag:s12] =	ssyncset.done $0x0  }
0x1d2: {  	[sflag:s12] =	ssyncadd.s32 $0xFFFFFE00  }
0x1d3: {  	_ =	swait.ge [sflag:s12], $0x200  }
0x1d4: {  	[sflag:s12] =	ssyncset.done $0x0  }
0x1d5: {  	[sflag:s12] =	ssyncadd.s32 $0xFFFFFE00  }
0x1d6: {  	_ =	swait.ge [sflag:s12], $0x200  }
0x1d7: {  	[sflag:s12] =	ssyncset.done $0x0  }
0x1d8: {  	[sflag:s12] =	ssyncadd.s32 $0xFFFFFE00  }
0x1d9: {  	_ =	swait.ge [sflag:s12], $0x200  }
0x1da: {  	[sflag:s12] =	ssyncset.done $0x0  }
0x1db: {  	[sflag:s12] =	ssyncadd.s32 $0xFFFFFE00  }
0x1dc: {  	_ =	swait.ge [sflag:s12], $0x200  }
0x1dd: {  	[sflag:s12] =	ssyncset.done $0x0  }
0x1de: {  	[sflag:s12] =	ssyncadd.s32 $0xFFFFFE00  }
0x1df: {  	_ =	swait.ge [sflag:s12], $0x200  }
0x1e0: {  	[sflag:s12] =	ssyncset.done $0x0  }
0x1e1: {  	[sflag:s12] =	ssyncadd.s32 $0xFFFFFE00  }
0x1e2: {  	_ =	swait.ge [sflag:s12], $0x200  }
0x1e3: {  	[sflag:s12] =	ssyncset.done $0x0  }
0x1e4: {  	[sflag:s12] =	ssyncadd.s32 $0xFFFFFE00  }
0x1e5: {  	_ =	swait.ge [sflag:s12], $0x200  }
0x1e6: {  	[sflag:s12] =	ssyncset.done $0x0  }
0x1e7: {  	[sflag:s12] =	ssyncadd.s32 $0xFFFFFE00  }
0x1e8: {  	_ =	swait.ge [sflag:s12], $0x200  }
0x1e9: {  	[sflag:s12] =	ssyncset.done $0x0  }
0x1ea: {  	[sflag:s12] =	ssyncadd.s32 $0xFFFFFE00  }
0x1eb: {  	_ =	swait.ge [sflag:s12], $0x200  }
0x1ec: {  	[sflag:s12] =	ssyncset.done $0x0  }
0x1ed: {  	[sflag:s12] =	ssyncadd.s32 $0xFFFFFE00  }
0x1ee: {  	_ =	swait.ge [sflag:s12], $0x200  }
0x1ef: {  	[sflag:s12] =	ssyncset.done $0x0  }
0x1f0: {  	[sflag:s12] =	ssyncadd.s32 $0xFFFFFE00  }
0x1f1: {  	_ =	swait.ge [sflag:s12], $0x200  }
0x1f2: {  	[sflag:s12] =	ssyncset.done $0x0  }
0x1f3: {  	[sflag:s12] =	ssyncadd.s32 $0xFFFFFE00  }
0x1f4: {  	_ =	swait.ge [sflag:s12], $0x200  }
0x1f5: {  	[sflag:s12] =	ssyncset.done $0x0  }
0x1f6: {  	s2 =	simm.s32 $0x3400;
	s1 =	rddreg [dreg:$0xe];
	[sflag:s12] =	ssyncadd.s32 $0xFFFFFE00  }
0x1f7: {  	[tilespmem:s2], [sflag:$0x3] =	stream.indirect.gather [hbm4b:s1+s15], $0x1, s0, s15, $0xb8;
	[tilespmem:$0x9E00] =	vst v63  }
0x1f8: {  	s1 =	rddreg [dreg:$0xf];
	s2 =	simm.s32 $0x3600  }
0x1f9: {  	[tilespmem:s2], [sflag:$0x3] =	stream.indirect.gather [hbm4b:s1+s15], $0x1, s15, s15, $0xb8;
	[tilespmem:$0x9E00] =	vst v63  }
0x1fa: {  	s1 =	rddreg [dreg:$0x10];
	s2 =	simm.s32 $0x3800  }
0x1fb: {  	[tilespmem:s2], [sflag:$0x3] =	stream.indirect.gather [hbm4b:s1+s15], $0x1, s7, s15, $0xb8;
	[tilespmem:$0x9E00] =	vst v63  }
0x1fc: {  	s2 =	rddreg [dreg:$0x11];
	s7 =	simm.s32 $0x3A00  }
0x1fd: {  	[tilespmem:s7], [sflag:$0x3] =	stream.indirect.gather [hbm4b:s2+s15], $0x1, s8, s15, $0xb8;
	[tilespmem:$0x9E00] =	vst v63  }
0x1fe: {  	s7 =	rddreg [dreg:$0x12];
	s8 =	simm.s32 $0x3C00  }
0x1ff: {  	[tilespmem:s8], [sflag:$0x3] =	stream.indirect.gather [hbm4b:s7+s15], $0x1, s18, s15, $0xb8;
	[tilespmem:$0x9E00] =	vst v63  }
0x200: {  	s7 =	rddreg [dreg:$0x13]  }
0x201: {  	s8 =	simm.s32 $0x3E00;
	s18 =	rddreg [dreg:$0x14]  }
0x202: {  	[tilespmem:s8], [sflag:$0x3] =	stream.indirect.gather [hbm4b:s7+s15], $0x1, s23, s15, $0xb8;
	[tilespmem:$0x9E00] =	vst v63  }
0x203: {  	s23 =	simm.s32 $0x4000;
	s7 =	rddreg [dreg:$0x15]  }
0x204: {  	[tilespmem:s23], [sflag:$0x3] =	stream.indirect.gather [hbm4b:s18+s15], $0x1, s26, s15, $0xb8;
	[tilespmem:$0x9E00] =	vst v63  }
0x205: {  	s8 =	simm.s32 $0x4200;
	s18 =	rddreg [dreg:$0x17]  }
0x206: {  	[tilespmem:s8], [sflag:$0x3] =	stream.indirect.gather [hbm4b:s7+s15], $0x1, s10, s15, $0xb8;
	[tilespmem:$0x9E00] =	vst v63  }
0x207: {  	s23 =	simm.s32 $0x4400;
	s7 =	rddreg [dreg:$0x1a]  }
0x208: {  	[tilespmem:s23], [sflag:$0x3] =	stream.indirect.gather [hbm4b:s18+s15], $0x1, s16, s15, $0xb8;
	[tilespmem:$0x9E00] =	vst v63  }
0x209: {  	s8 =	simm.s32 $0x4600;
	s18 =	rddreg [dreg:$0x1d]  }
0x20a: {  	[tilespmem:s8], [sflag:$0x3] =	stream.indirect.gather [hbm4b:s7+s15], $0x1, s11, s15, $0xb8;
	[tilespmem:$0x9E00] =	vst v63  }
0x20b: {  	s23 =	simm.s32 $0x4800;
	s7 =	sld [smem:$0x7A3]  }
0x20c: {  	[tilespmem:s23], [sflag:$0x3] =	stream.indirect.gather [hbm4b:s18+s15], $0x1, s30, s15, $0xb8;
	[tilespmem:$0x9E00] =	vst v63  }
0x20d: {  	s8 =	simm.s32 $0x4A00;
	s18 =	sld [smem:$0x7A6]  }
0x20e: {  	[tilespmem:s8], [sflag:$0x3] =	stream.indirect.gather [hbm4b:s7+s15], $0x1, s19, s15, $0xb8;
	[tilespmem:$0x9E00] =	vst v63  }
0x20f: {  	s23 =	simm.s32 $0x4C00;
	s7 =	sld [smem:$0x7A9]  }
0x210: {  	[tilespmem:s23], [sflag:$0x3] =	stream.indirect.gather [hbm4b:s18+s15], $0x1, s21, s15, $0xb8;
	[tilespmem:$0x9E00] =	vst v63  }
0x211: {  	s8 =	simm.s32 $0x4E00;
	s18 =	sld [smem:$0x7AC]  }
0x212: {  	[tilespmem:s8], [sflag:$0x3] =	stream.indirect.gather [hbm4b:s7+s15], $0x1, s22, s15, $0xb8;
	[tilespmem:$0x9E00] =	vst v63  }
0x213: {  	s23 =	simm.s32 $0x5000;
	s7 =	sld [smem:$0x7AF]  }
0x214: {  	[tilespmem:s23], [sflag:$0x3] =	stream.indirect.gather [hbm4b:s18+s15], $0x1, s24, s15, $0xb8;
	[tilespmem:$0x9E00] =	vst v63  }
0x215: {  	s8 =	simm.s32 $0x5200;
	s18 =	sld [smem:$0x7B2]  }
0x216: {  	[tilespmem:s8], [sflag:$0x3] =	stream.indirect.gather [hbm4b:s7+s15], $0x1, s25, s15, $0xb8;
	[tilespmem:$0x9E00] =	vst v63  }
0x217: {  	s23 =	simm.s32 $0x5400;
	s7 =	sld [smem:$0x7B5]  }
0x218: {  	[tilespmem:s23], [sflag:$0x3] =	stream.indirect.gather [hbm4b:s18+s15], $0x1, s28, s15, $0xb8;
	[tilespmem:$0x9E00] =	vst v63  }
0x219: {  	s8 =	simm.s32 $0x5600;
	s18 =	sld [smem:$0x7B8]  }
0x21a: {  	[tilespmem:s8], [sflag:$0x3] =	stream.indirect.gather [hbm4b:s7+s15], $0x1, s29, s15, $0xb8;
	[tilespmem:$0x9E00] =	vst v63  }
0x21b: {  	s23 =	simm.s32 $0x5800;
	s7 =	sld [smem:$0x7BB]  }
0x21c: {  	[tilespmem:s23], [sflag:$0x3] =	stream.indirect.gather [hbm4b:s18+s15], $0x1, s31, s15, $0xb8;
	[tilespmem:$0x9E00] =	vst v63  }
0x21d: {  	s8 =	simm.s32 $0x5A00;
	s18 =	sld [smem:$0x7BE]  }
0x21e: {  	[tilespmem:s8], [sflag:$0x3] =	stream.indirect.gather [hbm4b:s7+s15], $0x1, s5, s15, $0xb8;
	[tilespmem:$0x9E00] =	vst v63  }
0x21f: {  	s23 =	simm.s32 $0x5C00;
	s5 =	sld [smem:$0x7C0]  }
0x220: {  	[tilespmem:s23], [sflag:$0x3] =	stream.indirect.gather [hbm4b:s18+s15], $0x1, s9, s15, $0xb8;
	[tilespmem:$0x9E00] =	vst v63  }
0x221: {  	s7 =	simm.s32 $0x5E00;
	s8 =	simm.s32 $0x2A00;
	s18 =	sld [smem:$0x7C1]  }
0x222: {  	[tilespmem:s7], [sflag:$0x3] =	stream.indirect.gather [hbm4b:s5+s15], $0x1, s8, s15, $0xb8;
	[tilespmem:$0x9E00] =	vst v63  }
0x223: {  	s2 =	sld [smem:$0x7C2];
	s23 =	simm.s32 $0x6000  }
0x224: {  	[tilespmem:s23], [sflag:$0x3] =	stream.indirect.gather [hbm4b:s18+s15], $0x1, s4, s15, $0xb8;
	[tilespmem:$0x9E00] =	vst v63  }
0x225: {  	s5 =	simm.s32 $0x6200;
	s7 =	sld [smem:$0x7C3]  }
0x226: {  	[tilespmem:s5], [sflag:$0x3] =	stream.indirect.gather [hbm4b:s2+s15], $0x1, s6, s15, $0xb8;
	[tilespmem:$0x9E00] =	vst v63  }
0x227: {  	s8 =	simm.s32 $0x6400;
	s18 =	sld [smem:$0x7C4]  }
0x228: {  	[tilespmem:s8], [sflag:$0x3] =	stream.indirect.gather [hbm4b:s7+s15], $0x1, s3, s15, $0xb8;
	[tilespmem:$0x9E00] =	vst v63  }
0x229: {  	s23 =	simm.s32 $0x6600  }
0x22a: {  	[tilespmem:s23], [sflag:$0x3] =	stream.indirect.gather [hbm4b:s18+s15], $0x1, s14, s15, $0xb8;
	[tilespmem:$0x9E00] =	vst v63  }
0x22b: {  	_ =	swait.ge [sflag:s20], $0x200  }
0x22c: {  	[sflag:s20] =	ssyncset.done $0x0  }
0x22d: {  	[sflag:s20] =	ssyncadd.s32 $0xFFFFFE00  }
0x22e: {  	_ =	swait.ge [sflag:s20], $0x200  }
0x22f: {  	[sflag:s20] =	ssyncset.done $0x0  }
0x230: {  	[sflag:s20] =	ssyncadd.s32 $0xFFFFFE00  }
0x231: {  	_ =	swait.ge [sflag:s20], $0x200  }
0x232: {  	[sflag:s20] =	ssyncset.done $0x0  }
0x233: {  	[sflag:s20] =	ssyncadd.s32 $0xFFFFFE00  }
0x234: {  	_ =	swait.ge [sflag:s20], $0x200  }
0x235: {  	[sflag:s20] =	ssyncset.done $0x0  }
0x236: {  	[sflag:s20] =	ssyncadd.s32 $0xFFFFFE00  }
0x237: {  	_ =	swait.ge [sflag:s20], $0x200  }
0x238: {  	[sflag:s20] =	ssyncset.done $0x0  }
0x239: {  	[sflag:s20] =	ssyncadd.s32 $0xFFFFFE00  }
0x23a: {  	_ =	swait.ge [sflag:s20], $0x200  }
0x23b: {  	[sflag:s20] =	ssyncset.done $0x0  }
0x23c: {  	[sflag:s20] =	ssyncadd.s32 $0xFFFFFE00  }
0x23d: {  	_ =	swait.ge [sflag:s20], $0x200  }
0x23e: {  	[sflag:s20] =	ssyncset.done $0x0  }
0x23f: {  	[sflag:s20] =	ssyncadd.s32 $0xFFFFFE00  }
0x240: {  	_ =	swait.ge [sflag:s20], $0x200  }
0x241: {  	[sflag:s20] =	ssyncset.done $0x0  }
0x242: {  	[sflag:s20] =	ssyncadd.s32 $0xFFFFFE00  }
0x243: {  	_ =	swait.ge [sflag:s20], $0x200  }
0x244: {  	[sflag:s20] =	ssyncset.done $0x0  }
0x245: {  	[sflag:s20] =	ssyncadd.s32 $0xFFFFFE00  }
0x246: {  	_ =	swait.ge [sflag:s20], $0x200  }
0x247: {  	[sflag:s20] =	ssyncset.done $0x0  }
0x248: {  	[sflag:s20] =	ssyncadd.s32 $0xFFFFFE00  }
0x249: {  	_ =	swait.ge [sflag:s20], $0x200  }
0x24a: {  	[sflag:s20] =	ssyncset.done $0x0  }
0x24b: {  	[sflag:s20] =	ssyncadd.s32 $0xFFFFFE00  }
0x24c: {  	_ =	swait.ge [sflag:s20], $0x200  }
0x24d: {  	[sflag:s20] =	ssyncset.done $0x0  }
0x24e: {  	[sflag:s20] =	ssyncadd.s32 $0xFFFFFE00  }
0x24f: {  	_ =	swait.ge [sflag:s20], $0x200  }
0x250: {  	[sflag:s20] =	ssyncset.done $0x0  }
0x251: {  	[sflag:s20] =	ssyncadd.s32 $0xFFFFFE00  }
0x252: {  	_ =	swait.ge [sflag:s20], $0x1400  }
0x253: {  	[sflag:s20] =	ssyncset.done $0x0  }
0x254: {  	s1 =	sand.u32 $0x70, s0;
	s5 =	sand.u32 $0xC00, s0;
	[sflag:s20] =	ssyncadd.s32 $0xFFFFEC00  }
0x255: {  	s7 =	sor.u32 s1, s5;
	v0 =	vld [tilespmem:$0x9B80]  }
0x256: {  	v1 =	vld [tilespmem:s7+$0x6800]  }
0x257: {  	v2 =	vld [tilespmem:$0x9500]  }
0x258: {  	v3 =	vld [tilespmem:s7+$0x6880]  }
0x259: {  	v4 =	vld [tilespmem:$0x9580]  }
0x25a: {  	v5 =	vld [tilespmem:s7+$0x6900]  }
0x25b: {  	v6 =	vld [tilespmem:$0x9600]  }
0x25c: {  	v7 =	vld [tilespmem:$0x9680];
	v1 =	vmul.f32 v2, v1  }
0x25d: {  	v2 =	vld [tilespmem:s7+$0x6980]  }
0x25e: {  	v52 =	vld [tilespmem:$0x9700];
	v0 =	vadd.f32 v1, v0;
	v1 =	vmul.f32 v4, v3  }
0x25f: {  	v3 =	vld [tilespmem:s7+$0x6A00]  }
0x260: {  	v53 =	vld [tilespmem:s7+$0x6A80];
	v0 =	vadd.f32 v1, v0;
	v1 =	vmul.f32 v6, v5  }
0x261: {  	v54 =	vld [tilespmem:$0x9780]  }
0x262: {  	v55 =	vld [tilespmem:$0x9800];
	v0 =	vadd.f32 v1, v0;
	v1 =	vmul.f32 v7, v2  }
0x263: {  	v2 =	vld [tilespmem:s7+$0x6B00]  }
0x264: {  	v56 =	vld [tilespmem:$0x9880];
	v0 =	vadd.f32 v1, v0;
	v1 =	vmul.f32 v52, v3  }
0x265: {  	v3 =	vld [tilespmem:s7+$0x6B80]  }
0x266: {  	v57 =	vld [tilespmem:s7+$0x7800];
	v0 =	vadd.f32 v1, v0;
	v1 =	vmul.f32 v54, v53  }
0x267: {  	v58 =	vld [tilespmem:$0x9900]  }
0x268: {  	v59 =	vld [tilespmem:$0x9980];
	v0 =	vadd.f32 v1, v0;
	v1 =	vmul.f32 v55, v2  }
0x269: {  	v2 =	vld [tilespmem:s7+$0x7880]  }
0x26a: {  	v60 =	vld [tilespmem:$0x9A00];
	v0 =	vadd.f32 v1, v0;
	v1 =	vmul.f32 v56, v3  }
0x26b: {  	v3 =	vld [tilespmem:s7+$0x7900]  }
0x26c: {  	v61 =	vld [tilespmem:s7+$0x7980];
	v0 =	vadd.f32 v1, v0;
	v1 =	vmul.f32 v58, v57  }
0x26d: {  	v62 =	vld [tilespmem:$0x9A80]  }
0x26e: {  	v63 =	vld [tilespmem:$0x9B00];
	v0 =	vadd.f32 v1, v0;
	v1 =	vmul.f32 v59, v2  }
0x26f: {  	v2 =	vld [tilespmem:s7+$0x7A00]  }
0x270: {  	v0 =	vadd.f32 v1, v0;
	v1 =	vmul.f32 v60, v3;
	_ =	sdelay $0x1  }
0x271: {  	v0 =	vadd.f32 v1, v0;
	v1 =	vmul.f32 v62, v61;
	_ =	sdelay $0x1  }
0x272: {  	v0 =	vadd.f32 v1, v0;
	v1 =	vmul.f32 v63, v2;
	_ =	sdelay $0x1  }
0x273: {  	v0 =	vadd.f32 v1, v0  }
0x274: {  	s2 =	simm.s32 $0x9C00;
	s8 =	simm.s32 $0x80;
	s18 =	simm.s32 $0x10  }
0x275: {  	s23 =	sand.u32 $0xC00, s8;
	s7 =	sand.u32 $0x70, s18;
	[tilespmem:s2+$0x0] =	vst v0  }
0x276: {  	s18 =	simm.s32 $0x20;
	s23 =	sor.u32 s7, s23;
	s7 =	simm.s32 $0x9C00;
	v0 =	vld [tilespmem:$0x9B80]  }
.LBB3_2:
0x277: {  	p0 =	sne.s32 s18, $0x1F0;
	v1 =	vld [tilespmem:s23+$0x6800]  }
0x278: {  	v2 =	vld [tilespmem:$0x9500]  }
0x279: {  	v3 =	vld [tilespmem:s23+$0x6880]  }
0x27a: {  	v4 =	vld [tilespmem:$0x9580]  }
0x27b: {  	v5 =	vld [tilespmem:s23+$0x6900]  }
0x27c: {  	v6 =	vld [tilespmem:$0x9600]  }
0x27d: {  	v1 =	vmul.f32 v2, v1;
	v2 =	vld [tilespmem:s23+$0x6980]  }
0x27e: {  	v7 =	vld [tilespmem:$0x9680]  }
0x27f: {  	v0 =	vadd.f32 v1, v0;
	v1 =	vmul.f32 v4, v3;
	v3 =	vld [tilespmem:s23+$0x6A00]  }
0x280: {  	v4 =	vld [tilespmem:$0x9700]  }
0x281: {  	v0 =	vadd.f32 v1, v0;
	v1 =	vmul.f32 v6, v5;
	v5 =	vld [tilespmem:s23+$0x6A80]  }
0x282: {  	v6 =	vld [tilespmem:$0x9780]  }
0x283: {  	v0 =	vadd.f32 v1, v0;
	v1 =	vmul.f32 v7, v2;
	v2 =	vld [tilespmem:s23+$0x6B00]  }
0x284: {  	v7 =	vld [tilespmem:$0x9800]  }
0x285: {  	v0 =	vadd.f32 v1, v0;
	v1 =	vmul.f32 v4, v3;
	v3 =	vld [tilespmem:s23+$0x6B80]  }
0x286: {  	v4 =	vld [tilespmem:$0x9880]  }
0x287: {  	v0 =	vadd.f32 v1, v0;
	v1 =	vmul.f32 v6, v5;
	v5 =	vld [tilespmem:s23+$0x7800]  }
0x288: {  	v6 =	vld [tilespmem:$0x9900]  }
0x289: {  	v0 =	vadd.f32 v1, v0;
	v1 =	vmul.f32 v7, v2;
	v2 =	vld [tilespmem:s23+$0x7880]  }
0x28a: {  	v7 =	vld [tilespmem:$0x9980]  }
0x28b: {  	v0 =	vadd.f32 v1, v0;
	v1 =	vmul.f32 v4, v3;
	v3 =	vld [tilespmem:s23+$0x7900]  }
0x28c: {  	v4 =	vld [tilespmem:$0x9A00]  }
0x28d: {  	v0 =	vadd.f32 v1, v0;
	v1 =	vmul.f32 v6, v5;
	v5 =	vld [tilespmem:s23+$0x7980]  }
0x28e: {  	v6 =	vld [tilespmem:$0x9A80]  }
0x28f: {  	v0 =	vadd.f32 v1, v0;
	v1 =	vmul.f32 v7, v2;
	v2 =	vld [tilespmem:s23+$0x7A00]  }
0x290: {  	v7 =	vld [tilespmem:$0x9B00]  }
0x291: {  	v0 =	vadd.f32 v1, v0;
	v1 =	vmul.f32 v4, v3;
	_ =	sdelay $0x1  }
0x292: {  	v0 =	vadd.f32 v1, v0;
	v1 =	vmul.f32 v6, v5;
	_ =	sdelay $0x1  }
0x293: {  	v0 =	vadd.f32 v1, v0;
	v1 =	vmul.f32 v7, v2  }
.Ltmp0:
0x294: {  	(pc) =	sbr.rel @p0 .LBB3_2-.Ltmp0, $4  }
0x295: {  	v0 =	vadd.f32 v1, v0  }
0x296: {  	s8 =	sadd.s32 $0x80, s8;
	s7 =	sadd.s32 $0x10, s7  }
0x297: {  	s1 =	sand.u32 $0xC00, s8;
	s23 =	sand.u32 $0x70, s18;
	[tilespmem:s7+$0x0] =	vst v0  }
0x298: {  	s18 =	sadd.s32 $0x10, s18;
	s23 =	sor.u32 s23, s1;
	v0 =	vld [tilespmem:$0x9B80]  }
0x299: {  	v1 =	vld [tilespmem:s23+$0x6800]  }
0x29a: {  	v2 =	vld [tilespmem:$0x9500]  }
0x29b: {  	v3 =	vld [tilespmem:s23+$0x6880]  }
0x29c: {  	v4 =	vld [tilespmem:$0x9580]  }
0x29d: {  	v5 =	vld [tilespmem:s23+$0x6900]  }
0x29e: {  	v6 =	vld [tilespmem:$0x9600]  }
0x29f: {  	v7 =	vld [tilespmem:$0x9680];
	v1 =	vmul.f32 v2, v1  }
0x2a0: {  	v2 =	vld [tilespmem:s23+$0x6980]  }
0x2a1: {  	v52 =	vld [tilespmem:$0x9700];
	v0 =	vadd.f32 v1, v0;
	v1 =	vmul.f32 v4, v3  }
0x2a2: {  	v3 =	vld [tilespmem:s23+$0x6A00]  }
0x2a3: {  	v53 =	vld [tilespmem:s23+$0x6A80];
	v0 =	vadd.f32 v1, v0;
	v1 =	vmul.f32 v6, v5  }
0x2a4: {  	v54 =	vld [tilespmem:$0x9780]  }
0x2a5: {  	v55 =	vld [tilespmem:$0x9800];
	v0 =	vadd.f32 v1, v0;
	v1 =	vmul.f32 v7, v2  }
0x2a6: {  	v2 =	vld [tilespmem:s23+$0x6B00]  }
0x2a7: {  	v56 =	vld [tilespmem:$0x9880];
	v0 =	vadd.f32 v1, v0;
	v1 =	vmul.f32 v52, v3  }
0x2a8: {  	v3 =	vld [tilespmem:s23+$0x6B80]  }
0x2a9: {  	v57 =	vld [tilespmem:s23+$0x7800];
	v0 =	vadd.f32 v1, v0;
	v1 =	vmul.f32 v54, v53  }
0x2aa: {  	v58 =	vld [tilespmem:$0x9900]  }
0x2ab: {  	v59 =	vld [tilespmem:$0x9980];
	v0 =	vadd.f32 v1, v0;
	v1 =	vmul.f32 v55, v2  }
0x2ac: {  	v2 =	vld [tilespmem:s23+$0x7880]  }
0x2ad: {  	v60 =	vld [tilespmem:$0x9A00];
	v0 =	vadd.f32 v1, v0;
	v1 =	vmul.f32 v56, v3  }
0x2ae: {  	v3 =	vld [tilespmem:s23+$0x7900]  }
0x2af: {  	v61 =	vld [tilespmem:s23+$0x7980];
	v0 =	vadd.f32 v1, v0;
	v1 =	vmul.f32 v58, v57  }
0x2b0: {  	v62 =	vld [tilespmem:$0x9A80]  }
0x2b1: {  	v63 =	vld [tilespmem:$0x9B00];
	v0 =	vadd.f32 v1, v0;
	v1 =	vmul.f32 v59, v2  }
0x2b2: {  	v2 =	vld [tilespmem:s23+$0x7A00]  }
0x2b3: {  	v0 =	vadd.f32 v1, v0;
	v1 =	vmul.f32 v60, v3;
	_ =	sdelay $0x1  }
0x2b4: {  	v0 =	vadd.f32 v1, v0;
	v1 =	vmul.f32 v62, v61;
	_ =	sdelay $0x1  }
0x2b5: {  	v0 =	vadd.f32 v1, v0;
	v1 =	vmul.f32 v63, v2;
	_ =	sdelay $0x1  }
0x2b6: {  	v0 =	vadd.f32 v1, v0  }
0x2b7: {  	s1 =	sadd.s32 $0x10, s7  }
0x2b8: {  	[tilespmem:s1+$0x0] =	vst v0  }
0x2b9: {  	_ =	swait.ge [sflag:s13], $0x200  }
0x2ba: {  	[sflag:s13] =	ssyncset.done $0x0  }
0x2bb: {  	[sflag:s13] =	ssyncadd.s32 $0xFFFFFE00  }
0x2bc: {  	_ =	swait.ge [sflag:s13], $0x200  }
0x2bd: {  	[sflag:s13] =	ssyncset.done $0x0  }
0x2be: {  	[sflag:s13] =	ssyncadd.s32 $0xFFFFFE00  }
0x2bf: {  	_ =	swait.ge [sflag:s13], $0x200  }
0x2c0: {  	[sflag:s13] =	ssyncset.done $0x0  }
0x2c1: {  	[sflag:s13] =	ssyncadd.s32 $0xFFFFFE00  }
0x2c2: {  	_ =	swait.ge [sflag:s13], $0x200  }
0x2c3: {  	[sflag:s13] =	ssyncset.done $0x0  }
0x2c4: {  	[sflag:s13] =	ssyncadd.s32 $0xFFFFFE00  }
0x2c5: {  	_ =	swait.ge [sflag:s13], $0x200  }
0x2c6: {  	[sflag:s13] =	ssyncset.done $0x0  }
0x2c7: {  	[sflag:s13] =	ssyncadd.s32 $0xFFFFFE00  }
0x2c8: {  	_ =	swait.ge [sflag:s13], $0x200  }
0x2c9: {  	[sflag:s13] =	ssyncset.done $0x0  }
0x2ca: {  	[sflag:s13] =	ssyncadd.s32 $0xFFFFFE00  }
0x2cb: {  	_ =	swait.ge [sflag:s13], $0x200  }
0x2cc: {  	[sflag:s13] =	ssyncset.done $0x0  }
0x2cd: {  	[sflag:s13] =	ssyncadd.s32 $0xFFFFFE00  }
0x2ce: {  	_ =	swait.ge [sflag:s13], $0x200  }
0x2cf: {  	[sflag:s13] =	ssyncset.done $0x0  }
0x2d0: {  	[sflag:s13] =	ssyncadd.s32 $0xFFFFFE00  }
0x2d1: {  	_ =	swait.ge [sflag:s13], $0x200  }
0x2d2: {  	[sflag:s13] =	ssyncset.done $0x0  }
0x2d3: {  	[sflag:s13] =	ssyncadd.s32 $0xFFFFFE00  }
0x2d4: {  	_ =	swait.ge [sflag:s13], $0x200  }
0x2d5: {  	[sflag:s13] =	ssyncset.done $0x0  }
0x2d6: {  	[sflag:s13] =	ssyncadd.s32 $0xFFFFFE00  }
0x2d7: {  	_ =	swait.ge [sflag:s13], $0x200  }
0x2d8: {  	[sflag:s13] =	ssyncset.done $0x0  }
0x2d9: {  	[sflag:s13] =	ssyncadd.s32 $0xFFFFFE00  }
0x2da: {  	_ =	swait.ge [sflag:s13], $0x200  }
0x2db: {  	[sflag:s13] =	ssyncset.done $0x0  }
0x2dc: {  	[sflag:s13] =	ssyncadd.s32 $0xFFFFFE00  }
0x2dd: {  	_ =	swait.ge [sflag:s13], $0x200  }
0x2de: {  	[sflag:s13] =	ssyncset.done $0x0  }
0x2df: {  	[sflag:s13] =	ssyncadd.s32 $0xFFFFFE00  }
0x2e0: {  	_ =	swait.ge [sflag:s13], $0x200  }
0x2e1: {  	[sflag:s13] =	ssyncset.done $0x0  }
0x2e2: {  	[sflag:s13] =	ssyncadd.s32 $0xFFFFFE00  }
0x2e3: {  	_ =	swait.ge [sflag:s13], $0x200  }
0x2e4: {  	[sflag:s13] =	ssyncset.done $0x0  }
0x2e5: {  	[sflag:s13] =	ssyncadd.s32 $0xFFFFFE00  }
0x2e6: {  	_ =	swait.ge [sflag:s13], $0x200  }
0x2e7: {  	[sflag:s13] =	ssyncset.done $0x0  }
0x2e8: {  	[sflag:s13] =	ssyncadd.s32 $0xFFFFFE00  }
0x2e9: {  	_ =	swait.ge [sflag:s13], $0x200  }
0x2ea: {  	[sflag:s13] =	ssyncset.done $0x0  }
0x2eb: {  	[sflag:s13] =	ssyncadd.s32 $0xFFFFFE00  }
0x2ec: {  	_ =	swait.ge [sflag:s13], $0x200  }
0x2ed: {  	[sflag:s13] =	ssyncset.done $0x0  }
0x2ee: {  	[sflag:s13] =	ssyncadd.s32 $0xFFFFFE00  }
0x2ef: {  	_ =	swait.ge [sflag:s13], $0x200  }
0x2f0: {  	[sflag:s13] =	ssyncset.done $0x0  }
0x2f1: {  	[sflag:s13] =	ssyncadd.s32 $0xFFFFFE00  }
0x2f2: {  	_ =	swait.ge [sflag:s13], $0x200  }
0x2f3: {  	[sflag:s13] =	ssyncset.done $0x0  }
0x2f4: {  	[sflag:s13] =	ssyncadd.s32 $0xFFFFFE00  }
0x2f5: {  	_ =	swait.ge [sflag:s13], $0x200  }
0x2f6: {  	[sflag:s13] =	ssyncset.done $0x0  }
0x2f7: {  	[sflag:s13] =	ssyncadd.s32 $0xFFFFFE00  }
0x2f8: {  	_ =	swait.ge [sflag:s13], $0x200  }
0x2f9: {  	[sflag:s13] =	ssyncset.done $0x0  }
0x2fa: {  	[sflag:s13] =	ssyncadd.s32 $0xFFFFFE00  }
0x2fb: {  	_ =	swait.ge [sflag:s13], $0x200  }
0x2fc: {  	[sflag:s13] =	ssyncset.done $0x0  }
0x2fd: {  	[sflag:s13] =	ssyncadd.s32 $0xFFFFFE00  }
0x2fe: {  	_ =	swait.ge [sflag:s13], $0x200  }
0x2ff: {  	[sflag:s13] =	ssyncset.done $0x0  }
0x300: {  	[sflag:s13] =	ssyncadd.s32 $0xFFFFFE00  }
0x301: {  	_ =	swait.ge [sflag:s13], $0x200  }
0x302: {  	[sflag:s13] =	ssyncset.done $0x0  }
0x303: {  	[sflag:s13] =	ssyncadd.s32 $0xFFFFFE00  }
0x304: {  	_ =	swait.ge [sflag:s13], $0x200  }
0x305: {  	[sflag:s13] =	ssyncset.done $0x0  }
0x306: {  	s7 =	simm.s32 $0x0;
	[sflag:s13] =	ssyncadd.s32 $0xFFFFFE00  }
0x307: {  	v0 =	vld [tilespmem:s7+$0x3600]  }
0x308: {  	s23 =	simm.s32 $0x40;
	v1 =	vld [tilespmem:s7+$0x3400]  }
.LBB3_4:
0x309: {  	p0 =	sne.s32 s23, $0x7C0;
	v2 =	vld [tilespmem:$0x8800]  }
0x30a: {  	v3 =	vld [tilespmem:s7+$0x9C00]  }
0x30b: {  	v4 =	vld [tilespmem:$0x8880]  }
0x30c: {  	v5 =	vld [tilespmem:s7+$0x3800]  }
0x30d: {  	v6 =	vld [tilespmem:$0x8900]  }
0x30e: {  	v1 =	vmul.f32 v2, v1;
	v2 =	vld [tilespmem:s7+$0x3A00]  }
0x30f: {  	v7 =	vld [tilespmem:$0x8980]  }
0x310: {  	v1 =	vadd.f32 v1, v3;
	v0 =	vmul.f32 v4, v0;
	v3 =	vld [tilespmem:s7+$0x3C00]  }
0x311: {  	v4 =	vld [tilespmem:$0x8A00]  }
0x312: {  	v0 =	vadd.f32 v0, v1;
	v1 =	vmul.f32 v6, v5;
	v5 =	vld [tilespmem:s7+$0x3E00]  }
0x313: {  	v6 =	vld [tilespmem:$0x8A80]  }
0x314: {  	v0 =	vadd.f32 v1, v0;
	v1 =	vmul.f32 v7, v2;
	v2 =	vld [tilespmem:s7+$0x4000]  }
0x315: {  	v7 =	vld [tilespmem:$0x8B00]  }
0x316: {  	v0 =	vadd.f32 v1, v0;
	v1 =	vmul.f32 v4, v3;
	v3 =	vld [tilespmem:s7+$0x4200]  }
0x317: {  	v4 =	vld [tilespmem:$0x8B80]  }
0x318: {  	v0 =	vadd.f32 v1, v0;
	v1 =	vmul.f32 v6, v5;
	v5 =	vld [tilespmem:s7+$0x4400]  }
0x319: {  	v6 =	vld [tilespmem:$0x8C00]  }
0x31a: {  	v0 =	vadd.f32 v1, v0;
	v1 =	vmul.f32 v7, v2;
	v2 =	vld [tilespmem:s7+$0x4600]  }
0x31b: {  	v7 =	vld [tilespmem:$0x8C80]  }
0x31c: {  	v0 =	vadd.f32 v1, v0;
	v1 =	vmul.f32 v4, v3;
	v3 =	vld [tilespmem:s7+$0x4800]  }
0x31d: {  	v4 =	vld [tilespmem:$0x8D00]  }
0x31e: {  	v0 =	vadd.f32 v1, v0;
	v1 =	vmul.f32 v6, v5;
	v5 =	vld [tilespmem:s7+$0x4A00]  }
0x31f: {  	v6 =	vld [tilespmem:$0x8D80]  }
0x320: {  	v0 =	vadd.f32 v1, v0;
	v1 =	vmul.f32 v7, v2;
	v2 =	vld [tilespmem:s7+$0x4C00]  }
0x321: {  	v7 =	vld [tilespmem:$0x8E00]  }
0x322: {  	v0 =	vadd.f32 v1, v0;
	v1 =	vmul.f32 v4, v3;
	v3 =	vld [tilespmem:s7+$0x4E00]  }
0x323: {  	v4 =	vld [tilespmem:$0x8E80]  }
0x324: {  	v0 =	vadd.f32 v1, v0;
	v1 =	vmul.f32 v6, v5;
	v5 =	vld [tilespmem:s7+$0x5000]  }
0x325: {  	v6 =	vld [tilespmem:$0x8F00]  }
0x326: {  	v0 =	vadd.f32 v1, v0;
	v1 =	vmul.f32 v7, v2;
	v2 =	vld [tilespmem:s7+$0x5200]  }
0x327: {  	v7 =	vld [tilespmem:$0x8F80]  }
0x328: {  	v0 =	vadd.f32 v1, v0;
	v1 =	vmul.f32 v4, v3;
	v3 =	vld [tilespmem:s7+$0x5400]  }
0x329: {  	v4 =	vld [tilespmem:$0x9000]  }
0x32a: {  	v0 =	vadd.f32 v1, v0;
	v1 =	vmul.f32 v6, v5;
	v5 =	vld [tilespmem:s7+$0x5600]  }
0x32b: {  	v6 =	vld [tilespmem:$0x9080]  }
0x32c: {  	v0 =	vadd.f32 v1, v0;
	v1 =	vmul.f32 v7, v2;
	v2 =	vld [tilespmem:s7+$0x5800]  }
0x32d: {  	v7 =	vld [tilespmem:$0x9100]  }
0x32e: {  	v0 =	vadd.f32 v1, v0;
	v1 =	vmul.f32 v4, v3;
	v3 =	vld [tilespmem:s7+$0x5A00]  }
0x32f: {  	v4 =	vld [tilespmem:$0x9180]  }
0x330: {  	v0 =	vadd.f32 v1, v0;
	v1 =	vmul.f32 v6, v5;
	v5 =	vld [tilespmem:s7+$0x5C00]  }
0x331: {  	v6 =	vld [tilespmem:$0x9200]  }
0x332: {  	v0 =	vadd.f32 v1, v0;
	v1 =	vmul.f32 v7, v2;
	v2 =	vld [tilespmem:s7+$0x5E00]  }
0x333: {  	v7 =	vld [tilespmem:$0x9280]  }
0x334: {  	v0 =	vadd.f32 v1, v0;
	v1 =	vmul.f32 v4, v3;
	v3 =	vld [tilespmem:s7+$0x6000]  }
0x335: {  	v4 =	vld [tilespmem:$0x9300]  }
0x336: {  	v0 =	vadd.f32 v1, v0;
	v1 =	vmul.f32 v6, v5;
	v5 =	vld [tilespmem:s7+$0x6200]  }
0x337: {  	v6 =	vld [tilespmem:$0x9380]  }
0x338: {  	v0 =	vadd.f32 v1, v0;
	v1 =	vmul.f32 v7, v2;
	v2 =	vld [tilespmem:s7+$0x6400]  }
0x339: {  	v7 =	vld [tilespmem:$0x9400]  }
0x33a: {  	v0 =	vadd.f32 v1, v0;
	v1 =	vmul.f32 v4, v3;
	v3 =	vld [tilespmem:s7+$0x6600]  }
0x33b: {  	v4 =	vld [tilespmem:$0x9480]  }
0x33c: {  	v0 =	vadd.f32 v1, v0;
	v1 =	vmul.f32 v6, v5;
	_ =	sdelay $0x1  }
0x33d: {  	v0 =	vadd.f32 v1, v0;
	v1 =	vmul.f32 v7, v2;
	_ =	sdelay $0x1  }
.Ltmp1:
0x33e: {  	v0 =	vadd.f32 v1, v0;
	v1 =	vmul.f32 v4, v3;
	(pc) =	sbr.rel @p0 .LBB3_4-.Ltmp1, $4  }
0x33f: {  	_ = 	snop  }
0x340: {  	s1 =	sshra.s32 s23, $0x2;
	v2 =	vadd.f32 v1, v0  }
0x341: {  	v0 =	vld [tilespmem:s1+$0x3600]  }
0x342: {  	s23 =	sadd.s32 $0x40, s23;
	v1 =	vld [tilespmem:s1+$0x3400];
	[tilespmem:s7+$0x9C00] =	vst v2;
	s7 =	smov.u32 s1  }
0x343: {  	v2 =	vld [tilespmem:$0x8800]  }
0x344: {  	v3 =	vld [tilespmem:s7+$0x9C00]  }
0x345: {  	v4 =	vld [tilespmem:$0x8880]  }
0x346: {  	v5 =	vld [tilespmem:s7+$0x3800]  }
0x347: {  	v6 =	vld [tilespmem:$0x8900]  }
0x348: {  	v50 =	vld [tilespmem:s7+$0x3A00];
	v1 =	vmul.f32 v2, v1  }
0x349: {  	v7 =	vld [tilespmem:$0x8980]  }
0x34a: {  	v51 =	vld [tilespmem:s7+$0x3C00];
	v0 =	vmul.f32 v4, v0;
	v1 =	vadd.f32 v1, v3  }
0x34b: {  	v52 =	vld [tilespmem:$0x8A00]  }
0x34c: {  	v54 =	vld [tilespmem:s7+$0x3E00];
	v53 =	vmul.f32 v6, v5;
	v0 =	vadd.f32 v0, v1  }
0x34d: {  	v55 =	vld [tilespmem:$0x8A80]  }
0x34e: {  	v57 =	vld [tilespmem:s7+$0x4000];
	v56 =	vmul.f32 v7, v50;
	v0 =	vadd.f32 v53, v0  }
0x34f: {  	v58 =	vld [tilespmem:$0x8B00]  }
0x350: {  	v60 =	vld [tilespmem:s7+$0x4200];
	v59 =	vmul.f32 v52, v51;
	v0 =	vadd.f32 v56, v0  }
0x351: {  	v61 =	vld [tilespmem:$0x8B80]  }
0x352: {  	v63 =	vld [tilespmem:s7+$0x4400];
	v62 =	vmul.f32 v55, v54;
	v0 =	vadd.f32 v59, v0  }
0x353: {  	v9 =	vld [tilespmem:$0x8C00]  }
0x354: {  	v11 =	vld [tilespmem:s7+$0x4600];
	v10 =	vmul.f32 v58, v57;
	v0 =	vadd.f32 v62, v0  }
0x355: {  	v12 =	vld [tilespmem:$0x8C80]  }
0x356: {  	v14 =	vld [tilespmem:s7+$0x4800];
	v13 =	vmul.f32 v61, v60;
	v0 =	vadd.f32 v10, v0  }
0x357: {  	v15 =	vld [tilespmem:$0x8D00]  }
0x358: {  	v17 =	vld [tilespmem:s7+$0x4A00];
	v16 =	vmul.f32 v9, v63;
	v0 =	vadd.f32 v13, v0  }
0x359: {  	v18 =	vld [tilespmem:$0x8D80]  }
0x35a: {  	v20 =	vld [tilespmem:s7+$0x4C00];
	v19 =	vmul.f32 v12, v11;
	v0 =	vadd.f32 v16, v0  }
0x35b: {  	v21 =	vld [tilespmem:$0x8E00]  }
0x35c: {  	v23 =	vld [tilespmem:s7+$0x4E00];
	v22 =	vmul.f32 v15, v14;
	v0 =	vadd.f32 v19, v0  }
0x35d: {  	v24 =	vld [tilespmem:$0x8E80]  }
0x35e: {  	v26 =	vld [tilespmem:s7+$0x5000];
	v25 =	vmul.f32 v18, v17;
	v0 =	vadd.f32 v22, v0  }
0x35f: {  	v27 =	vld [tilespmem:$0x8F00]  }
0x360: {  	v29 =	vld [tilespmem:s7+$0x5200];
	v28 =	vmul.f32 v21, v20;
	v0 =	vadd.f32 v25, v0  }
0x361: {  	v30 =	vld [tilespmem:$0x8F80]  }
0x362: {  	v32 =	vld [tilespmem:s7+$0x5400];
	v31 =	vmul.f32 v24, v23;
	v0 =	vadd.f32 v28, v0  }
0x363: {  	v33 =	vld [tilespmem:$0x9000]  }
0x364: {  	v35 =	vld [tilespmem:s7+$0x5600];
	v34 =	vmul.f32 v27, v26;
	v0 =	vadd.f32 v31, v0  }
0x365: {  	v36 =	vld [tilespmem:$0x9080]  }
0x366: {  	v38 =	vld [tilespmem:s7+$0x5800];
	v37 =	vmul.f32 v30, v29;
	v0 =	vadd.f32 v34, v0  }
0x367: {  	v39 =	vld [tilespmem:$0x9100]  }
0x368: {  	v41 =	vld [tilespmem:s7+$0x5A00];
	v40 =	vmul.f32 v33, v32;
	v0 =	vadd.f32 v37, v0  }
0x369: {  	v42 =	vld [tilespmem:$0x9180]  }
0x36a: {  	v44 =	vld [tilespmem:s7+$0x5C00];
	v43 =	vmul.f32 v36, v35;
	v0 =	vadd.f32 v40, v0  }
0x36b: {  	v45 =	vld [tilespmem:$0x9200]  }
0x36c: {  	v47 =	vld [tilespmem:s7+$0x5E00];
	v46 =	vmul.f32 v39, v38;
	v0 =	vadd.f32 v43, v0  }
0x36d: {  	v48 =	vld [tilespmem:$0x9280]  }
0x36e: {  	v49 =	vmul.f32 v42, v41;
	v50 =	vld [tilespmem:s7+$0x6000];
	v0 =	vadd.f32 v46, v0  }
0x36f: {  	v51 =	vld [tilespmem:$0x9300]  }
0x370: {  	v52 =	vmul.f32 v45, v44;
	v54 =	vld [tilespmem:$0x9380];
	v0 =	vadd.f32 v49, v0  }
0x371: {  	v53 =	vld [tilespmem:s7+$0x6200]  }
0x372: {  	v55 =	vmul.f32 v48, v47;
	v57 =	vld [tilespmem:$0x9400];
	v0 =	vadd.f32 v52, v0  }
0x373: {  	v56 =	vld [tilespmem:s7+$0x6400]  }
0x374: {  	v60 =	vld [tilespmem:$0x9480];
	v58 =	vmul.f32 v51, v50;
	v0 =	vadd.f32 v55, v0  }
0x375: {  	v59 =	vld [tilespmem:s7+$0x6600]  }
0x376: {  	v61 =	vmul.f32 v54, v53;
	v0 =	vadd.f32 v58, v0;
	_ =	sdelay $0x1  }
0x377: {  	v62 =	vmul.f32 v57, v56;
	v0 =	vadd.f32 v61, v0;
	_ =	sdelay $0x1  }
0x378: {  	v63 =	vmul.f32 v60, v59;
	v0 =	vadd.f32 v62, v0;
	_ =	sdelay $0x1  }
0x379: {  	s1 =	sld [smem:$0x7C6];
	v0 =	vadd.f32 v63, v0;
	_ =	sdelay $0x1  }
0x37a: {  	s18 =	simm.s32 $0x4;
	[tilespmem:s7+$0x9C00] =	vst v0  }
0x37b: {  	[hbm4b:s1+s0] =	stream.linear.scatter [tilespmem:s2], [sflag:$0x4], $0x200, $0x38;
	[tilespmem:$0x9E00] =	vst v63  }
0x37c: {  	_ =	swait.ge [sflag:s18], $0x200  }
0x37d: {  	s23 =	sld [smem:$0x7C9];
	_ =	sdelay $0x1  }
0x37e: {  	s17 =	sadd.s32 $0x1, s17  }
0x37f: {  	p0 =	sne.s32 s17, s23  }
.Ltmp2:
0x380: {  	_ = 	snop;
	(pc) =	sbr.rel @p0 .LBB3_1-.Ltmp2, $3  }
0x381: {  	_ =	sdelay $0x1  }
0x382: {  	[sflag:s18] =	ssyncset.done $0x0  }
0x383: {  	[sflag:s18] =	ssyncadd.s32 $0xFFFFFE00  }
0x384: {  	_ =	sfence.sel $0x180000  }
0x385: {  	[bflag:$0x0] =	sbarrier.arrive $0xFFFF  }
0x386: {  	_ =	strace $0x90000047  }
0x387: {  	s0 =	stileid.u32;
	[bflag:$0x2] =	sbarrier.arrive $0xFFFF  }
0x388: {  	p0 =	sne.s32 s0, $0x0;
	s0 =	sld [smem:$0x7C5];
	_ =	sdelay $0x2  }
0x389: {  	s0 =	sadd.s32 @!p0 $0x100000, s0  }
0x38a: {  	[sflag:s0] =	ssyncadd.tile.s32 @!p0 $0x1;
	_ =	shalt  }
.Lfunc_end3:
_tile_overlayer_lowered:
.L_overlay_start_3:
0x38b: {  	(tag) =	ssettag $0x3  }
0x38c: {  	s0 =	rddreg [dreg:$0x0];
	s2 =	stileid.u32  }
0x38d: {  	s1 =	rddreg [dreg:$0x1];
	p0 =	sne.s32 s2, $0x0  }
0x38e: {  	s3 =	rddreg [dreg:$0x2];
	[bflag:$0x3] =	sbarrier.arrive $0xFFFF;
	s2 =	simm.s32 @!p0 $0x1C04  }
0x38f: {  	[timem:s3], [sflag:s2] =	dma.local @!p0 [hbm:s0], s1  }
0x390: {  	s0 =	simm.s32 @!p0 $0x4  }
0x391: {  	_ =	swait.ge @!p0 [sflag:s0], s1  }
0x392: {  	s1 =	ssub.s32 @!p0 $0x0, s1;
	[sflag:s0] =	ssyncset.done @!p0 $0x0  }
0x393: {  	[sflag:s0] =	ssyncadd.s32 @!p0 s1  }
0x394: {  	[bflag:$0x3] =	sbarrier.arrive $0xFFFF  }
0x395: {  	_ =	shalt  }

</sc_bundles>
